<compile_context>
chip_gen: v7x
topology: tpu7x:2x2x1
jax: 0.10.2.dev20260603
libtpu: 0.0.44.dev20260713+nightly
codegen_flags: <defaults>
</compile_context>

<pallas_src>
import jax
import jax.numpy as jnp
from jax import lax
from jax.experimental import pallas as pl
from jax.experimental.pallas import tpu as pltpu
from jax.experimental.pallas import tpu_sc as plsc

NB = 64
NF = 1280
NG = 512
NIDS = 65536
LANES = 16



NQ = 4
CHUNK = 8192


def _sc_mask_body(aggr_hbm, mask_hbm, ids_v, mask_v):
    cid = lax.axis_index("c")
    sid = lax.axis_index("s")
    wid = sid * 2 + cid
    rg = wid // NQ
    q = wid % NQ
    zeros = jnp.zeros((LANES,), jnp.float32)
    ones = jnp.ones((LANES,), jnp.float32)

    for r in range(8):

        @plsc.parallel_loop(0, NF, step=LANES, unroll=8)
        def _zero(i):
            mask_v[r, pl.ds(i, LANES)] = zeros

    for cq in range(NIDS // NQ // CHUNK):
        col = q * (NIDS // NQ) + cq * CHUNK
        pltpu.sync_copy(aggr_hbm.at[pl.ds(rg * 8, 8), pl.ds(col, CHUNK)], ids_v)
        for r in range(8):
            row = jnp.full((LANES,), r, jnp.int32)

            @plsc.parallel_loop(0, CHUNK, step=LANES, unroll=16)
            def _scatter(i):
                idx = ids_v[r, pl.ds(i, LANES)]
                plsc.store_scatter(mask_v, [row, idx], ones)

    pltpu.sync_copy(mask_v, mask_hbm.at[q, pl.ds(rg * 8, 8)])


@jax.jit
def _sc_mask(aggr_info):
    mesh = plsc.VectorSubcoreMesh(core_axis_name="c", subcore_axis_name="s")
    return pl.kernel(
        _sc_mask_body,
        out_type=jax.ShapeDtypeStruct((NQ, NB, NF), jnp.float32),
        mesh=mesh,
        scratch_types=[
            pltpu.VMEM((8, CHUNK), jnp.int32),
            pltpu.VMEM((8, NF), jnp.float32),
        ],
        compiler_params=pltpu.CompilerParams(needs_layout_passes=False),
    )(aggr_info)



def _reduce_body(flow_ref, out_ref):
    for bb in range(4):
        s = flow_ref[bb, 0:128] + flow_ref[bb, 128:256]
        for half in (64, 32, 16, 8, 4, 2, 1):
            s = s[0:half] + s[half : 2 * half]
        out_ref[bb] = s[0] * jnp.float32(2.0 / NG)


@jax.jit
def _tc_reduce(flow4):
    return pl.pallas_call(
        _reduce_body,
        grid=(NB // 4,),
        in_specs=[pl.BlockSpec((4, NG // 2, 2, NF), lambda b: (b, 0, 0, 0))],
        out_specs=pl.BlockSpec((4, 2, NF), lambda b: (b, 0, 0)),
        out_shape=jax.ShapeDtypeStruct((NB, 2, NF), jnp.float32),
    )(flow4)



def _combine_body(avg_ref, prob_ref, mask_ref, out_ref):
    counts = (
        mask_ref[0] + mask_ref[1] + mask_ref[2] + mask_ref[3]
    )
    ind = jnp.where(counts > 0.0, jnp.float32(1.0), jnp.float32(0.0))
    d = (avg_ref[...] - prob_ref[...]) * ind[:, None, :]
    out_ref[0, 0] = jnp.sum(d * d) * jnp.float32(1.0 / (NB * NF * 2))


@jax.jit
def _tc_combine(avg_t, prob_t, mask):
    return pl.pallas_call(
        _combine_body,
        out_specs=pl.BlockSpec(memory_space=pltpu.SMEM),
        out_shape=jax.ShapeDtypeStruct((1, 1), jnp.float32),
    )(avg_t, prob_t, mask)


def kernel(flow, prob, aggr_info):
    flow4 = jnp.transpose(flow, (0, 2, 3, 4, 1)).reshape(NB, NG // 2, 2, NF)
    prob_t = jnp.transpose(prob, (0, 2, 1))
    mask = _sc_mask(aggr_info)
    avg_t = _tc_reduce(flow4)
    loss = _tc_combine(avg_t, prob_t, mask)[0, 0]
    avg10 = jnp.transpose(avg_t[0, :, 0:10])
    return (loss, avg10)

# --- scband reference (transcript-rebuilt; emitter-appended) ---
"""Pipeline reference for scband-tex-cycle-63771674411370 (READ-ONLY COPY).

The authoritative reference and input builder live on the scoring server;
editing this copy changes nothing except your own understanding.
"""

import jax, jax.numpy as jnp
import numpy as np


def setup_inputs(seed: int = 0) -> dict:
    key = jax.random.key(seed)
    k1, k2, k3 = jax.random.split(key, 3)
    flow = jax.random.normal(k1, (64, 1280, 16, 16, 2), dtype=jnp.float32)
    prob = jax.random.uniform(k2, (64, 1280, 2), dtype=jnp.float32)
    aggr_info = jax.random.randint(k3, (64, 65536), 0, 1280, dtype=jnp.int32)
    return {"flow": flow, "prob": prob, "aggr_info": aggr_info}


def reference(flow, prob, aggr_info):
    nb, nf = flow.shape[0], flow.shape[1]
    # flow: (nb, nf, nr, nr, 2) -> (nb, nf, nr*nr, 2)
    flow_grid = flow.reshape(nb, nf, -1, 2)
    avg_flow = jnp.mean(flow_grid, axis=2)  # (nb, nf, 2)
    # Build visibility mask: torch loop does mask[cnt, unique(aggr_info[cnt]), :] = 1.
    # Scatter-set with duplicates is identical to set on unique ids.
    batch_idx = jnp.broadcast_to(jnp.arange(nb, dtype=aggr_info.dtype)[:, None], aggr_info.shape)
    mask = jnp.zeros(avg_flow.shape, dtype=avg_flow.dtype)
    mask = mask.at[batch_idx, aggr_info].set(1.0)  # sets full trailing dim of size 2
    diff = avg_flow * mask - prob * mask
    loss = jnp.mean(diff * diff)  # MSELoss default reduction='mean'
    return (loss, avg_flow[0, 0:10, :])

if __name__ == "__main__":
    import jax
    _d = setup_inputs()
    print(jax.jit(kernel)(*tuple(_d.values())))

</pallas_src>

<mosaic_0001>
#map = affine_map<(d0, d1) -> (0, 0)>
#map1 = affine_map<(d0, d1) -> (0, 0, 0)>
module attributes {stable_mosaic.version = 14 : i64} {
  func.func @_sc_mask_body(%arg0: i32, %arg1: i32, %arg2: memref<64x65536xi32, #tpu.memory_space<hbm>>, %arg3: memref<4x64x1280xf32, #tpu.memory_space<hbm>>, %arg4: memref<8x8192xi32, #tpu.memory_space<vmem>>, %arg5: memref<8x1280xf32, #tpu.memory_space<vmem>>) attributes {dimension_semantics = [#tpu.dimension_semantics<core_parallel>, #tpu.dimension_semantics<subcore_parallel>], iteration_bounds = array<i64: 2, 16>, scalar_prefetch = 0 : i64, scratch_operands = 2 : i64, tpu.core_type = #tpu.core_type<sc_vector_subcore>, window_params = [{transform_indices = #map}, {transform_indices = #map1}]} {
    %mul3A = arith.constant 2 : i32
    %mul3A_0 = arith.muli %arg1, %mul3A : i32
    %add3A = arith.addi %mul3A_0, %arg0 : i32
    %jit3A = arith.constant 4 : i32
    %div3A = arith.divsi %add3A, %jit3A : i32
    %sign3A = arith.constant 0 : i32
    %sign3A_1 = arith.cmpi sgt, %add3A, %sign3A : i32
    %sign3A_2 = arith.extui %sign3A_1 : i1 to i32
    %sign3A_3 = arith.constant 0 : i32
    %sign3A_4 = arith.cmpi slt, %add3A, %sign3A_3 : i32
    %sign3A_5 = arith.extui %sign3A_4 : i1 to i32
    %sign3A_6 = arith.subi %sign3A_2, %sign3A_5 : i32
    %sign3A_7 = arith.constant 0 : i32
    %sign3A_8 = arith.cmpi sgt, %jit3A, %sign3A_7 : i32
    %sign3A_9 = arith.extui %sign3A_8 : i1 to i32
    %sign3A_10 = arith.constant 0 : i32
    %sign3A_11 = arith.cmpi slt, %jit3A, %sign3A_10 : i32
    %sign3A_12 = arith.extui %sign3A_11 : i1 to i32
    %sign3A_13 = arith.subi %sign3A_9, %sign3A_12 : i32
    %ne3A = arith.cmpi ne, %sign3A_6, %sign3A_13 : i32
    %rem3A = arith.remsi %add3A, %jit3A : i32
    %ne3A_14 = arith.constant 0 : i32
    %ne3A_15 = arith.cmpi ne, %rem3A, %ne3A_14 : i32
    %and3A = arith.andi %ne3A, %ne3A_15 : i1
    %sub3A = arith.constant 1 : i32
    %sub3A_16 = arith.subi %div3A, %sub3A : i32
    %select_n3A = arith.select %and3A, %sub3A_16, %div3A : i32
    %jit3A_17 = arith.constant 4 : i32
    %eq3A = arith.constant 0 : i32
    %eq3A_18 = arith.cmpi eq, %jit3A_17, %eq3A : i32
    %jit3A_19 = arith.constant 1 : i32
    %select_n3A_20 = arith.select %eq3A_18, %jit3A_19, %jit3A_17 : i32
    %rem3A_21 = arith.remsi %add3A, %select_n3A_20 : i32
    %ne3A_22 = arith.constant 0 : i32
    %ne3A_23 = arith.cmpi ne, %rem3A_21, %ne3A_22 : i32
    %lt3A = arith.constant 0 : i32
    %lt3A_24 = arith.cmpi slt, %rem3A_21, %lt3A : i32
    %lt3A_25 = arith.constant 0 : i32
    %lt3A_26 = arith.cmpi slt, %select_n3A_20, %lt3A_25 : i32
    %ne3A_27 = arith.xori %lt3A_24, %lt3A_26 : i1
    %and3A_28 = arith.andi %ne3A_27, %ne3A_23 : i1
    %add3A_29 = arith.addi %rem3A_21, %select_n3A_20 : i32
    %select_n3A_30 = arith.select %and3A_28, %add3A_29, %rem3A_21 : i32
    %broadcast_in_dim3A = arith.constant 0.000000e+00 : f32
    %broadcast_in_dim3A_31 = vector.broadcast %broadcast_in_dim3A : f32 to vector<16xf32>
    %broadcast_in_dim3A_32 = arith.constant 1.000000e+00 : f32
    %broadcast_in_dim3A_33 = vector.broadcast %broadcast_in_dim3A_32 : f32 to vector<16xf32>
    %parallel_loop3A = arith.constant 0 : i32
    %parallel_loop3A_34 = arith.constant 1280 : i32
    %parallel_loop3A_35 = arith.constant 16 : i32
    scf.for %parallel_loop3A_151 = %parallel_loop3A to %parallel_loop3A_34 step %parallel_loop3A_35  : i32 {
      %parallel_loop3A_152 = arith.constant 0 : i32
      %parallel_loop3A_153 = arith.index_cast %parallel_loop3A_152 : i32 to index
      %parallel_loop3A_154 = arith.index_cast %parallel_loop3A_151 : i32 to index
      %parallel_loop3A_155 = tpu.vector_load %arg5[%parallel_loop3A_153, %parallel_loop3A_154] {strides = array<i32>} : memref<8x1280xf32, #tpu.memory_space<vmem>>, vector<16xf32>,
      tpu.vector_store %arg5[%parallel_loop3A_153, %parallel_loop3A_154], %broadcast_in_dim3A_31 {strides = array<i32>} : memref<8x1280xf32, #tpu.memory_space<vmem>>, vector<16xf32>,
    } {sc.loop_unroll_factor = 8 : i64, sc.parallel_access}
    %parallel_loop3A_36 = arith.constant 0 : i32
    %parallel_loop3A_37 = arith.constant 1280 : i32
    %parallel_loop3A_38 = arith.constant 16 : i32
    scf.for %parallel_loop3A_151 = %parallel_loop3A_36 to %parallel_loop3A_37 step %parallel_loop3A_38  : i32 {
      %parallel_loop3A_152 = arith.constant 1 : i32
      %parallel_loop3A_153 = arith.index_cast %parallel_loop3A_152 : i32 to index
      %parallel_loop3A_154 = arith.index_cast %parallel_loop3A_151 : i32 to index
      %parallel_loop3A_155 = tpu.vector_load %arg5[%parallel_loop3A_153, %parallel_loop3A_154] {strides = array<i32>} : memref<8x1280xf32, #tpu.memory_space<vmem>>, vector<16xf32>,
      tpu.vector_store %arg5[%parallel_loop3A_153, %parallel_loop3A_154], %broadcast_in_dim3A_31 {strides = array<i32>} : memref<8x1280xf32, #tpu.memory_space<vmem>>, vector<16xf32>,
    } {sc.loop_unroll_factor = 8 : i64, sc.parallel_access}
    %parallel_loop3A_39 = arith.constant 0 : i32
    %parallel_loop3A_40 = arith.constant 1280 : i32
    %parallel_loop3A_41 = arith.constant 16 : i32
    scf.for %parallel_loop3A_151 = %parallel_loop3A_39 to %parallel_loop3A_40 step %parallel_loop3A_41  : i32 {
      %parallel_loop3A_152 = arith.constant 2 : i32
      %parallel_loop3A_153 = arith.index_cast %parallel_loop3A_152 : i32 to index
      %parallel_loop3A_154 = arith.index_cast %parallel_loop3A_151 : i32 to index
      %parallel_loop3A_155 = tpu.vector_load %arg5[%parallel_loop3A_153, %parallel_loop3A_154] {strides = array<i32>} : memref<8x1280xf32, #tpu.memory_space<vmem>>, vector<16xf32>,
      tpu.vector_store %arg5[%parallel_loop3A_153, %parallel_loop3A_154], %broadcast_in_dim3A_31 {strides = array<i32>} : memref<8x1280xf32, #tpu.memory_space<vmem>>, vector<16xf32>,
    } {sc.loop_unroll_factor = 8 : i64, sc.parallel_access}
    %parallel_loop3A_42 = arith.constant 0 : i32
    %parallel_loop3A_43 = arith.constant 1280 : i32
    %parallel_loop3A_44 = arith.constant 16 : i32
    scf.for %parallel_loop3A_151 = %parallel_loop3A_42 to %parallel_loop3A_43 step %parallel_loop3A_44  : i32 {
      %parallel_loop3A_152 = arith.constant 3 : i32
      %parallel_loop3A_153 = arith.index_cast %parallel_loop3A_152 : i32 to index
      %parallel_loop3A_154 = arith.index_cast %parallel_loop3A_151 : i32 to index
      %parallel_loop3A_155 = tpu.vector_load %arg5[%parallel_loop3A_153, %parallel_loop3A_154] {strides = array<i32>} : memref<8x1280xf32, #tpu.memory_space<vmem>>, vector<16xf32>,
      tpu.vector_store %arg5[%parallel_loop3A_153, %parallel_loop3A_154], %broadcast_in_dim3A_31 {strides = array<i32>} : memref<8x1280xf32, #tpu.memory_space<vmem>>, vector<16xf32>,
    } {sc.loop_unroll_factor = 8 : i64, sc.parallel_access}
    %parallel_loop3A_45 = arith.constant 0 : i32
    %parallel_loop3A_46 = arith.constant 1280 : i32
    %parallel_loop3A_47 = arith.constant 16 : i32
    scf.for %parallel_loop3A_151 = %parallel_loop3A_45 to %parallel_loop3A_46 step %parallel_loop3A_47  : i32 {
      %parallel_loop3A_152 = arith.constant 4 : i32
      %parallel_loop3A_153 = arith.index_cast %parallel_loop3A_152 : i32 to index
      %parallel_loop3A_154 = arith.index_cast %parallel_loop3A_151 : i32 to index
      %parallel_loop3A_155 = tpu.vector_load %arg5[%parallel_loop3A_153, %parallel_loop3A_154] {strides = array<i32>} : memref<8x1280xf32, #tpu.memory_space<vmem>>, vector<16xf32>,
      tpu.vector_store %arg5[%parallel_loop3A_153, %parallel_loop3A_154], %broadcast_in_dim3A_31 {strides = array<i32>} : memref<8x1280xf32, #tpu.memory_space<vmem>>, vector<16xf32>,
    } {sc.loop_unroll_factor = 8 : i64, sc.parallel_access}
    %parallel_loop3A_48 = arith.constant 0 : i32
    %parallel_loop3A_49 = arith.constant 1280 : i32
    %parallel_loop3A_50 = arith.constant 16 : i32
    scf.for %parallel_loop3A_151 = %parallel_loop3A_48 to %parallel_loop3A_49 step %parallel_loop3A_50  : i32 {
      %parallel_loop3A_152 = arith.constant 5 : i32
      %parallel_loop3A_153 = arith.index_cast %parallel_loop3A_152 : i32 to index
      %parallel_loop3A_154 = arith.index_cast %parallel_loop3A_151 : i32 to index
      %parallel_loop3A_155 = tpu.vector_load %arg5[%parallel_loop3A_153, %parallel_loop3A_154] {strides = array<i32>} : memref<8x1280xf32, #tpu.memory_space<vmem>>, vector<16xf32>,
      tpu.vector_store %arg5[%parallel_loop3A_153, %parallel_loop3A_154], %broadcast_in_dim3A_31 {strides = array<i32>} : memref<8x1280xf32, #tpu.memory_space<vmem>>, vector<16xf32>,
    } {sc.loop_unroll_factor = 8 : i64, sc.parallel_access}
    %parallel_loop3A_51 = arith.constant 0 : i32
    %parallel_loop3A_52 = arith.constant 1280 : i32
    %parallel_loop3A_53 = arith.constant 16 : i32
    scf.for %parallel_loop3A_151 = %parallel_loop3A_51 to %parallel_loop3A_52 step %parallel_loop3A_53  : i32 {
      %parallel_loop3A_152 = arith.constant 6 : i32
      %parallel_loop3A_153 = arith.index_cast %parallel_loop3A_152 : i32 to index
      %parallel_loop3A_154 = arith.index_cast %parallel_loop3A_151 : i32 to index
      %parallel_loop3A_155 = tpu.vector_load %arg5[%parallel_loop3A_153, %parallel_loop3A_154] {strides = array<i32>} : memref<8x1280xf32, #tpu.memory_space<vmem>>, vector<16xf32>,
      tpu.vector_store %arg5[%parallel_loop3A_153, %parallel_loop3A_154], %broadcast_in_dim3A_31 {strides = array<i32>} : memref<8x1280xf32, #tpu.memory_space<vmem>>, vector<16xf32>,
    } {sc.loop_unroll_factor = 8 : i64, sc.parallel_access}
    %parallel_loop3A_54 = arith.constant 0 : i32
    %parallel_loop3A_55 = arith.constant 1280 : i32
    %parallel_loop3A_56 = arith.constant 16 : i32
    scf.for %parallel_loop3A_151 = %parallel_loop3A_54 to %parallel_loop3A_55 step %parallel_loop3A_56  : i32 {
      %parallel_loop3A_152 = arith.constant 7 : i32
      %parallel_loop3A_153 = arith.index_cast %parallel_loop3A_152 : i32 to index
      %parallel_loop3A_154 = arith.index_cast %parallel_loop3A_151 : i32 to index
      %parallel_loop3A_155 = tpu.vector_load %arg5[%parallel_loop3A_153, %parallel_loop3A_154] {strides = array<i32>} : memref<8x1280xf32, #tpu.memory_space<vmem>>, vector<16xf32>,
      tpu.vector_store %arg5[%parallel_loop3A_153, %parallel_loop3A_154], %broadcast_in_dim3A_31 {strides = array<i32>} : memref<8x1280xf32, #tpu.memory_space<vmem>>, vector<16xf32>,
    } {sc.loop_unroll_factor = 8 : i64, sc.parallel_access}
    %mul3A_57 = arith.constant 16384 : i32
    %mul3A_58 = arith.muli %select_n3A_30, %mul3A_57 : i32
    %add3A_59 = arith.constant 0 : i32
    %add3A_60 = arith.addi %mul3A_58, %add3A_59 : i32
    %mul3A_61 = arith.constant 8 : i32
    %mul3A_62 = arith.muli %select_n3A, %mul3A_61 : i32
    "tpu.region"() ({
      %run_scoped3A = tpu.sem_alloc : memref<!tpu.dma_semaphore, #tpu.memory_space<semaphore_mem>>
      %dma_start3A = tpu.memref_slice %arg2[%mul3A_62, %add3A_60] : memref<64x65536xi32, #tpu.memory_space<hbm>> -> memref<8x8192xi32, #tpu.memory_space<hbm>>
      %dma_start3A_151 = tpu.memref_slice %arg2[%mul3A_62, %add3A_60] : memref<64x65536xi32, #tpu.memory_space<hbm>> -> memref<8x8192xi32, #tpu.memory_space<hbm>>
      tpu.enqueue_dma source(%dma_start3A_151 : memref<8x8192xi32, #tpu.memory_space<hbm>>) target(%arg4 : memref<8x8192xi32, #tpu.memory_space<vmem>>) target_semaphore(%run_scoped3A : memref<!tpu.dma_semaphore, #tpu.memory_space<semaphore_mem>>)
      %dma_wait3A = tpu.memref_slice %arg2[%mul3A_62, %add3A_60] : memref<64x65536xi32, #tpu.memory_space<hbm>> -> memref<8x8192xi32, #tpu.memory_space<hbm>>
      %dma_wait3A_152 = tpu.memref_slice %arg2[%mul3A_62, %add3A_60] : memref<64x65536xi32, #tpu.memory_space<hbm>> -> memref<8x8192xi32, #tpu.memory_space<hbm>>
      tpu.wait_dma2 semaphore(%run_scoped3A : memref<!tpu.dma_semaphore, #tpu.memory_space<semaphore_mem>>) src(%dma_wait3A_152 : memref<8x8192xi32, #tpu.memory_space<hbm>>) dst(%arg4 : memref<8x8192xi32, #tpu.memory_space<vmem>>)
      tpu.yield
    }) : () -> ()
    %broadcast_in_dim3A_63 = arith.constant 0 : i32
    %broadcast_in_dim3A_64 = vector.broadcast %broadcast_in_dim3A_63 : i32 to vector<16xi32>
    %parallel_loop3A_65 = arith.constant 0 : i32
    %parallel_loop3A_66 = arith.constant 8192 : i32
    %parallel_loop3A_67 = arith.constant 16 : i32
    scf.for %parallel_loop3A_151 = %parallel_loop3A_65 to %parallel_loop3A_66 step %parallel_loop3A_67  : i32 {
      %parallel_loop3A_152 = arith.constant 0 : i32
      %parallel_loop3A_153 = arith.index_cast %parallel_loop3A_152 : i32 to index
      %parallel_loop3A_154 = arith.index_cast %parallel_loop3A_151 : i32 to index
      %parallel_loop3A_155 = tpu.vector_load %arg4[%parallel_loop3A_153, %parallel_loop3A_154] {strides = array<i32>} : memref<8x8192xi32, #tpu.memory_space<vmem>>, vector<16xi32>,
      tpu.vector_store_idx %arg5[%broadcast_in_dim3A_64, %parallel_loop3A_155], %broadcast_in_dim3A_33 : memref<8x1280xf32, #tpu.memory_space<vmem>>[vector<16xi32>, vector<16xi32>], vector<16xf32>,
    } {sc.loop_unroll_factor = 16 : i64, sc.parallel_access}
    %broadcast_in_dim3A_68 = arith.constant 1 : i32
    %broadcast_in_dim3A_69 = vector.broadcast %broadcast_in_dim3A_68 : i32 to vector<16xi32>
    %parallel_loop3A_70 = arith.constant 0 : i32
    %parallel_loop3A_71 = arith.constant 8192 : i32
    %parallel_loop3A_72 = arith.constant 16 : i32
    scf.for %parallel_loop3A_151 = %parallel_loop3A_70 to %parallel_loop3A_71 step %parallel_loop3A_72  : i32 {
      %parallel_loop3A_152 = arith.constant 1 : i32
      %parallel_loop3A_153 = arith.index_cast %parallel_loop3A_152 : i32 to index
      %parallel_loop3A_154 = arith.index_cast %parallel_loop3A_151 : i32 to index
      %parallel_loop3A_155 = tpu.vector_load %arg4[%parallel_loop3A_153, %parallel_loop3A_154] {strides = array<i32>} : memref<8x8192xi32, #tpu.memory_space<vmem>>, vector<16xi32>,
      tpu.vector_store_idx %arg5[%broadcast_in_dim3A_69, %parallel_loop3A_155], %broadcast_in_dim3A_33 : memref<8x1280xf32, #tpu.memory_space<vmem>>[vector<16xi32>, vector<16xi32>], vector<16xf32>,
    } {sc.loop_unroll_factor = 16 : i64, sc.parallel_access}
    %broadcast_in_dim3A_73 = arith.constant 2 : i32
    %broadcast_in_dim3A_74 = vector.broadcast %broadcast_in_dim3A_73 : i32 to vector<16xi32>
    %parallel_loop3A_75 = arith.constant 0 : i32
    %parallel_loop3A_76 = arith.constant 8192 : i32
    %parallel_loop3A_77 = arith.constant 16 : i32
    scf.for %parallel_loop3A_151 = %parallel_loop3A_75 to %parallel_loop3A_76 step %parallel_loop3A_77  : i32 {
      %parallel_loop3A_152 = arith.constant 2 : i32
      %parallel_loop3A_153 = arith.index_cast %parallel_loop3A_152 : i32 to index
      %parallel_loop3A_154 = arith.index_cast %parallel_loop3A_151 : i32 to index
      %parallel_loop3A_155 = tpu.vector_load %arg4[%parallel_loop3A_153, %parallel_loop3A_154] {strides = array<i32>} : memref<8x8192xi32, #tpu.memory_space<vmem>>, vector<16xi32>,
      tpu.vector_store_idx %arg5[%broadcast_in_dim3A_74, %parallel_loop3A_155], %broadcast_in_dim3A_33 : memref<8x1280xf32, #tpu.memory_space<vmem>>[vector<16xi32>, vector<16xi32>], vector<16xf32>,
    } {sc.loop_unroll_factor = 16 : i64, sc.parallel_access}
    %broadcast_in_dim3A_78 = arith.constant 3 : i32
    %broadcast_in_dim3A_79 = vector.broadcast %broadcast_in_dim3A_78 : i32 to vector<16xi32>
    %parallel_loop3A_80 = arith.constant 0 : i32
    %parallel_loop3A_81 = arith.constant 8192 : i32
    %parallel_loop3A_82 = arith.constant 16 : i32
    scf.for %parallel_loop3A_151 = %parallel_loop3A_80 to %parallel_loop3A_81 step %parallel_loop3A_82  : i32 {
      %parallel_loop3A_152 = arith.constant 3 : i32
      %parallel_loop3A_153 = arith.index_cast %parallel_loop3A_152 : i32 to index
      %parallel_loop3A_154 = arith.index_cast %parallel_loop3A_151 : i32 to index
      %parallel_loop3A_155 = tpu.vector_load %arg4[%parallel_loop3A_153, %parallel_loop3A_154] {strides = array<i32>} : memref<8x8192xi32, #tpu.memory_space<vmem>>, vector<16xi32>,
      tpu.vector_store_idx %arg5[%broadcast_in_dim3A_79, %parallel_loop3A_155], %broadcast_in_dim3A_33 : memref<8x1280xf32, #tpu.memory_space<vmem>>[vector<16xi32>, vector<16xi32>], vector<16xf32>,
    } {sc.loop_unroll_factor = 16 : i64, sc.parallel_access}
    %broadcast_in_dim3A_83 = arith.constant 4 : i32
    %broadcast_in_dim3A_84 = vector.broadcast %broadcast_in_dim3A_83 : i32 to vector<16xi32>
    %parallel_loop3A_85 = arith.constant 0 : i32
    %parallel_loop3A_86 = arith.constant 8192 : i32
    %parallel_loop3A_87 = arith.constant 16 : i32
    scf.for %parallel_loop3A_151 = %parallel_loop3A_85 to %parallel_loop3A_86 step %parallel_loop3A_87  : i32 {
      %parallel_loop3A_152 = arith.constant 4 : i32
      %parallel_loop3A_153 = arith.index_cast %parallel_loop3A_152 : i32 to index
      %parallel_loop3A_154 = arith.index_cast %parallel_loop3A_151 : i32 to index
      %parallel_loop3A_155 = tpu.vector_load %arg4[%parallel_loop3A_153, %parallel_loop3A_154] {strides = array<i32>} : memref<8x8192xi32, #tpu.memory_space<vmem>>, vector<16xi32>,
      tpu.vector_store_idx %arg5[%broadcast_in_dim3A_84, %parallel_loop3A_155], %broadcast_in_dim3A_33 : memref<8x1280xf32, #tpu.memory_space<vmem>>[vector<16xi32>, vector<16xi32>], vector<16xf32>,
    } {sc.loop_unroll_factor = 16 : i64, sc.parallel_access}
    %broadcast_in_dim3A_88 = arith.constant 5 : i32
    %broadcast_in_dim3A_89 = vector.broadcast %broadcast_in_dim3A_88 : i32 to vector<16xi32>
    %parallel_loop3A_90 = arith.constant 0 : i32
    %parallel_loop3A_91 = arith.constant 8192 : i32
    %parallel_loop3A_92 = arith.constant 16 : i32
    scf.for %parallel_loop3A_151 = %parallel_loop3A_90 to %parallel_loop3A_91 step %parallel_loop3A_92  : i32 {
      %parallel_loop3A_152 = arith.constant 5 : i32
      %parallel_loop3A_153 = arith.index_cast %parallel_loop3A_152 : i32 to index
      %parallel_loop3A_154 = arith.index_cast %parallel_loop3A_151 : i32 to index
      %parallel_loop3A_155 = tpu.vector_load %arg4[%parallel_loop3A_153, %parallel_loop3A_154] {strides = array<i32>} : memref<8x8192xi32, #tpu.memory_space<vmem>>, vector<16xi32>,
      tpu.vector_store_idx %arg5[%broadcast_in_dim3A_89, %parallel_loop3A_155], %broadcast_in_dim3A_33 : memref<8x1280xf32, #tpu.memory_space<vmem>>[vector<16xi32>, vector<16xi32>], vector<16xf32>,
    } {sc.loop_unroll_factor = 16 : i64, sc.parallel_access}
    %broadcast_in_dim3A_93 = arith.constant 6 : i32
    %broadcast_in_dim3A_94 = vector.broadcast %broadcast_in_dim3A_93 : i32 to vector<16xi32>
    %parallel_loop3A_95 = arith.constant 0 : i32
    %parallel_loop3A_96 = arith.constant 8192 : i32
    %parallel_loop3A_97 = arith.constant 16 : i32
    scf.for %parallel_loop3A_151 = %parallel_loop3A_95 to %parallel_loop3A_96 step %parallel_loop3A_97  : i32 {
      %parallel_loop3A_152 = arith.constant 6 : i32
      %parallel_loop3A_153 = arith.index_cast %parallel_loop3A_152 : i32 to index
      %parallel_loop3A_154 = arith.index_cast %parallel_loop3A_151 : i32 to index
      %parallel_loop3A_155 = tpu.vector_load %arg4[%parallel_loop3A_153, %parallel_loop3A_154] {strides = array<i32>} : memref<8x8192xi32, #tpu.memory_space<vmem>>, vector<16xi32>,
      tpu.vector_store_idx %arg5[%broadcast_in_dim3A_94, %parallel_loop3A_155], %broadcast_in_dim3A_33 : memref<8x1280xf32, #tpu.memory_space<vmem>>[vector<16xi32>, vector<16xi32>], vector<16xf32>,
    } {sc.loop_unroll_factor = 16 : i64, sc.parallel_access}
    %broadcast_in_dim3A_98 = arith.constant 7 : i32
    %broadcast_in_dim3A_99 = vector.broadcast %broadcast_in_dim3A_98 : i32 to vector<16xi32>
    %parallel_loop3A_100 = arith.constant 0 : i32
    %parallel_loop3A_101 = arith.constant 8192 : i32
    %parallel_loop3A_102 = arith.constant 16 : i32
    scf.for %parallel_loop3A_151 = %parallel_loop3A_100 to %parallel_loop3A_101 step %parallel_loop3A_102  : i32 {
      %parallel_loop3A_152 = arith.constant 7 : i32
      %parallel_loop3A_153 = arith.index_cast %parallel_loop3A_152 : i32 to index
      %parallel_loop3A_154 = arith.index_cast %parallel_loop3A_151 : i32 to index
      %parallel_loop3A_155 = tpu.vector_load %arg4[%parallel_loop3A_153, %parallel_loop3A_154] {strides = array<i32>} : memref<8x8192xi32, #tpu.memory_space<vmem>>, vector<16xi32>,
      tpu.vector_store_idx %arg5[%broadcast_in_dim3A_99, %parallel_loop3A_155], %broadcast_in_dim3A_33 : memref<8x1280xf32, #tpu.memory_space<vmem>>[vector<16xi32>, vector<16xi32>], vector<16xf32>,
    } {sc.loop_unroll_factor = 16 : i64, sc.parallel_access}
    %mul3A_103 = arith.constant 16384 : i32
    %mul3A_104 = arith.muli %select_n3A_30, %mul3A_103 : i32
    %add3A_105 = arith.constant 8192 : i32
    %add3A_106 = arith.addi %mul3A_104, %add3A_105 : i32
    %mul3A_107 = arith.constant 8 : i32
    %mul3A_108 = arith.muli %select_n3A, %mul3A_107 : i32
    "tpu.region"() ({
      %run_scoped3A = tpu.sem_alloc : memref<!tpu.dma_semaphore, #tpu.memory_space<semaphore_mem>>
      %dma_start3A = tpu.memref_slice %arg2[%mul3A_108, %add3A_106] : memref<64x65536xi32, #tpu.memory_space<hbm>> -> memref<8x8192xi32, #tpu.memory_space<hbm>>
      %dma_start3A_151 = tpu.memref_slice %arg2[%mul3A_108, %add3A_106] : memref<64x65536xi32, #tpu.memory_space<hbm>> -> memref<8x8192xi32, #tpu.memory_space<hbm>>
      tpu.enqueue_dma source(%dma_start3A_151 : memref<8x8192xi32, #tpu.memory_space<hbm>>) target(%arg4 : memref<8x8192xi32, #tpu.memory_space<vmem>>) target_semaphore(%run_scoped3A : memref<!tpu.dma_semaphore, #tpu.memory_space<semaphore_mem>>)
      %dma_wait3A = tpu.memref_slice %arg2[%mul3A_108, %add3A_106] : memref<64x65536xi32, #tpu.memory_space<hbm>> -> memref<8x8192xi32, #tpu.memory_space<hbm>>
      %dma_wait3A_152 = tpu.memref_slice %arg2[%mul3A_108, %add3A_106] : memref<64x65536xi32, #tpu.memory_space<hbm>> -> memref<8x8192xi32, #tpu.memory_space<hbm>>
      tpu.wait_dma2 semaphore(%run_scoped3A : memref<!tpu.dma_semaphore, #tpu.memory_space<semaphore_mem>>) src(%dma_wait3A_152 : memref<8x8192xi32, #tpu.memory_space<hbm>>) dst(%arg4 : memref<8x8192xi32, #tpu.memory_space<vmem>>)
      tpu.yield
    }) : () -> ()
    %broadcast_in_dim3A_109 = arith.constant 0 : i32
    %broadcast_in_dim3A_110 = vector.broadcast %broadcast_in_dim3A_109 : i32 to vector<16xi32>
    %parallel_loop3A_111 = arith.constant 0 : i32
    %parallel_loop3A_112 = arith.constant 8192 : i32
    %parallel_loop3A_113 = arith.constant 16 : i32
    scf.for %parallel_loop3A_151 = %parallel_loop3A_111 to %parallel_loop3A_112 step %parallel_loop3A_113  : i32 {
      %parallel_loop3A_152 = arith.constant 0 : i32
      %parallel_loop3A_153 = arith.index_cast %parallel_loop3A_152 : i32 to index
      %parallel_loop3A_154 = arith.index_cast %parallel_loop3A_151 : i32 to index
      %parallel_loop3A_155 = tpu.vector_load %arg4[%parallel_loop3A_153, %parallel_loop3A_154] {strides = array<i32>} : memref<8x8192xi32, #tpu.memory_space<vmem>>, vector<16xi32>,
      tpu.vector_store_idx %arg5[%broadcast_in_dim3A_110, %parallel_loop3A_155], %broadcast_in_dim3A_33 : memref<8x1280xf32, #tpu.memory_space<vmem>>[vector<16xi32>, vector<16xi32>], vector<16xf32>,
    } {sc.loop_unroll_factor = 16 : i64, sc.parallel_access}
    %broadcast_in_dim3A_114 = arith.constant 1 : i32
    %broadcast_in_dim3A_115 = vector.broadcast %broadcast_in_dim3A_114 : i32 to vector<16xi32>
    %parallel_loop3A_116 = arith.constant 0 : i32
    %parallel_loop3A_117 = arith.constant 8192 : i32
    %parallel_loop3A_118 = arith.constant 16 : i32
    scf.for %parallel_loop3A_151 = %parallel_loop3A_116 to %parallel_loop3A_117 step %parallel_loop3A_118  : i32 {
      %parallel_loop3A_152 = arith.constant 1 : i32
      %parallel_loop3A_153 = arith.index_cast %parallel_loop3A_152 : i32 to index
      %parallel_loop3A_154 = arith.index_cast %parallel_loop3A_151 : i32 to index
      %parallel_loop3A_155 = tpu.vector_load %arg4[%parallel_loop3A_153, %parallel_loop3A_154] {strides = array<i32>} : memref<8x8192xi32, #tpu.memory_space<vmem>>, vector<16xi32>,
      tpu.vector_store_idx %arg5[%broadcast_in_dim3A_115, %parallel_loop3A_155], %broadcast_in_dim3A_33 : memref<8x1280xf32, #tpu.memory_space<vmem>>[vector<16xi32>, vector<16xi32>], vector<16xf32>,
    } {sc.loop_unroll_factor = 16 : i64, sc.parallel_access}
    %broadcast_in_dim3A_119 = arith.constant 2 : i32
    %broadcast_in_dim3A_120 = vector.broadcast %broadcast_in_dim3A_119 : i32 to vector<16xi32>
    %parallel_loop3A_121 = arith.constant 0 : i32
    %parallel_loop3A_122 = arith.constant 8192 : i32
    %parallel_loop3A_123 = arith.constant 16 : i32
    scf.for %parallel_loop3A_151 = %parallel_loop3A_121 to %parallel_loop3A_122 step %parallel_loop3A_123  : i32 {
      %parallel_loop3A_152 = arith.constant 2 : i32
      %parallel_loop3A_153 = arith.index_cast %parallel_loop3A_152 : i32 to index
      %parallel_loop3A_154 = arith.index_cast %parallel_loop3A_151 : i32 to index
      %parallel_loop3A_155 = tpu.vector_load %arg4[%parallel_loop3A_153, %parallel_loop3A_154] {strides = array<i32>} : memref<8x8192xi32, #tpu.memory_space<vmem>>, vector<16xi32>,
      tpu.vector_store_idx %arg5[%broadcast_in_dim3A_120, %parallel_loop3A_155], %broadcast_in_dim3A_33 : memref<8x1280xf32, #tpu.memory_space<vmem>>[vector<16xi32>, vector<16xi32>], vector<16xf32>,
    } {sc.loop_unroll_factor = 16 : i64, sc.parallel_access}
    %broadcast_in_dim3A_124 = arith.constant 3 : i32
    %broadcast_in_dim3A_125 = vector.broadcast %broadcast_in_dim3A_124 : i32 to vector<16xi32>
    %parallel_loop3A_126 = arith.constant 0 : i32
    %parallel_loop3A_127 = arith.constant 8192 : i32
    %parallel_loop3A_128 = arith.constant 16 : i32
    scf.for %parallel_loop3A_151 = %parallel_loop3A_126 to %parallel_loop3A_127 step %parallel_loop3A_128  : i32 {
      %parallel_loop3A_152 = arith.constant 3 : i32
      %parallel_loop3A_153 = arith.index_cast %parallel_loop3A_152 : i32 to index
      %parallel_loop3A_154 = arith.index_cast %parallel_loop3A_151 : i32 to index
      %parallel_loop3A_155 = tpu.vector_load %arg4[%parallel_loop3A_153, %parallel_loop3A_154] {strides = array<i32>} : memref<8x8192xi32, #tpu.memory_space<vmem>>, vector<16xi32>,
      tpu.vector_store_idx %arg5[%broadcast_in_dim3A_125, %parallel_loop3A_155], %broadcast_in_dim3A_33 : memref<8x1280xf32, #tpu.memory_space<vmem>>[vector<16xi32>, vector<16xi32>], vector<16xf32>,
    } {sc.loop_unroll_factor = 16 : i64, sc.parallel_access}
    %broadcast_in_dim3A_129 = arith.constant 4 : i32
    %broadcast_in_dim3A_130 = vector.broadcast %broadcast_in_dim3A_129 : i32 to vector<16xi32>
    %parallel_loop3A_131 = arith.constant 0 : i32
    %parallel_loop3A_132 = arith.constant 8192 : i32
    %parallel_loop3A_133 = arith.constant 16 : i32
    scf.for %parallel_loop3A_151 = %parallel_loop3A_131 to %parallel_loop3A_132 step %parallel_loop3A_133  : i32 {
      %parallel_loop3A_152 = arith.constant 4 : i32
      %parallel_loop3A_153 = arith.index_cast %parallel_loop3A_152 : i32 to index
      %parallel_loop3A_154 = arith.index_cast %parallel_loop3A_151 : i32 to index
      %parallel_loop3A_155 = tpu.vector_load %arg4[%parallel_loop3A_153, %parallel_loop3A_154] {strides = array<i32>} : memref<8x8192xi32, #tpu.memory_space<vmem>>, vector<16xi32>,
      tpu.vector_store_idx %arg5[%broadcast_in_dim3A_130, %parallel_loop3A_155], %broadcast_in_dim3A_33 : memref<8x1280xf32, #tpu.memory_space<vmem>>[vector<16xi32>, vector<16xi32>], vector<16xf32>,
    } {sc.loop_unroll_factor = 16 : i64, sc.parallel_access}
    %broadcast_in_dim3A_134 = arith.constant 5 : i32
    %broadcast_in_dim3A_135 = vector.broadcast %broadcast_in_dim3A_134 : i32 to vector<16xi32>
    %parallel_loop3A_136 = arith.constant 0 : i32
    %parallel_loop3A_137 = arith.constant 8192 : i32
    %parallel_loop3A_138 = arith.constant 16 : i32
    scf.for %parallel_loop3A_151 = %parallel_loop3A_136 to %parallel_loop3A_137 step %parallel_loop3A_138  : i32 {
      %parallel_loop3A_152 = arith.constant 5 : i32
      %parallel_loop3A_153 = arith.index_cast %parallel_loop3A_152 : i32 to index
      %parallel_loop3A_154 = arith.index_cast %parallel_loop3A_151 : i32 to index
      %parallel_loop3A_155 = tpu.vector_load %arg4[%parallel_loop3A_153, %parallel_loop3A_154] {strides = array<i32>} : memref<8x8192xi32, #tpu.memory_space<vmem>>, vector<16xi32>,
      tpu.vector_store_idx %arg5[%broadcast_in_dim3A_135, %parallel_loop3A_155], %broadcast_in_dim3A_33 : memref<8x1280xf32, #tpu.memory_space<vmem>>[vector<16xi32>, vector<16xi32>], vector<16xf32>,
    } {sc.loop_unroll_factor = 16 : i64, sc.parallel_access}
    %broadcast_in_dim3A_139 = arith.constant 6 : i32
    %broadcast_in_dim3A_140 = vector.broadcast %broadcast_in_dim3A_139 : i32 to vector<16xi32>
    %parallel_loop3A_141 = arith.constant 0 : i32
    %parallel_loop3A_142 = arith.constant 8192 : i32
    %parallel_loop3A_143 = arith.constant 16 : i32
    scf.for %parallel_loop3A_151 = %parallel_loop3A_141 to %parallel_loop3A_142 step %parallel_loop3A_143  : i32 {
      %parallel_loop3A_152 = arith.constant 6 : i32
      %parallel_loop3A_153 = arith.index_cast %parallel_loop3A_152 : i32 to index
      %parallel_loop3A_154 = arith.index_cast %parallel_loop3A_151 : i32 to index
      %parallel_loop3A_155 = tpu.vector_load %arg4[%parallel_loop3A_153, %parallel_loop3A_154] {strides = array<i32>} : memref<8x8192xi32, #tpu.memory_space<vmem>>, vector<16xi32>,
      tpu.vector_store_idx %arg5[%broadcast_in_dim3A_140, %parallel_loop3A_155], %broadcast_in_dim3A_33 : memref<8x1280xf32, #tpu.memory_space<vmem>>[vector<16xi32>, vector<16xi32>], vector<16xf32>,
    } {sc.loop_unroll_factor = 16 : i64, sc.parallel_access}
    %broadcast_in_dim3A_144 = arith.constant 7 : i32
    %broadcast_in_dim3A_145 = vector.broadcast %broadcast_in_dim3A_144 : i32 to vector<16xi32>
    %parallel_loop3A_146 = arith.constant 0 : i32
    %parallel_loop3A_147 = arith.constant 8192 : i32
    %parallel_loop3A_148 = arith.constant 16 : i32
    scf.for %parallel_loop3A_151 = %parallel_loop3A_146 to %parallel_loop3A_147 step %parallel_loop3A_148  : i32 {
      %parallel_loop3A_152 = arith.constant 7 : i32
      %parallel_loop3A_153 = arith.index_cast %parallel_loop3A_152 : i32 to index
      %parallel_loop3A_154 = arith.index_cast %parallel_loop3A_151 : i32 to index
      %parallel_loop3A_155 = tpu.vector_load %arg4[%parallel_loop3A_153, %parallel_loop3A_154] {strides = array<i32>} : memref<8x8192xi32, #tpu.memory_space<vmem>>, vector<16xi32>,
      tpu.vector_store_idx %arg5[%broadcast_in_dim3A_145, %parallel_loop3A_155], %broadcast_in_dim3A_33 : memref<8x1280xf32, #tpu.memory_space<vmem>>[vector<16xi32>, vector<16xi32>], vector<16xf32>,
    } {sc.loop_unroll_factor = 16 : i64, sc.parallel_access}
    %mul3A_149 = arith.constant 8 : i32
    %mul3A_150 = arith.muli %select_n3A, %mul3A_149 : i32
    "tpu.region"() ({
      %run_scoped3A = tpu.sem_alloc : memref<!tpu.dma_semaphore, #tpu.memory_space<semaphore_mem>>
      %dma_start3A = arith.constant 0 : i32
      %dma_start3A_151 = tpu.memref_slice %arg3[%select_n3A_30, %mul3A_150, %dma_start3A] : memref<4x64x1280xf32, #tpu.memory_space<hbm>> -> memref<1x8x1280xf32, #tpu.memory_space<hbm>>
      %dma_start3A_152 = tpu.memref_squeeze %dma_start3A_151 : memref<1x8x1280xf32, #tpu.memory_space<hbm>> -> memref<8x1280xf32, #tpu.memory_space<hbm>>
      %dma_start3A_153 = arith.constant 0 : i32
      %dma_start3A_154 = tpu.memref_slice %arg3[%select_n3A_30, %mul3A_150, %dma_start3A_153] : memref<4x64x1280xf32, #tpu.memory_space<hbm>> -> memref<1x8x1280xf32, #tpu.memory_space<hbm>>
      %dma_start3A_155 = tpu.memref_squeeze %dma_start3A_154 : memref<1x8x1280xf32, #tpu.memory_space<hbm>> -> memref<8x1280xf32, #tpu.memory_space<hbm>>
      tpu.enqueue_dma source(%arg5 : memref<8x1280xf32, #tpu.memory_space<vmem>>) target(%dma_start3A_155 : memref<8x1280xf32, #tpu.memory_space<hbm>>) target_semaphore(%run_scoped3A : memref<!tpu.dma_semaphore, #tpu.memory_space<semaphore_mem>>)
      %dma_wait3A = arith.constant 0 : i32
      %dma_wait3A_156 = tpu.memref_slice %arg3[%select_n3A_30, %mul3A_150, %dma_wait3A] : memref<4x64x1280xf32, #tpu.memory_space<hbm>> -> memref<1x8x1280xf32, #tpu.memory_space<hbm>>
      %dma_wait3A_157 = tpu.memref_squeeze %dma_wait3A_156 : memref<1x8x1280xf32, #tpu.memory_space<hbm>> -> memref<8x1280xf32, #tpu.memory_space<hbm>>
      %dma_wait3A_158 = arith.constant 0 : i32
      %dma_wait3A_159 = tpu.memref_slice %arg3[%select_n3A_30, %mul3A_150, %dma_wait3A_158] : memref<4x64x1280xf32, #tpu.memory_space<hbm>> -> memref<1x8x1280xf32, #tpu.memory_space<hbm>>
      %dma_wait3A_160 = tpu.memref_squeeze %dma_wait3A_159 : memref<1x8x1280xf32, #tpu.memory_space<hbm>> -> memref<8x1280xf32, #tpu.memory_space<hbm>>
      tpu.wait_dma2 semaphore(%run_scoped3A : memref<!tpu.dma_semaphore, #tpu.memory_space<semaphore_mem>>) src(%arg5 : memref<8x1280xf32, #tpu.memory_space<vmem>>) dst(%dma_wait3A_160 : memref<8x1280xf32, #tpu.memory_space<hbm>>)
      tpu.yield
    }) : () -> ()
    return
  }
}

</mosaic_0001>

<sc_bundles>
// kernel: _sc_mask.3.cloned.1.call-start
scs
__scs_entry_jumppad:
0x0: {  	(pc) =	sbr.rel $0x88, $3  }
0x1: {  	(tag) =	ssettag $0x0;
	lr =	simm.s32 $0x1  }
0x2: {  	[smem:$0x3FA0] =	sst lr;
	_ =	strace $0xD0000000  }
0x3: {  	_ = 	snop  }
0x4: {  	_ = 	snop  }
0x5: {  	_ = 	snop  }
0x6: {  	_ = 	snop  }
0x7: {  	_ = 	snop  }
__scs_overlays_trampoline_lowered:
0x8: {  	[smem:$0x3FAF] =	sst s0  }
0x9: {  	[smem:$0x3FB0] =	sst s1  }
0xa: {  	[smem:$0x3FB1] =	sst s2  }
0xb: {  	[smem:$0x3FB2] =	sst s3  }
0xc: {  	[smem:$0x3FB3] =	sst s4  }
0xd: {  	[smem:$0x3FB4] =	sst s5  }
0xe: {  	[smem:$0x3FB5] =	sst s6  }
0xf: {  	[smem:$0x3FB6] =	sst s7  }
0x10: {  	[smem:$0x3FB7] =	sst s8  }
0x11: {  	[smem:$0x3FB8] =	sst s9;
	s0 =	simm.s32 @!p0 $0x0  }
0x12: {  	s1 =	sld [smem:$0x3F9E];
	s0 =	simm.s32 @p0 $0x1  }
0x13: {  	[smem:$0x3FB9] =	sst s0;
	s0 =	simm.s32 @!p1 $0x0  }
0x14: {  	s2 =	sld [smem:$0x3F9D];
	s0 =	simm.s32 @p1 $0x1  }
0x15: {  	[smem:$0x3FBA] =	sst s0;
	s0 =	simm.s32 @!p2 $0x0  }
0x16: {  	s3 =	sld [smem:$0x3FDB];
	s0 =	simm.s32 @p2 $0x1  }
0x17: {  	s4 =	simm.s32 $0x1BF5;
	[smem:$0x3FBC] =	sst s0  }
0x18: {  	s0 =	sld [smem:$0x3F9F];
	_ =	swait.ge [sflag:s4], $0x0  }
0x19: {  	s7 =	sld [smem:$0x3FA0]  }
0x1a: {  	s8 =	sadd.s32 $0xFFFFE003, lr  }
0x1b: {  	s9 =	sadd.s32 $0xFFFFFEF7, lr;
	s5 =	simm.s32 $0xFFFFFFFF;
	p2 =	slt.u32 s8, $0xFFFFF086  }
0x1c: {  	p1 =	slt.u32 s9, $0xF7A;
	s5 =	simm.s32 @!p2 $0x0  }
0x1d: {  	s5 =	simm.s32 @p1 $0x1;
	p0 =	seq.s32 s7, s2  }
0x1e: {  	s7 =	smul.u32 @!p0 $0xF7A, s2;
	p2 =	seq.s32 @!p0 s5, $0x0  }
0x1f: {  	s9 =	smul.u32 $0xF7A, s1;
	s8 =	simm.s32 @!p0 $0x1BF5;
	p2 =	por !p2, p0  }
0x20: {  	[sflag:s8] =	ssyncset.s32 @!p0 $0xFFFFF086;
	s6 =	sadd.s32 @!p0 s3, s7;
	s7 =	simm.s32 @!p0 $0x108  }
0x21: {  	s3 =	sadd.s32 s3, s9;
	s6 =	sadd.s32 @!p0 $0x88, s6;
	s7 =	simm.s32 @p2 $0x1082  }
0x22: {  	[simem:s7], [sflag:s8] =	dma.local @!p0 [hbm:s6], $0xF7A  }
0x23: {  	s9 =	sor.u32 $0xD0000000, s2;
	s6 =	simm.s32 $0x108;
	_ =	swait.ge @!p0 [sflag:s8], $0x0  }
0x24: {  	s3 =	sadd.s32 $0x88, s3;
	s6 =	simm.s32 @!p1 $0x1082;
	[sflag:s4] =	ssyncset.s32 $0xFFFFF086  }
0x25: {  	[simem:s6], [sflag:s4] =	dma.local [hbm:s3], $0xF7A  }
0x26: {  	[smem:$0x3FA0] =	sst s1;
	(tag) =	ssettag s2;
	_ =	strace s9  }
0x27: {  	s1 =	sld [smem:$0x3FB0]  }
0x28: {  	s2 =	sld [smem:$0x3FB1]  }
0x29: {  	s4 =	sld [smem:$0x3FB3]  }
0x2a: {  	p0 =	seq.s32 s5, $0x0;
	s5 =	sld [smem:$0x3FB4]  }
0x2b: {  	s6 =	sld [smem:$0x3FB5]  }
0x2c: {  	s7 =	sld [smem:$0x3FB6]  }
0x2d: {  	s3 =	simm.s32 $0x108;
	s8 =	sld [smem:$0x3FB7]  }
0x2e: {  	s3 =	simm.s32 @!p0 $0x1082;
	s9 =	sld [smem:$0x3FB8]  }
0x2f: {  	lr =	sadd.s32 s0, s3;
	s0 =	sld [smem:$0x3FAF]  }
0x30: {  	s3 =	sld [smem:$0x3FB2]  }
0x31: {  	[smem:$0x3FBB] =	sst s10  }
0x32: {  	s10 =	sld [smem:$0x3FB9];
	_ =	sdelay $0x3  }
0x33: {  	p0 =	seq.s32 s10, $0x1;
	s10 =	sld [smem:$0x3FBB];
	_ =	sdelay $0x3  }
0x34: {  	[smem:$0x3FBB] =	sst s10  }
0x35: {  	s10 =	sld [smem:$0x3FBA];
	_ =	sdelay $0x3  }
0x36: {  	p1 =	seq.s32 s10, $0x1;
	s10 =	sld [smem:$0x3FBB];
	_ =	sdelay $0x3  }
0x37: {  	[smem:$0x3FBB] =	sst s10  }
0x38: {  	s10 =	sld [smem:$0x3FBC]  }
0x39: {  	_ = 	snop;
	(pc) =	sbr.ind lr, $3  }
0x3a: {  	_ = 	snop  }
0x3b: {  	_ = 	snop  }
0x3c: {  	p2 =	seq.s32 s10, $0x1;
	s10 =	sld [smem:$0x3FBB]  }
0x3d: {  	_ =	shalt  }
0x3e: {  	_ =	shalt  }
0x3f: {  	_ =	shalt  }
0x40: {  	_ =	shalt  }
0x41: {  	_ =	shalt  }
0x42: {  	_ =	shalt  }
0x43: {  	_ =	shalt  }
0x44: {  	_ =	shalt  }
0x45: {  	_ =	shalt  }
0x46: {  	_ =	shalt  }
0x47: {  	_ =	shalt  }
0x48: {  	_ =	shalt  }
0x49: {  	_ =	shalt  }
0x4a: {  	_ =	shalt  }
0x4b: {  	_ =	shalt  }
0x4c: {  	_ =	shalt  }
0x4d: {  	_ =	shalt  }
0x4e: {  	_ =	shalt  }
0x4f: {  	_ =	shalt  }
0x50: {  	_ =	shalt  }
0x51: {  	_ =	shalt  }
0x52: {  	_ =	shalt  }
0x53: {  	_ =	shalt  }
0x54: {  	_ =	shalt  }
0x55: {  	_ =	shalt  }
0x56: {  	_ =	shalt  }
0x57: {  	_ =	shalt  }
0x58: {  	_ =	shalt  }
0x59: {  	_ =	shalt  }
0x5a: {  	_ =	shalt  }
0x5b: {  	_ =	shalt  }
0x5c: {  	_ =	shalt  }
0x5d: {  	_ =	shalt  }
0x5e: {  	_ =	shalt  }
0x5f: {  	_ =	shalt  }
0x60: {  	_ =	shalt  }
0x61: {  	_ =	shalt  }
0x62: {  	_ =	shalt  }
0x63: {  	_ =	shalt  }
0x64: {  	_ =	shalt  }
0x65: {  	_ =	shalt  }
0x66: {  	_ =	shalt  }
0x67: {  	_ =	shalt  }
0x68: {  	_ =	shalt  }
0x69: {  	_ =	shalt  }
0x6a: {  	_ =	shalt  }
0x6b: {  	_ =	shalt  }
0x6c: {  	_ =	shalt  }
0x6d: {  	_ =	shalt  }
0x6e: {  	_ =	shalt  }
0x6f: {  	_ =	shalt  }
0x70: {  	_ =	shalt  }
0x71: {  	_ =	shalt  }
0x72: {  	_ =	shalt  }
0x73: {  	_ =	shalt  }
0x74: {  	_ =	shalt  }
0x75: {  	_ =	shalt  }
0x76: {  	_ =	shalt  }
0x77: {  	_ =	shalt  }
0x78: {  	_ =	shalt  }
0x79: {  	_ =	shalt  }
0x7a: {  	_ =	shalt  }
0x7b: {  	_ =	shalt  }
0x7c: {  	_ =	shalt  }
0x7d: {  	_ =	shalt  }
0x7e: {  	_ =	shalt  }
0x7f: {  	_ =	shalt  }
0x80: {  	_ =	shalt  }
0x81: {  	_ =	shalt  }
0x82: {  	_ =	shalt  }
0x83: {  	_ =	shalt  }
0x84: {  	_ =	shalt  }
0x85: {  	_ =	shalt  }
0x86: {  	_ =	shalt  }
0x87: {  	_ =	shalt  }
.Lfunc_end0:
.L_simem_size_0:
called_computation_lowered:
.L_overlay_start_0:
0x88: {  	s2 =	sld [smem:$0x3FD9]  }
0x89: {  	s3 =	sld [smem:$0x3FFE];
	_ =	sdelay $0x1  }
0x8a: {  	s1 =	srdreg.scid  }
0x8b: {  	s0 =	sand.u32 $0x1, s1  }
0x8c: {  	s18 =	sshll.u32 s0, $0xA;
	s2 =	sadd.s32 s3, s2  }
0x8d: {  	s2 =	sadd.s32 s2, s18  }
0x8e: {  	[smem:$0x3FC7] =	sst s2  }
0x8f: {  	_ = 	snop  }
0x90: {  	s2 =	sld [smem:$0x3FC9]  }
0x91: {  	s19 =	sld [smem:$0x3FD0];
	(tm) =	ssettm $0x1  }
0x92: {  	s4 =	sld [smem:$0x3FFB];
	_ =	sdelay $0x3  }
0x93: {  	_ =	strace s4  }
0x94: {  	s4 =	sld [smem:$0x3FFC];
	_ =	sdelay $0x3  }
0x95: {  	_ =	strace s4  }
0x96: {  	s4 =	sld [smem:$0x3FFD];
	_ =	sdelay $0x3  }
0x97: {  	_ =	strace s4  }
0x98: {  	_ =	strace $0x8FFFFFFF  }
0x99: {  	s20 =	sld [smem:$0x3FDB];
	_ =	sdelay $0x1  }
0x9a: {  	s5 =	simm.s32 $_scs_section_size  }
0x9b: {  	s6 =	simm.s32 $_size__tile_overlayer_lowered;
	s7 =	simm.s32 $_tile_overlayer_lowered  }
0x9c: {  	s23 =	simm.s32 $0x1BFF;
	s22 =	sshll.u32 s7, $0x1;
	s4 =	sadd.s32 s5, s20  }
0x9d: {  	s8 =	simm.s32 $0x0;
	s21 =	sshll.u32 s6, $0x1;
	s6 =	sadd.s32 s22, s4  }
0x9e: {  	[timem:s8], [sflag:s23] =	dma.local [hbm:s6], s21  }
0x9f: {  	_ =	swait.ge [sflag:s23], s21  }
0xa0: {  	s5 =	ssub.s32 $0x0, s21;
	[sflag:s23] =	ssyncset.done $0x0  }
0xa1: {  	[sflag:s23] =	ssyncadd.s32 s5;
	_ =	sdelay $0x1  }
0xa2: {  	s24 =	simm.s32 $0x1B8B  }
0xa3: {  	_ =	swait.ge [sflag:s24], $0x1  }
0xa4: {  	[sflag:s24] =	ssyncset.done $0x0  }
0xa5: {  	s25 =	simm.s32 $0x1B8E;
	[sflag:s24] =	ssyncadd.s32 $0xFFFFFFFF  }
0xa6: {  	s26 =	simm.s32 $execute0_lowered;
	[smem:$0x3FD2] =	sst s25  }
0xa7: {  	s5 =	sshll.u32 s26, $0x1;
	_ =	strace $0x80000046;
	[dreg:$0x1] =	wrdreg $0xFFFFFFFF  }
0xa8: {  	s28 =	simm.s32 $_size_execute0_lowered;
	s4 =	sadd.s32 s4, s5;
	[dreg:$0x0] =	wrdreg $0x0  }
0xa9: {  	s5 =	sshll.u32 s28, $0x1;
	[dreg:$0x2] =	wrdreg s4  }
0xaa: {  	[dreg:$0x3] =	wrdreg s5  }
0xab: {  	[dreg:$0x4] =	wrdreg $0xC0  }
0xac: {  	_ =	task [dreg:s8], $0x5FFFF  }
0xad: {  	[dreg:$0x1] =	wrdreg $0xFFFFFFFF  }
0xae: {  	[dreg:$0x0] =	wrdreg $0x60  }
0xaf: {  	[dreg:$0x2] =	wrdreg s2  }
0xb0: {  	[dreg:$0x3] =	wrdreg s19  }
0xb1: {  	[dreg:$0x4] =	wrdreg $0x9  }
0xb2: {  	_ =	task.clear_ibuf [dreg:s8], $0x5FFFF;
	_ =	strace $0x90000046  }
0xb3: {  	s29 =	simm.s32 $0x9;
	_ =	strace $0x80000048  }
0xb4: {  	_ =	swait.ge [sflag:s29], $0x1  }
0xb5: {  	[sflag:s29] =	ssyncadd.s32 $0xFFFFFFFF  }
0xb6: {  	_ =	strace $0x90000048  }
0xb7: {  	_ =	sfence  }
0xb8: {  	s30 =	sld [smem:$0x0];
	_ =	sdelay $0x2  }
0xb9: {  	s31 =	sshll.u32 s1, $0xD;
	s1 =	sshrl.u32 s1, $0x2  }
0xba: {  	s3 =	sand.u32 $0x4000, s31;
	s1 =	sadd.s32 s1, s30  }
0xbb: {  	s0 =	sor.u32 s3, s0;
	s1 =	sshll.u32 s1, $0x11  }
0xbc: {  	s0 =	sor.u32 s1, s0  }
0xbd: {  	s0 =	sadd.s32 $0x8F2B, s0  }
0xbe: {  	[sflag:s0] =	ssyncadd.remote.s32 $0x1  }
0xbf: {  	_ =	sfence.sel $0xFFFF  }
0xc0: {  	[dreg:$0x0] =	wrdreg $0xFFFFFFFF;
	(pc) =	sbr.abs _section_cstart, $3  }
0xc1: {  	[dreg:$0x1] =	wrdreg $0xFFFFFFFF  }
0xc2: {  	_ =	task.clear_ibuf [dreg:s8], $0x2FFFF;
	_ =	strace $0x9FFFFFFF  }
0xc3: {  	(tm) =	ssettm $0x7FFFFFFF  }
tec
execute0_lowered:
.L_overlay_start_1:
0x0: {  	(tag) =	ssettag $0x1  }
0x1: {  	s0 =	stileid.u32  }
0x2: {  	s3 =	rddreg [dreg:$0x0];
	s1 =	srdreg.scid  }
0x3: {  	s5 =	rddreg [dreg:$0x1];
	s2 =	sshll.u32 s0, $0x1;
	s4 =	sand.u32 $0x1, s1  }
0x4: {  	s1 =	rddreg [dreg:$0x2];
	s7 =	sshrl.u32 s0, $0x1;
	s6 =	sand.u32 $0x2, s2  }
0x5: {  	s2 =	simm.s32 $0x0;
	s9 =	smul.u32 $0x2800, s7;
	s7 =	sshll.u32 s7, $0x10  }
0x6: {  	s6 =	sor.u32 s4, s6;
	[smem:$0x7FF] =	sst s2;
	s4 =	ssub.s32 $0x2, s4  }
0x7: {  	s8 =	smul.u32 $0x14000, s6;
	s6 =	sshll.u32 s6, $0xE;
	s30 =	sshrl.u32 s4, $0x1  }
0x8: {  	_ =	strace $0x80000047;
	s6 =	sor.u32 s7, s6;
	s7 =	ssub.s32 s4, s30  }
0x9: {  	s8 =	sadd.s32 s9, s8;
	s3 =	sadd.s32 s3, s6;
	s6 =	smax.u32 s7, $0x1  }
0xa: {  	s7 =	simm.s32 $0x1;
	s9 =	simm.s32 $0x0;
	s31 =	sshrl.u32 s8, $0x3  }
0xb: {  	v0 =	vimm.f32 $0.0e+00;
	v1 =	vimm.f32 $1.000000000e+00;
	s4 =	sadd.s32 $0x2000, s3;
	s8 =	simm.s32 $0x10000;
	s5 =	sadd.s32 s5, s31  }
.LBB2_1:
0xc: {  	s10 =	simm.s32 $0x10040  }
0xd: {  	[tilespmem:s10+$0xFFFFFFC0] =	vst v0  }
0xe: {  	[tilespmem:s10+$0x30] =	vst v0  }
0xf: {  	[tilespmem:s10+$0x20] =	vst v0  }
0x10: {  	[tilespmem:s10+$0x10] =	vst v0  }
0x11: {  	[tilespmem:s10+$0x0] =	vst v0  }
0x12: {  	[tilespmem:s10+$0xFFFFFFF0] =	vst v0  }
0x13: {  	s12 =	simm.s32 $0x0;
	[tilespmem:s10+$0xFFFFFFE0] =	vst v0  }
.LBB2_2:
0x14: {  	s12 =	sadd.s32 $0x80, s12;
	[tilespmem:s10+$0xFFFFFFD0] =	vst v0;
	s10 =	sadd.s32 $0x400, s10;
	s11 =	simm.s32 $0x100F0  }
0x15: {  	[tilespmem:s10+$0xFFFFFFC0] =	vst v0;
	p0 =	slt.u32 s12, $0x480  }
0x16: {  	[tilespmem:s10+$0x30] =	vst v0  }
.Ltmp0:
0x17: {  	[tilespmem:s10+$0x20] =	vst v0;
	(pc) =	sbr.rel @p0 .LBB2_2-.Ltmp0, $4  }
0x18: {  	[tilespmem:s10+$0x10] =	vst v0  }
0x19: {  	[tilespmem:s10+$0x0] =	vst v0  }
0x1a: {  	[tilespmem:s10+$0xFFFFFFF0] =	vst v0  }
0x1b: {  	[tilespmem:s10+$0xFFFFFFE0] =	vst v0  }
0x1c: {  	[tilespmem:s10+$0xFFFFFFD0] =	vst v0  }
0x1d: {  	[tilespmem:s11+$0xFFFFFF90] =	vst v0  }
0x1e: {  	[tilespmem:s11+$0x0] =	vst v0  }
0x1f: {  	[tilespmem:s11+$0xFFFFFFF0] =	vst v0  }
0x20: {  	[tilespmem:s11+$0xFFFFFFE0] =	vst v0  }
0x21: {  	[tilespmem:s11+$0xFFFFFFD0] =	vst v0  }
0x22: {  	[tilespmem:s11+$0xFFFFFFC0] =	vst v0  }
0x23: {  	s12 =	simm.s32 $0x0;
	s10 =	simm.s32 $0x10170;
	[tilespmem:s11+$0xFFFFFFB0] =	vst v0  }
.LBB2_4:
0x24: {  	s12 =	sadd.s32 $0x80, s12;
	[tilespmem:s11+$0xFFFFFFA0] =	vst v0;
	s11 =	sadd.s32 $0x400, s11  }
0x25: {  	[tilespmem:s11+$0xFFFFFF90] =	vst v0;
	p0 =	slt.u32 s12, $0x480  }
0x26: {  	[tilespmem:s11+$0x0] =	vst v0  }
.Ltmp1:
0x27: {  	[tilespmem:s11+$0xFFFFFFF0] =	vst v0;
	(pc) =	sbr.rel @p0 .LBB2_4-.Ltmp1, $4  }
0x28: {  	[tilespmem:s11+$0xFFFFFFE0] =	vst v0  }
0x29: {  	[tilespmem:s11+$0xFFFFFFD0] =	vst v0  }
0x2a: {  	[tilespmem:s11+$0xFFFFFFC0] =	vst v0  }
0x2b: {  	[tilespmem:s11+$0xFFFFFFB0] =	vst v0  }
0x2c: {  	[tilespmem:s11+$0xFFFFFFA0] =	vst v0  }
0x2d: {  	[tilespmem:s10+$0xFFFFFF90] =	vst v0  }
0x2e: {  	[tilespmem:s10+$0x0] =	vst v0  }
0x2f: {  	[tilespmem:s10+$0xFFFFFFF0] =	vst v0  }
0x30: {  	[tilespmem:s10+$0xFFFFFFE0] =	vst v0  }
0x31: {  	[tilespmem:s10+$0xFFFFFFD0] =	vst v0  }
0x32: {  	[tilespmem:s10+$0xFFFFFFC0] =	vst v0  }
0x33: {  	s12 =	simm.s32 $0x0;
	[tilespmem:s10+$0xFFFFFFB0] =	vst v0  }
.LBB2_6:
0x34: {  	s12 =	sadd.s32 $0x80, s12;
	[tilespmem:s10+$0xFFFFFFA0] =	vst v0;
	s10 =	sadd.s32 $0x400, s10;
	s11 =	simm.s32 $0x101F0  }
0x35: {  	[tilespmem:s10+$0xFFFFFF90] =	vst v0;
	p0 =	slt.u32 s12, $0x480  }
0x36: {  	[tilespmem:s10+$0x0] =	vst v0  }
.Ltmp2:
0x37: {  	[tilespmem:s10+$0xFFFFFFF0] =	vst v0;
	(pc) =	sbr.rel @p0 .LBB2_6-.Ltmp2, $4  }
0x38: {  	[tilespmem:s10+$0xFFFFFFE0] =	vst v0  }
0x39: {  	[tilespmem:s10+$0xFFFFFFD0] =	vst v0  }
0x3a: {  	[tilespmem:s10+$0xFFFFFFC0] =	vst v0  }
0x3b: {  	[tilespmem:s10+$0xFFFFFFB0] =	vst v0  }
0x3c: {  	[tilespmem:s10+$0xFFFFFFA0] =	vst v0  }
0x3d: {  	[tilespmem:s11+$0xFFFFFF90] =	vst v0  }
0x3e: {  	[tilespmem:s11+$0x0] =	vst v0  }
0x3f: {  	[tilespmem:s11+$0xFFFFFFF0] =	vst v0  }
0x40: {  	[tilespmem:s11+$0xFFFFFFE0] =	vst v0  }
0x41: {  	[tilespmem:s11+$0xFFFFFFD0] =	vst v0  }
0x42: {  	[tilespmem:s11+$0xFFFFFFC0] =	vst v0  }
0x43: {  	s12 =	simm.s32 $0x0;
	s10 =	simm.s32 $0x10270;
	[tilespmem:s11+$0xFFFFFFB0] =	vst v0  }
.LBB2_8:
0x44: {  	s12 =	sadd.s32 $0x80, s12;
	[tilespmem:s11+$0xFFFFFFA0] =	vst v0;
	s11 =	sadd.s32 $0x400, s11  }
0x45: {  	[tilespmem:s11+$0xFFFFFF90] =	vst v0;
	p0 =	slt.u32 s12, $0x480  }
0x46: {  	[tilespmem:s11+$0x0] =	vst v0  }
.Ltmp3:
0x47: {  	[tilespmem:s11+$0xFFFFFFF0] =	vst v0;
	(pc) =	sbr.rel @p0 .LBB2_8-.Ltmp3, $4  }
0x48: {  	[tilespmem:s11+$0xFFFFFFE0] =	vst v0  }
0x49: {  	[tilespmem:s11+$0xFFFFFFD0] =	vst v0  }
0x4a: {  	[tilespmem:s11+$0xFFFFFFC0] =	vst v0  }
0x4b: {  	[tilespmem:s11+$0xFFFFFFB0] =	vst v0  }
0x4c: {  	[tilespmem:s11+$0xFFFFFFA0] =	vst v0  }
0x4d: {  	[tilespmem:s10+$0xFFFFFF90] =	vst v0  }
0x4e: {  	[tilespmem:s10+$0x0] =	vst v0  }
0x4f: {  	[tilespmem:s10+$0xFFFFFFF0] =	vst v0  }
0x50: {  	[tilespmem:s10+$0xFFFFFFE0] =	vst v0  }
0x51: {  	[tilespmem:s10+$0xFFFFFFD0] =	vst v0  }
0x52: {  	[tilespmem:s10+$0xFFFFFFC0] =	vst v0  }
0x53: {  	s12 =	simm.s32 $0x0;
	[tilespmem:s10+$0xFFFFFFB0] =	vst v0  }
.LBB2_10:
0x54: {  	s12 =	sadd.s32 $0x80, s12;
	[tilespmem:s10+$0xFFFFFFA0] =	vst v0;
	s10 =	sadd.s32 $0x400, s10;
	s11 =	simm.s32 $0x102F0  }
0x55: {  	[tilespmem:s10+$0xFFFFFF90] =	vst v0;
	p0 =	slt.u32 s12, $0x480  }
0x56: {  	[tilespmem:s10+$0x0] =	vst v0  }
.Ltmp4:
0x57: {  	[tilespmem:s10+$0xFFFFFFF0] =	vst v0;
	(pc) =	sbr.rel @p0 .LBB2_10-.Ltmp4, $4  }
0x58: {  	[tilespmem:s10+$0xFFFFFFE0] =	vst v0  }
0x59: {  	[tilespmem:s10+$0xFFFFFFD0] =	vst v0  }
0x5a: {  	[tilespmem:s10+$0xFFFFFFC0] =	vst v0  }
0x5b: {  	[tilespmem:s10+$0xFFFFFFB0] =	vst v0  }
0x5c: {  	[tilespmem:s10+$0xFFFFFFA0] =	vst v0  }
0x5d: {  	[tilespmem:s11+$0xFFFFFF90] =	vst v0  }
0x5e: {  	[tilespmem:s11+$0x0] =	vst v0  }
0x5f: {  	[tilespmem:s11+$0xFFFFFFF0] =	vst v0  }
0x60: {  	[tilespmem:s11+$0xFFFFFFE0] =	vst v0  }
0x61: {  	[tilespmem:s11+$0xFFFFFFD0] =	vst v0  }
0x62: {  	[tilespmem:s11+$0xFFFFFFC0] =	vst v0  }
0x63: {  	s12 =	simm.s32 $0x0;
	s10 =	simm.s32 $0x10370;
	[tilespmem:s11+$0xFFFFFFB0] =	vst v0  }
.LBB2_12:
0x64: {  	s12 =	sadd.s32 $0x80, s12;
	[tilespmem:s11+$0xFFFFFFA0] =	vst v0;
	s11 =	sadd.s32 $0x400, s11  }
0x65: {  	[tilespmem:s11+$0xFFFFFF90] =	vst v0;
	p0 =	slt.u32 s12, $0x480  }
0x66: {  	[tilespmem:s11+$0x0] =	vst v0  }
.Ltmp5:
0x67: {  	[tilespmem:s11+$0xFFFFFFF0] =	vst v0;
	(pc) =	sbr.rel @p0 .LBB2_12-.Ltmp5, $4  }
0x68: {  	[tilespmem:s11+$0xFFFFFFE0] =	vst v0  }
0x69: {  	[tilespmem:s11+$0xFFFFFFD0] =	vst v0  }
0x6a: {  	[tilespmem:s11+$0xFFFFFFC0] =	vst v0  }
0x6b: {  	[tilespmem:s11+$0xFFFFFFB0] =	vst v0  }
0x6c: {  	[tilespmem:s11+$0xFFFFFFA0] =	vst v0  }
0x6d: {  	[tilespmem:s10+$0xFFFFFF90] =	vst v0  }
0x6e: {  	[tilespmem:s10+$0x0] =	vst v0  }
0x6f: {  	[tilespmem:s10+$0xFFFFFFF0] =	vst v0  }
0x70: {  	[tilespmem:s10+$0xFFFFFFE0] =	vst v0  }
0x71: {  	[tilespmem:s10+$0xFFFFFFD0] =	vst v0  }
0x72: {  	[tilespmem:s10+$0xFFFFFFC0] =	vst v0  }
0x73: {  	s12 =	simm.s32 $0x0;
	[tilespmem:s10+$0xFFFFFFB0] =	vst v0  }
.LBB2_14:
0x74: {  	s12 =	sadd.s32 $0x80, s12;
	[tilespmem:s10+$0xFFFFFFA0] =	vst v0;
	s10 =	sadd.s32 $0x400, s10;
	s11 =	simm.s32 $0x103F0  }
0x75: {  	[tilespmem:s10+$0xFFFFFF90] =	vst v0;
	p0 =	slt.u32 s12, $0x480  }
0x76: {  	[tilespmem:s10+$0x0] =	vst v0  }
.Ltmp6:
0x77: {  	[tilespmem:s10+$0xFFFFFFF0] =	vst v0;
	(pc) =	sbr.rel @p0 .LBB2_14-.Ltmp6, $4  }
0x78: {  	[tilespmem:s10+$0xFFFFFFE0] =	vst v0  }
0x79: {  	[tilespmem:s10+$0xFFFFFFD0] =	vst v0  }
0x7a: {  	[tilespmem:s10+$0xFFFFFFC0] =	vst v0  }
0x7b: {  	[tilespmem:s10+$0xFFFFFFB0] =	vst v0  }
0x7c: {  	[tilespmem:s10+$0xFFFFFFA0] =	vst v0  }
0x7d: {  	[tilespmem:s11+$0xFFFFFF90] =	vst v0  }
0x7e: {  	[tilespmem:s11+$0x0] =	vst v0  }
0x7f: {  	[tilespmem:s11+$0xFFFFFFF0] =	vst v0  }
0x80: {  	[tilespmem:s11+$0xFFFFFFE0] =	vst v0  }
0x81: {  	[tilespmem:s11+$0xFFFFFFD0] =	vst v0  }
0x82: {  	[tilespmem:s11+$0xFFFFFFC0] =	vst v0  }
0x83: {  	s10 =	simm.s32 $0x0;
	[tilespmem:s11+$0xFFFFFFB0] =	vst v0  }
.LBB2_16:
0x84: {  	s10 =	sadd.s32 $0x80, s10;
	[tilespmem:s11+$0xFFFFFFA0] =	vst v0;
	s11 =	sadd.s32 $0x400, s11  }
0x85: {  	[tilespmem:s11+$0xFFFFFF90] =	vst v0;
	p0 =	slt.u32 s10, $0x480  }
0x86: {  	[tilespmem:s11+$0x0] =	vst v0  }
.Ltmp7:
0x87: {  	[tilespmem:s11+$0xFFFFFFF0] =	vst v0;
	(pc) =	sbr.rel @p0 .LBB2_16-.Ltmp7, $4  }
0x88: {  	[tilespmem:s11+$0xFFFFFFE0] =	vst v0  }
0x89: {  	[tilespmem:s11+$0xFFFFFFD0] =	vst v0  }
0x8a: {  	[tilespmem:s11+$0xFFFFFFC0] =	vst v0  }
0x8b: {  	[tilespmem:s11+$0xFFFFFFB0] =	vst v0  }
0x8c: {  	[tilespmem:s11+$0xFFFFFFA0] =	vst v0  }
0x8d: {  	[tilespmem:s2], [sflag:$0x1] =	stream.linear.gather [hbm4b:s3+s2], $0x10000, $0x38;
	[tilespmem:$0x12800] =	vst v63  }
0x8e: {  	_ =	swait.ge [sflag:s7], $0x10000  }
0x8f: {  	[sflag:s7] =	ssyncset.done $0x0  }
0x90: {  	s10 =	simm.s32 $0x400;
	[sflag:s7] =	ssyncadd.s32 $0xFFFF0000  }
0x91: {  	v2 =	vld [tilespmem:s10+$0x70]  }
0x92: {  	v3 =	vld [tilespmem:s10+$0xFFFFFC10]  }
0x93: {  	v11 =	vld [tilespmem:s10+$0xFFFFFC50]  }
0x94: {  	v13 =	vld [tilespmem:s10+$0xFFFFFC60]  }
0x95: {  	v15 =	vld [tilespmem:s10+$0xFFFFFC70]  }
0x96: {  	v17 =	vld [tilespmem:s10+$0x0]  }
0x97: {  	v19 =	vld [tilespmem:s10+$0x10]  }
0x98: {  	v21 =	vld [tilespmem:s10+$0x20]  }
0x99: {  	v23 =	vld [tilespmem:s10+$0x30]  }
0x9a: {  	v25 =	vld [tilespmem:s10+$0x40]  }
0x9b: {  	v29 =	vld [tilespmem:s10+$0x50]  }
0x9c: {  	v32 =	vld [tilespmem:s10+$0x60]  }
0x9d: {  	v27 =	vld [tilespmem:s10+$0xFFFFFC00];
	v4 =	vshll.u32 v2, $0x3  }
0x9e: {  	v6 =	vshll.u32 v3, $0x3;
	v8 =	vand.u32 $0x7F, v2;
	v3 =	vand.u32 $0x7F, v3  }
0x9f: {  	v5 =	vld [tilespmem:s10+$0xFFFFFC20];
	v10 =	vshll.u32 v11, $0x3;
	v14 =	vshll.u32 v13, $0x3;
	v12 =	vand.u32 $0x7F, v11  }
0xa0: {  	v16 =	vshll.u32 v15, $0x3;
	v18 =	vshll.u32 v17, $0x3;
	v20 =	vshll.u32 v19, $0x3  }
0xa1: {  	v22 =	vshll.u32 v21, $0x3;
	v24 =	vshll.u32 v23, $0x3;
	v26 =	vshll.u32 v25, $0x3  }
0xa2: {  	v30 =	vshll.u32 v29, $0x3;
	v31 =	vshll.u32 v32, $0x3;
	v33 =	vshll.u32 v27, $0x3  }
0xa3: {  	v29 =	vand.u32 $0x7F, v29;
	v4 =	vand.u32 $0xFFFFFC00, v4;
	v2 =	vand.u32 $0xFFFFFC00, v6  }
0xa4: {  	v6 =	vshll.u32 v5, $0x3;
	v10 =	vand.u32 $0xFFFFFC00, v10;
	v11 =	vand.u32 $0xFFFFFC00, v14  }
0xa5: {  	v14 =	vand.u32 $0x7F, v13;
	v13 =	vand.u32 $0xFFFFFC00, v16;
	v16 =	vand.u32 $0x7F, v15  }
0xa6: {  	v7 =	vld [tilespmem:s10+$0xFFFFFC30];
	v15 =	vand.u32 $0xFFFFFC00, v18;
	v18 =	vand.u32 $0x7F, v17;
	v17 =	vand.u32 $0xFFFFFC00, v20  }
0xa7: {  	v9 =	vld [tilespmem:s10+$0xFFFFFC40];
	v20 =	vand.u32 $0x7F, v19;
	v19 =	vand.u32 $0xFFFFFC00, v22;
	v22 =	vand.u32 $0x7F, v21  }
0xa8: {  	v21 =	vand.u32 $0xFFFFFC00, v24;
	v24 =	vand.u32 $0x7F, v23;
	v28 =	vor.u32 v8, v4  }
0xa9: {  	v23 =	vand.u32 $0xFFFFFC00, v26;
	v26 =	vand.u32 $0x7F, v25;
	v25 =	vand.u32 $0xFFFFFC00, v30  }
0xaa: {  	v30 =	vand.u32 $0x7F, v27;
	v27 =	vand.u32 $0xFFFFFC00, v31;
	v31 =	vand.u32 $0xFFFFFC00, v33  }
0xab: {  	v4 =	vand.u32 $0xFFFFFC00, v6;
	v8 =	vshll.u32 v7, $0x3;
	v6 =	vand.u32 $0x7F, v5  }
0xac: {  	v7 =	vand.u32 $0x7F, v7;
	v5 =	vand.u32 $0xFFFFFC00, v8;
	v8 =	vshll.u32 v9, $0x3  }
0xad: {  	s11 =	simm.s32 $0x0;
	s12 =	simm.s32 $0xC00;
	s10 =	simm.s32 $0x480;
	v9 =	vand.u32 $0x7F, v9;
	v8 =	vand.u32 $0xFFFFFC00, v8;
	[tilespmem:v28+s8+$0x0] =	vst.idx.msk $0xffff, v1;
	v28 =	vand.u32 $0x7F, v32  }
.LBB2_18:
0xae: {  	v32 =	vld [tilespmem:s12+$0x70];
	s11 =	sadd.s32 $0x100, s11;
	v30 =	vor.u32 v30, v31;
	v2 =	vor.u32 v3, v2;
	v3 =	vor.u32 v6, v4  }
0xaf: {  	v5 =	vor.u32 v7, v5;
	v7 =	vor.u32 v9, v8;
	v9 =	vor.u32 v12, v10;
	v4 =	vld [tilespmem:s12+$0xFFFFFC10];
	p0 =	slt.u32 s11, $0x1F00  }
0xb0: {  	v11 =	vor.u32 v14, v11;
	v16 =	vor.u32 v16, v13;
	v18 =	vor.u32 v18, v15;
	v6 =	vld [tilespmem:s12+$0xFFFFFC20]  }
0xb1: {  	v20 =	vor.u32 v20, v17;
	v22 =	vor.u32 v22, v19;
	v24 =	vor.u32 v24, v21;
	v8 =	vld [tilespmem:s12+$0xFFFFFC30]  }
0xb2: {  	v26 =	vor.u32 v26, v23;
	v29 =	vor.u32 v29, v25;
	v28 =	vor.u32 v28, v27;
	v10 =	vld [tilespmem:s12+$0xFFFFFC40]  }
0xb3: {  	v12 =	vld [tilespmem:s12+$0xFFFFFC50];
	v13 =	vshll.u32 v32, $0x3;
	[tilespmem:v30+s8+$0x0] =	vst.idx.msk $0xffff, v1  }
0xb4: {  	v17 =	vand.u32 $0x7F, v32;
	v14 =	vshll.u32 v4, $0x3;
	v15 =	vld [tilespmem:s12+$0xFFFFFC60];
	v13 =	vand.u32 $0xFFFFFC00, v13;
	[tilespmem:v2+s8+$0x0] =	vst.idx.msk $0xffff, v1  }
0xb5: {  	v2 =	vand.u32 $0xFFFFFC00, v14;
	v14 =	vshll.u32 v6, $0x3;
	v19 =	vld [tilespmem:s12+$0xFFFFFC70];
	v13 =	vor.u32 v17, v13;
	[tilespmem:v3+s8+$0x0] =	vst.idx.msk $0xffff, v1  }
0xb6: {  	v3 =	vand.u32 $0x7F, v4;
	v4 =	vand.u32 $0xFFFFFC00, v14;
	v14 =	vshll.u32 v8, $0x3;
	v17 =	vld [tilespmem:s12+$0x0];
	[tilespmem:v5+s8+$0x0] =	vst.idx.msk $0xffff, v1  }
0xb7: {  	v6 =	vand.u32 $0x7F, v6;
	v5 =	vand.u32 $0xFFFFFC00, v14;
	v14 =	vshll.u32 v10, $0x3;
	v21 =	vld [tilespmem:s12+$0x10];
	[tilespmem:v7+s8+$0x0] =	vst.idx.msk $0xffff, v1  }
0xb8: {  	v7 =	vand.u32 $0x7F, v8;
	v8 =	vand.u32 $0xFFFFFC00, v14;
	v14 =	vshll.u32 v12, $0x3;
	v23 =	vld [tilespmem:s12+$0x20];
	[tilespmem:v9+s8+$0x0] =	vst.idx.msk $0xffff, v1  }
0xb9: {  	v9 =	vand.u32 $0x7F, v10;
	v10 =	vand.u32 $0xFFFFFC00, v14;
	v14 =	vshll.u32 v15, $0x3;
	v25 =	vld [tilespmem:s12+$0x30];
	[tilespmem:v11+s8+$0x0] =	vst.idx.msk $0xffff, v1  }
0xba: {  	v12 =	vand.u32 $0x7F, v12;
	v11 =	vand.u32 $0xFFFFFC00, v14;
	v27 =	vshll.u32 v19, $0x3;
	v30 =	vld [tilespmem:s12+$0x40];
	[tilespmem:v13+s8+$0x0] =	vst.idx.msk $0xffff, v1  }
0xbb: {  	v14 =	vand.u32 $0x7F, v15;
	v13 =	vand.u32 $0xFFFFFC00, v27;
	v15 =	vshll.u32 v17, $0x3;
	v32 =	vld [tilespmem:s12+$0x50];
	[tilespmem:v16+s8+$0x0] =	vst.idx.msk $0xffff, v1  }
0xbc: {  	v16 =	vand.u32 $0x7F, v19;
	v15 =	vand.u32 $0xFFFFFC00, v15;
	v19 =	vshll.u32 v21, $0x3;
	v33 =	vld [tilespmem:s12+$0x60];
	[tilespmem:v18+s8+$0x0] =	vst.idx.msk $0xffff, v1  }
0xbd: {  	v18 =	vand.u32 $0x7F, v17;
	v27 =	vld [tilespmem:s12+$0xFFFFFC00];
	v17 =	vand.u32 $0xFFFFFC00, v19;
	v19 =	vshll.u32 v23, $0x3;
	[tilespmem:v20+s8+$0x0] =	vst.idx.msk $0xffff, v1  }
0xbe: {  	v20 =	vand.u32 $0x7F, v21;
	v19 =	vand.u32 $0xFFFFFC00, v19;
	v21 =	vshll.u32 v25, $0x3;
	[tilespmem:v22+s8+$0x0] =	vst.idx.msk $0xffff, v1  }
.Ltmp8:
0xbf: {  	v22 =	vand.u32 $0x7F, v23;
	v21 =	vand.u32 $0xFFFFFC00, v21;
	v23 =	vshll.u32 v30, $0x3;
	[tilespmem:v24+s8+$0x0] =	vst.idx.msk $0xffff, v1;
	(pc) =	sbr.rel @p0 .LBB2_18-.Ltmp8, $4  }
0xc0: {  	v24 =	vand.u32 $0x7F, v25;
	v23 =	vand.u32 $0xFFFFFC00, v23;
	v25 =	vshll.u32 v32, $0x3;
	[tilespmem:v26+s8+$0x0] =	vst.idx.msk $0xffff, v1  }
0xc1: {  	v26 =	vand.u32 $0x7F, v30;
	v25 =	vand.u32 $0xFFFFFC00, v25;
	v31 =	vshll.u32 v33, $0x3;
	[tilespmem:v29+s8+$0x0] =	vst.idx.msk $0xffff, v1  }
0xc2: {  	v30 =	vand.u32 $0x7F, v27;
	v29 =	vshll.u32 v27, $0x3;
	v27 =	vand.u32 $0xFFFFFC00, v31;
	[tilespmem:v28+s8+$0x0] =	vst.idx.msk $0xffff, v1  }
0xc3: {  	s12 =	sadd.s32 $0x800, s12;
	v28 =	vand.u32 $0x7F, v33;
	v31 =	vand.u32 $0xFFFFFC00, v29;
	v29 =	vand.u32 $0x7F, v32  }
0xc4: {  	v30 =	vor.u32 v30, v31  }
0xc5: {  	v2 =	vor.u32 v3, v2  }
0xc6: {  	v3 =	vor.u32 v6, v4  }
0xc7: {  	v4 =	vor.u32 v7, v5  }
0xc8: {  	v5 =	vor.u32 v9, v8  }
0xc9: {  	v6 =	vor.u32 v12, v10;
	[tilespmem:v30+s8+$0x0] =	vst.idx.msk $0xffff, v1  }
0xca: {  	v7 =	vor.u32 v14, v11;
	[tilespmem:v2+s8+$0x0] =	vst.idx.msk $0xffff, v1  }
0xcb: {  	v2 =	vor.u32 v16, v13;
	[tilespmem:v3+s8+$0x0] =	vst.idx.msk $0xffff, v1  }
0xcc: {  	v3 =	vor.u32 v18, v15;
	[tilespmem:v4+s8+$0x0] =	vst.idx.msk $0xffff, v1  }
0xcd: {  	v4 =	vor.u32 v20, v17;
	[tilespmem:v5+s8+$0x0] =	vst.idx.msk $0xffff, v1  }
0xce: {  	v5 =	vor.u32 v22, v19;
	[tilespmem:v6+s8+$0x0] =	vst.idx.msk $0xffff, v1  }
0xcf: {  	v6 =	vor.u32 v24, v21;
	[tilespmem:v7+s8+$0x0] =	vst.idx.msk $0xffff, v1  }
0xd0: {  	v7 =	vor.u32 v26, v23;
	[tilespmem:v2+s8+$0x0] =	vst.idx.msk $0xffff, v1  }
0xd1: {  	v2 =	vor.u32 v29, v25;
	[tilespmem:v3+s8+$0x0] =	vst.idx.msk $0xffff, v1  }
0xd2: {  	v3 =	vor.u32 v28, v27;
	[tilespmem:v4+s8+$0x0] =	vst.idx.msk $0xffff, v1  }
0xd3: {  	[tilespmem:v5+s8+$0x0] =	vst.idx.msk $0xffff, v1  }
0xd4: {  	[tilespmem:v6+s8+$0x0] =	vst.idx.msk $0xffff, v1  }
0xd5: {  	[tilespmem:v7+s8+$0x0] =	vst.idx.msk $0xffff, v1  }
0xd6: {  	[tilespmem:v2+s8+$0x0] =	vst.idx.msk $0xffff, v1  }
0xd7: {  	[tilespmem:v3+s8+$0x0] =	vst.idx.msk $0xffff, v1  }
0xd8: {  	v2 =	vld [tilespmem:s10+$0x70]  }
0xd9: {  	v3 =	vld [tilespmem:s10+$0xFFFFFC10]  }
0xda: {  	v4 =	vld [tilespmem:s10+$0xFFFFFC20]  }
0xdb: {  	v12 =	vld [tilespmem:s10+$0xFFFFFC70]  }
0xdc: {  	v13 =	vld [tilespmem:s10+$0x0]  }
0xdd: {  	v15 =	vld [tilespmem:s10+$0x10]  }
0xde: {  	v16 =	vld [tilespmem:s10+$0x20]  }
0xdf: {  	v17 =	vld [tilespmem:s10+$0x30]  }
0xe0: {  	v53 =	vld [tilespmem:s10+$0x40]  }
0xe1: {  	v55 =	vld [tilespmem:s10+$0x50];
	v8 =	vshll.u32 v2, $0x3  }
0xe2: {  	v5 =	vld [tilespmem:s10+$0xFFFFFC30];
	v9 =	vshll.u32 v3, $0x3;
	v2 =	vand.u32 $0x7F, v2;
	v11 =	vshll.u32 v4, $0x3  }
0xe3: {  	v6 =	vld [tilespmem:s10+$0xFFFFFC40];
	v3 =	vand.u32 $0x7F, v3;
	v4 =	vand.u32 $0x7F, v4;
	v59 =	vand.u32 $0x7F, v12  }
0xe4: {  	v7 =	vld [tilespmem:s10+$0xFFFFFC50];
	v61 =	vand.u32 $0x7F, v13;
	v63 =	vand.u32 $0x7F, v15;
	v33 =	vand.u32 $0x7F, v16  }
0xe5: {  	v10 =	vld [tilespmem:s10+$0xFFFFFC60];
	v35 =	vand.u32 $0x7F, v17;
	v21 =	vand.u32 $0x7F, v53;
	v8 =	vand.u32 $0xFFFFFC00, v8  }
0xe6: {  	v23 =	vand.u32 $0x7F, v55;
	v9 =	vand.u32 $0xFFFFFC00, v9;
	v2 =	vor.u32 v8, v2  }
0xe7: {  	v58 =	vld [tilespmem:s10+$0xFFFFFC00];
	v8 =	vand.u32 $0xFFFFFC00, v11;
	v11 =	vshll.u32 v5, $0x3;
	v5 =	vand.u32 $0x7F, v5  }
0xe8: {  	v14 =	vor.u32 $0x80, v2;
	v11 =	vand.u32 $0xFFFFFC00, v11;
	v2 =	vshll.u32 v6, $0x3  }
0xe9: {  	v6 =	vand.u32 $0x7F, v6;
	v18 =	vand.u32 $0xFFFFFC00, v2;
	v2 =	vshll.u32 v7, $0x3  }
0xea: {  	v7 =	vand.u32 $0x7F, v7;
	v19 =	vand.u32 $0xFFFFFC00, v2;
	v2 =	vshll.u32 v10, $0x3  }
0xeb: {  	v10 =	vand.u32 $0x7F, v10;
	v52 =	vand.u32 $0xFFFFFC00, v2;
	v2 =	vshll.u32 v12, $0x3  }
0xec: {  	v12 =	vand.u32 $0x7F, v58;
	v54 =	vand.u32 $0xFFFFFC00, v2;
	v2 =	vshll.u32 v13, $0x3  }
0xed: {  	v57 =	vld [tilespmem:s10+$0x60];
	v13 =	vshll.u32 v58, $0x3;
	v56 =	vand.u32 $0xFFFFFC00, v2;
	v2 =	vshll.u32 v15, $0x3  }
0xee: {  	v13 =	vand.u32 $0xFFFFFC00, v13;
	[tilespmem:v14+s8+$0x0] =	vst.idx.msk $0xffff, v1;
	v14 =	vor.u32 v11, v5;
	v15 =	vor.u32 v18, v6  }
0xef: {  	v11 =	vor.u32 v52, v10;
	v10 =	vor.u32 v54, v59;
	v60 =	vand.u32 $0xFFFFFC00, v2  }
0xf0: {  	v2 =	vshll.u32 v16, $0x3;
	v16 =	vor.u32 v13, v12;
	v13 =	vor.u32 v8, v4  }
0xf1: {  	v12 =	vor.u32 v19, v7;
	v62 =	vand.u32 $0xFFFFFC00, v2;
	v2 =	vshll.u32 v17, $0x3  }
0xf2: {  	v17 =	vor.u32 v9, v3;
	v3 =	vand.u32 $0x7F, v57;
	v9 =	vor.u32 v56, v61  }
0xf3: {  	v8 =	vor.u32 v60, v63;
	v32 =	vand.u32 $0xFFFFFC00, v2;
	v2 =	vshll.u32 v53, $0x3  }
0xf4: {  	v6 =	vor.u32 v62, v33;
	v34 =	vand.u32 $0xFFFFFC00, v2;
	v2 =	vshll.u32 v55, $0x3  }
0xf5: {  	v7 =	vor.u32 v32, v35;
	v36 =	vand.u32 $0xFFFFFC00, v2;
	v2 =	vshll.u32 v57, $0x3  }
0xf6: {  	s11 =	simm.s32 $0x0;
	s12 =	simm.s32 $0xC80;
	s10 =	simm.s32 $0x500;
	v5 =	vor.u32 v34, v21;
	v2 =	vand.u32 $0xFFFFFC00, v2;
	v4 =	vor.u32 v36, v23  }
.LBB2_20:
0xf7: {  	v18 =	vld [tilespmem:s12+$0x70];
	s11 =	sadd.s32 $0x100, s11;
	v16 =	vor.u32 $0x80, v16;
	v17 =	vor.u32 $0x80, v17;
	v2 =	vor.u32 v2, v3  }
0xf8: {  	v13 =	vor.u32 $0x80, v13;
	v14 =	vor.u32 $0x80, v14;
	v15 =	vor.u32 $0x80, v15;
	v3 =	vld [tilespmem:s12+$0xFFFFFC10];
	p0 =	slt.u32 s11, $0x1F00  }
0xf9: {  	v12 =	vor.u32 $0x80, v12;
	v11 =	vor.u32 $0x80, v11;
	v10 =	vor.u32 $0x80, v10;
	v19 =	vld [tilespmem:s12+$0xFFFFFC20]  }
0xfa: {  	v9 =	vor.u32 $0x80, v9;
	v8 =	vor.u32 $0x80, v8;
	v6 =	vor.u32 $0x80, v6;
	v20 =	vld [tilespmem:s12+$0xFFFFFC30]  }
0xfb: {  	v7 =	vor.u32 $0x80, v7;
	v5 =	vor.u32 $0x80, v5;
	v4 =	vor.u32 $0x80, v4;
	v21 =	vld [tilespmem:s12+$0xFFFFFC40]  }
0xfc: {  	v22 =	vld [tilespmem:s12+$0xFFFFFC50];
	v23 =	vshll.u32 v18, $0x3;
	[tilespmem:v16+s8+$0x0] =	vst.idx.msk $0xffff, v1;
	v16 =	vor.u32 $0x80, v2  }
0xfd: {  	v18 =	vand.u32 $0x7F, v18;
	v2 =	vshll.u32 v3, $0x3;
	v24 =	vld [tilespmem:s12+$0xFFFFFC60];
	v23 =	vand.u32 $0xFFFFFC00, v23;
	[tilespmem:v17+s8+$0x0] =	vst.idx.msk $0xffff, v1  }
0xfe: {  	v17 =	vand.u32 $0xFFFFFC00, v2;
	v2 =	vshll.u32 v19, $0x3;
	v25 =	vld [tilespmem:s12+$0xFFFFFC70];
	v18 =	vor.u32 v23, v18;
	[tilespmem:v13+s8+$0x0] =	vst.idx.msk $0xffff, v1  }
0xff: {  	v13 =	vand.u32 $0xFFFFFC00, v2;
	v2 =	vshll.u32 v20, $0x3;
	v23 =	vld [tilespmem:s12+$0x0];
	v18 =	vor.u32 $0x80, v18;
	[tilespmem:v14+s8+$0x0] =	vst.idx.msk $0xffff, v1  }
0x100: {  	v3 =	vand.u32 $0x7F, v3;
	v14 =	vand.u32 $0xFFFFFC00, v2;
	v2 =	vshll.u32 v21, $0x3;
	v26 =	vld [tilespmem:s12+$0x10];
	[tilespmem:v15+s8+$0x0] =	vst.idx.msk $0xffff, v1  }
0x101: {  	v15 =	vand.u32 $0x7F, v19;
	v19 =	vand.u32 $0xFFFFFC00, v2;
	v2 =	vshll.u32 v22, $0x3;
	v27 =	vld [tilespmem:s12+$0x20];
	[tilespmem:v12+s8+$0x0] =	vst.idx.msk $0xffff, v1  }
0x102: {  	v12 =	vand.u32 $0x7F, v20;
	v20 =	vand.u32 $0xFFFFFC00, v2;
	v2 =	vshll.u32 v24, $0x3;
	v28 =	vld [tilespmem:s12+$0x30];
	[tilespmem:v11+s8+$0x0] =	vst.idx.msk $0xffff, v1  }
0x103: {  	v11 =	vand.u32 $0x7F, v21;
	v21 =	vand.u32 $0xFFFFFC00, v2;
	v2 =	vshll.u32 v25, $0x3;
	v29 =	vld [tilespmem:s12+$0x40];
	[tilespmem:v10+s8+$0x0] =	vst.idx.msk $0xffff, v1  }
0x104: {  	v10 =	vand.u32 $0x7F, v22;
	v22 =	vand.u32 $0xFFFFFC00, v2;
	v2 =	vshll.u32 v23, $0x3;
	v30 =	vld [tilespmem:s12+$0x50];
	[tilespmem:v18+s8+$0x0] =	vst.idx.msk $0xffff, v1  }
0x105: {  	v18 =	vand.u32 $0x7F, v24;
	v24 =	vand.u32 $0xFFFFFC00, v2;
	v2 =	vshll.u32 v26, $0x3;
	v31 =	vld [tilespmem:s12+$0x60];
	[tilespmem:v9+s8+$0x0] =	vst.idx.msk $0xffff, v1  }
0x106: {  	v25 =	vand.u32 $0x7F, v25;
	v9 =	vld [tilespmem:s12+$0xFFFFFC00];
	v32 =	vand.u32 $0xFFFFFC00, v2;
	v2 =	vshll.u32 v27, $0x3;
	[tilespmem:v8+s8+$0x0] =	vst.idx.msk $0xffff, v1  }
0x107: {  	v8 =	vand.u32 $0x7F, v23;
	v23 =	vand.u32 $0xFFFFFC00, v2;
	v2 =	vshll.u32 v28, $0x3;
	[tilespmem:v6+s8+$0x0] =	vst.idx.msk $0xffff, v1  }
0x108: {  	v6 =	vand.u32 $0x7F, v26;
	v26 =	vand.u32 $0xFFFFFC00, v2;
	v2 =	vshll.u32 v29, $0x3;
	[tilespmem:v7+s8+$0x0] =	vst.idx.msk $0xffff, v1  }
0x109: {  	v7 =	vand.u32 $0x7F, v27;
	v27 =	vand.u32 $0xFFFFFC00, v2;
	v2 =	vshll.u32 v30, $0x3;
	[tilespmem:v5+s8+$0x0] =	vst.idx.msk $0xffff, v1  }
0x10a: {  	v5 =	vand.u32 $0x7F, v28;
	v28 =	vand.u32 $0xFFFFFC00, v2;
	v2 =	vshll.u32 v31, $0x3;
	[tilespmem:v4+s8+$0x0] =	vst.idx.msk $0xffff, v1  }
0x10b: {  	v4 =	vand.u32 $0x7F, v9;
	v9 =	vshll.u32 v9, $0x3;
	v2 =	vand.u32 $0xFFFFFC00, v2;
	[tilespmem:v16+s8+$0x0] =	vst.idx.msk $0xffff, v1  }
0x10c: {  	v29 =	vand.u32 $0x7F, v29;
	v30 =	vand.u32 $0x7F, v30;
	v9 =	vand.u32 $0xFFFFFC00, v9  }
.Ltmp9:
0x10d: {  	v17 =	vor.u32 v17, v3;
	v3 =	vand.u32 $0x7F, v31;
	v16 =	vor.u32 v9, v4;
	(pc) =	sbr.rel @p0 .LBB2_20-.Ltmp9, $4  }
0x10e: {  	v13 =	vor.u32 v13, v15;
	v14 =	vor.u32 v14, v12;
	v15 =	vor.u32 v19, v11  }
0x10f: {  	v12 =	vor.u32 v20, v10;
	v11 =	vor.u32 v21, v18;
	v10 =	vor.u32 v22, v25  }
0x110: {  	v9 =	vor.u32 v24, v8;
	v8 =	vor.u32 v32, v6;
	v6 =	vor.u32 v23, v7  }
0x111: {  	s12 =	sadd.s32 $0x800, s12;
	v7 =	vor.u32 v26, v5;
	v5 =	vor.u32 v27, v29;
	v4 =	vor.u32 v28, v30  }
0x112: {  	v16 =	vor.u32 $0x80, v16  }
0x113: {  	v17 =	vor.u32 $0x80, v17  }
0x114: {  	v13 =	vor.u32 $0x80, v13  }
0x115: {  	v14 =	vor.u32 $0x80, v14  }
0x116: {  	v15 =	vor.u32 $0x80, v15  }
0x117: {  	v12 =	vor.u32 $0x80, v12;
	[tilespmem:v16+s8+$0x0] =	vst.idx.msk $0xffff, v1  }
0x118: {  	v11 =	vor.u32 $0x80, v11;
	[tilespmem:v17+s8+$0x0] =	vst.idx.msk $0xffff, v1  }
0x119: {  	v10 =	vor.u32 $0x80, v10;
	[tilespmem:v13+s8+$0x0] =	vst.idx.msk $0xffff, v1  }
0x11a: {  	v9 =	vor.u32 $0x80, v9;
	[tilespmem:v14+s8+$0x0] =	vst.idx.msk $0xffff, v1  }
0x11b: {  	v8 =	vor.u32 $0x80, v8;
	[tilespmem:v15+s8+$0x0] =	vst.idx.msk $0xffff, v1  }
0x11c: {  	v6 =	vor.u32 $0x80, v6;
	[tilespmem:v12+s8+$0x0] =	vst.idx.msk $0xffff, v1  }
0x11d: {  	v7 =	vor.u32 $0x80, v7;
	[tilespmem:v11+s8+$0x0] =	vst.idx.msk $0xffff, v1  }
0x11e: {  	v5 =	vor.u32 $0x80, v5;
	[tilespmem:v10+s8+$0x0] =	vst.idx.msk $0xffff, v1  }
0x11f: {  	v2 =	vor.u32 v2, v3;
	v3 =	vor.u32 $0x80, v4;
	[tilespmem:v9+s8+$0x0] =	vst.idx.msk $0xffff, v1  }
0x120: {  	v2 =	vor.u32 $0x80, v2;
	[tilespmem:v8+s8+$0x0] =	vst.idx.msk $0xffff, v1  }
0x121: {  	[tilespmem:v6+s8+$0x0] =	vst.idx.msk $0xffff, v1  }
0x122: {  	[tilespmem:v7+s8+$0x0] =	vst.idx.msk $0xffff, v1  }
0x123: {  	[tilespmem:v5+s8+$0x0] =	vst.idx.msk $0xffff, v1  }
0x124: {  	[tilespmem:v3+s8+$0x0] =	vst.idx.msk $0xffff, v1  }
0x125: {  	[tilespmem:v2+s8+$0x0] =	vst.idx.msk $0xffff, v1  }
0x126: {  	v2 =	vld [tilespmem:s10+$0x70]  }
0x127: {  	v3 =	vld [tilespmem:s10+$0xFFFFFC10]  }
0x128: {  	v4 =	vld [tilespmem:s10+$0xFFFFFC20]  }
0x129: {  	v12 =	vld [tilespmem:s10+$0xFFFFFC70]  }
0x12a: {  	v13 =	vld [tilespmem:s10+$0x0]  }
0x12b: {  	v15 =	vld [tilespmem:s10+$0x10]  }
0x12c: {  	v16 =	vld [tilespmem:s10+$0x20]  }
0x12d: {  	v17 =	vld [tilespmem:s10+$0x30]  }
0x12e: {  	v5 =	vld [tilespmem:s10+$0xFFFFFC30];
	v8 =	vshll.u32 v2, $0x3  }
0x12f: {  	v6 =	vld [tilespmem:s10+$0xFFFFFC40];
	v9 =	vshll.u32 v3, $0x3;
	v2 =	vand.u32 $0x7F, v2;
	v11 =	vshll.u32 v4, $0x3  }
0x130: {  	v7 =	vld [tilespmem:s10+$0xFFFFFC50];
	v3 =	vand.u32 $0x7F, v3;
	v4 =	vand.u32 $0x7F, v4;
	v27 =	vand.u32 $0x7F, v12  }
0x131: {  	v10 =	vld [tilespmem:s10+$0xFFFFFC60];
	v29 =	vand.u32 $0x7F, v13;
	v31 =	vand.u32 $0x7F, v15;
	v33 =	vand.u32 $0x7F, v16  }
0x132: {  	v35 =	vand.u32 $0x7F, v17;
	v8 =	vand.u32 $0xFFFFFC00, v8;
	v9 =	vand.u32 $0xFFFFFC00, v9  }
0x133: {  	v2 =	vor.u32 v8, v2;
	v8 =	vand.u32 $0xFFFFFC00, v11;
	v11 =	vshll.u32 v5, $0x3  }
0x134: {  	v26 =	vld [tilespmem:s10+$0xFFFFFC00];
	v5 =	vand.u32 $0x7F, v5;
	v14 =	vor.u32 $0x100, v2;
	v2 =	vshll.u32 v6, $0x3  }
0x135: {  	v11 =	vand.u32 $0xFFFFFC00, v11;
	v18 =	vand.u32 $0xFFFFFC00, v2;
	v2 =	vshll.u32 v7, $0x3  }
0x136: {  	v6 =	vand.u32 $0x7F, v6;
	v19 =	vand.u32 $0xFFFFFC00, v2;
	v2 =	vshll.u32 v10, $0x3  }
0x137: {  	v7 =	vand.u32 $0x7F, v7;
	v20 =	vand.u32 $0xFFFFFC00, v2;
	v2 =	vshll.u32 v12, $0x3  }
0x138: {  	v10 =	vand.u32 $0x7F, v10;
	v22 =	vand.u32 $0xFFFFFC00, v2;
	v2 =	vshll.u32 v13, $0x3  }
0x139: {  	v25 =	vld [tilespmem:s10+$0x60];
	v12 =	vand.u32 $0x7F, v26;
	v13 =	vshll.u32 v26, $0x3;
	v24 =	vand.u32 $0xFFFFFC00, v2  }
0x13a: {  	v2 =	vshll.u32 v15, $0x3;
	v13 =	vand.u32 $0xFFFFFC00, v13;
	[tilespmem:v14+s8+$0x0] =	vst.idx.msk $0xffff, v1;
	v14 =	vor.u32 v11, v5  }
0x13b: {  	v21 =	vld [tilespmem:s10+$0x40];
	v15 =	vor.u32 v18, v6;
	v11 =	vor.u32 v20, v10;
	v10 =	vor.u32 v22, v27  }
0x13c: {  	v23 =	vld [tilespmem:s10+$0x50];
	v28 =	vand.u32 $0xFFFFFC00, v2;
	v2 =	vshll.u32 v16, $0x3;
	v16 =	vor.u32 v13, v12  }
0x13d: {  	v13 =	vor.u32 v8, v4;
	v12 =	vor.u32 v19, v7;
	v30 =	vand.u32 $0xFFFFFC00, v2  }
0x13e: {  	v2 =	vshll.u32 v17, $0x3;
	v17 =	vor.u32 v9, v3;
	v3 =	vand.u32 $0x7F, v25  }
0x13f: {  	v9 =	vor.u32 v24, v29;
	v8 =	vor.u32 v28, v31;
	v32 =	vand.u32 $0xFFFFFC00, v2  }
0x140: {  	v2 =	vshll.u32 v21, $0x3;
	v21 =	vand.u32 $0x7F, v21;
	v6 =	vor.u32 v30, v33  }
0x141: {  	v34 =	vand.u32 $0xFFFFFC00, v2;
	v2 =	vshll.u32 v23, $0x3;
	v23 =	vand.u32 $0x7F, v23  }
0x142: {  	v7 =	vor.u32 v32, v35;
	v36 =	vand.u32 $0xFFFFFC00, v2;
	v2 =	vshll.u32 v25, $0x3  }
0x143: {  	s11 =	simm.s32 $0x0;
	s12 =	simm.s32 $0xD00;
	s10 =	simm.s32 $0x580;
	v5 =	vor.u32 v34, v21;
	v2 =	vand.u32 $0xFFFFFC00, v2;
	v4 =	vor.u32 v36, v23  }
.LBB2_22:
0x144: {  	v18 =	vld [tilespmem:s12+$0x70];
	s11 =	sadd.s32 $0x100, s11;
	v16 =	vor.u32 $0x100, v16;
	v17 =	vor.u32 $0x100, v17;
	v2 =	vor.u32 v2, v3  }
0x145: {  	v13 =	vor.u32 $0x100, v13;
	v14 =	vor.u32 $0x100, v14;
	v15 =	vor.u32 $0x100, v15;
	v3 =	vld [tilespmem:s12+$0xFFFFFC10];
	p0 =	slt.u32 s11, $0x1F00  }
0x146: {  	v12 =	vor.u32 $0x100, v12;
	v11 =	vor.u32 $0x100, v11;
	v10 =	vor.u32 $0x100, v10;
	v19 =	vld [tilespmem:s12+$0xFFFFFC20]  }
0x147: {  	v9 =	vor.u32 $0x100, v9;
	v8 =	vor.u32 $0x100, v8;
	v6 =	vor.u32 $0x100, v6;
	v20 =	vld [tilespmem:s12+$0xFFFFFC30]  }
0x148: {  	v7 =	vor.u32 $0x100, v7;
	v5 =	vor.u32 $0x100, v5;
	v4 =	vor.u32 $0x100, v4;
	v21 =	vld [tilespmem:s12+$0xFFFFFC40]  }
0x149: {  	v22 =	vld [tilespmem:s12+$0xFFFFFC50];
	v23 =	vshll.u32 v18, $0x3;
	[tilespmem:v16+s8+$0x0] =	vst.idx.msk $0xffff, v1;
	v16 =	vor.u32 $0x100, v2  }
0x14a: {  	v18 =	vand.u32 $0x7F, v18;
	v2 =	vshll.u32 v3, $0x3;
	v24 =	vld [tilespmem:s12+$0xFFFFFC60];
	v23 =	vand.u32 $0xFFFFFC00, v23;
	[tilespmem:v17+s8+$0x0] =	vst.idx.msk $0xffff, v1  }
0x14b: {  	v17 =	vand.u32 $0xFFFFFC00, v2;
	v2 =	vshll.u32 v19, $0x3;
	v25 =	vld [tilespmem:s12+$0xFFFFFC70];
	v18 =	vor.u32 v23, v18;
	[tilespmem:v13+s8+$0x0] =	vst.idx.msk $0xffff, v1  }
0x14c: {  	v13 =	vand.u32 $0xFFFFFC00, v2;
	v2 =	vshll.u32 v20, $0x3;
	v23 =	vld [tilespmem:s12+$0x0];
	v18 =	vor.u32 $0x100, v18;
	[tilespmem:v14+s8+$0x0] =	vst.idx.msk $0xffff, v1  }
0x14d: {  	v3 =	vand.u32 $0x7F, v3;
	v14 =	vand.u32 $0xFFFFFC00, v2;
	v2 =	vshll.u32 v21, $0x3;
	v26 =	vld [tilespmem:s12+$0x10];
	[tilespmem:v15+s8+$0x0] =	vst.idx.msk $0xffff, v1  }
0x14e: {  	v15 =	vand.u32 $0x7F, v19;
	v19 =	vand.u32 $0xFFFFFC00, v2;
	v2 =	vshll.u32 v22, $0x3;
	v27 =	vld [tilespmem:s12+$0x20];
	[tilespmem:v12+s8+$0x0] =	vst.idx.msk $0xffff, v1  }
0x14f: {  	v12 =	vand.u32 $0x7F, v20;
	v20 =	vand.u32 $0xFFFFFC00, v2;
	v2 =	vshll.u32 v24, $0x3;
	v28 =	vld [tilespmem:s12+$0x30];
	[tilespmem:v11+s8+$0x0] =	vst.idx.msk $0xffff, v1  }
0x150: {  	v11 =	vand.u32 $0x7F, v21;
	v21 =	vand.u32 $0xFFFFFC00, v2;
	v2 =	vshll.u32 v25, $0x3;
	v29 =	vld [tilespmem:s12+$0x40];
	[tilespmem:v10+s8+$0x0] =	vst.idx.msk $0xffff, v1  }
0x151: {  	v10 =	vand.u32 $0x7F, v22;
	v22 =	vand.u32 $0xFFFFFC00, v2;
	v2 =	vshll.u32 v23, $0x3;
	v30 =	vld [tilespmem:s12+$0x50];
	[tilespmem:v18+s8+$0x0] =	vst.idx.msk $0xffff, v1  }
0x152: {  	v18 =	vand.u32 $0x7F, v24;
	v24 =	vand.u32 $0xFFFFFC00, v2;
	v2 =	vshll.u32 v26, $0x3;
	v31 =	vld [tilespmem:s12+$0x60];
	[tilespmem:v9+s8+$0x0] =	vst.idx.msk $0xffff, v1  }
0x153: {  	v25 =	vand.u32 $0x7F, v25;
	v9 =	vld [tilespmem:s12+$0xFFFFFC00];
	v32 =	vand.u32 $0xFFFFFC00, v2;
	v2 =	vshll.u32 v27, $0x3;
	[tilespmem:v8+s8+$0x0] =	vst.idx.msk $0xffff, v1  }
0x154: {  	v8 =	vand.u32 $0x7F, v23;
	v23 =	vand.u32 $0xFFFFFC00, v2;
	v2 =	vshll.u32 v28, $0x3;
	[tilespmem:v6+s8+$0x0] =	vst.idx.msk $0xffff, v1  }
0x155: {  	v6 =	vand.u32 $0x7F, v26;
	v26 =	vand.u32 $0xFFFFFC00, v2;
	v2 =	vshll.u32 v29, $0x3;
	[tilespmem:v7+s8+$0x0] =	vst.idx.msk $0xffff, v1  }
0x156: {  	v7 =	vand.u32 $0x7F, v27;
	v27 =	vand.u32 $0xFFFFFC00, v2;
	v2 =	vshll.u32 v30, $0x3;
	[tilespmem:v5+s8+$0x0] =	vst.idx.msk $0xffff, v1  }
0x157: {  	v5 =	vand.u32 $0x7F, v28;
	v28 =	vand.u32 $0xFFFFFC00, v2;
	v2 =	vshll.u32 v31, $0x3;
	[tilespmem:v4+s8+$0x0] =	vst.idx.msk $0xffff, v1  }
0x158: {  	v4 =	vand.u32 $0x7F, v9;
	v9 =	vshll.u32 v9, $0x3;
	v2 =	vand.u32 $0xFFFFFC00, v2;
	[tilespmem:v16+s8+$0x0] =	vst.idx.msk $0xffff, v1  }
0x159: {  	v29 =	vand.u32 $0x7F, v29;
	v30 =	vand.u32 $0x7F, v30;
	v9 =	vand.u32 $0xFFFFFC00, v9  }
.Ltmp10:
0x15a: {  	v17 =	vor.u32 v17, v3;
	v3 =	vand.u32 $0x7F, v31;
	v16 =	vor.u32 v9, v4;
	(pc) =	sbr.rel @p0 .LBB2_22-.Ltmp10, $4  }
0x15b: {  	v13 =	vor.u32 v13, v15;
	v14 =	vor.u32 v14, v12;
	v15 =	vor.u32 v19, v11  }
0x15c: {  	v12 =	vor.u32 v20, v10;
	v11 =	vor.u32 v21, v18;
	v10 =	vor.u32 v22, v25  }
0x15d: {  	v9 =	vor.u32 v24, v8;
	v8 =	vor.u32 v32, v6;
	v6 =	vor.u32 v23, v7  }
0x15e: {  	s12 =	sadd.s32 $0x800, s12;
	v7 =	vor.u32 v26, v5;
	v5 =	vor.u32 v27, v29;
	v4 =	vor.u32 v28, v30  }
0x15f: {  	v16 =	vor.u32 $0x100, v16  }
0x160: {  	v17 =	vor.u32 $0x100, v17  }
0x161: {  	v13 =	vor.u32 $0x100, v13  }
0x162: {  	v14 =	vor.u32 $0x100, v14  }
0x163: {  	v15 =	vor.u32 $0x100, v15  }
0x164: {  	v12 =	vor.u32 $0x100, v12;
	[tilespmem:v16+s8+$0x0] =	vst.idx.msk $0xffff, v1  }
0x165: {  	v11 =	vor.u32 $0x100, v11;
	[tilespmem:v17+s8+$0x0] =	vst.idx.msk $0xffff, v1  }
0x166: {  	v10 =	vor.u32 $0x100, v10;
	[tilespmem:v13+s8+$0x0] =	vst.idx.msk $0xffff, v1  }
0x167: {  	v9 =	vor.u32 $0x100, v9;
	[tilespmem:v14+s8+$0x0] =	vst.idx.msk $0xffff, v1  }
0x168: {  	v8 =	vor.u32 $0x100, v8;
	[tilespmem:v15+s8+$0x0] =	vst.idx.msk $0xffff, v1  }
0x169: {  	v6 =	vor.u32 $0x100, v6;
	[tilespmem:v12+s8+$0x0] =	vst.idx.msk $0xffff, v1  }
0x16a: {  	v7 =	vor.u32 $0x100, v7;
	[tilespmem:v11+s8+$0x0] =	vst.idx.msk $0xffff, v1  }
0x16b: {  	v5 =	vor.u32 $0x100, v5;
	[tilespmem:v10+s8+$0x0] =	vst.idx.msk $0xffff, v1  }
0x16c: {  	v2 =	vor.u32 v2, v3;
	v3 =	vor.u32 $0x100, v4;
	[tilespmem:v9+s8+$0x0] =	vst.idx.msk $0xffff, v1  }
0x16d: {  	v2 =	vor.u32 $0x100, v2;
	[tilespmem:v8+s8+$0x0] =	vst.idx.msk $0xffff, v1  }
0x16e: {  	[tilespmem:v6+s8+$0x0] =	vst.idx.msk $0xffff, v1  }
0x16f: {  	[tilespmem:v7+s8+$0x0] =	vst.idx.msk $0xffff, v1  }
0x170: {  	[tilespmem:v5+s8+$0x0] =	vst.idx.msk $0xffff, v1  }
0x171: {  	[tilespmem:v3+s8+$0x0] =	vst.idx.msk $0xffff, v1  }
0x172: {  	[tilespmem:v2+s8+$0x0] =	vst.idx.msk $0xffff, v1  }
0x173: {  	v2 =	vld [tilespmem:s10+$0x70]  }
0x174: {  	v3 =	vld [tilespmem:s10+$0xFFFFFC10]  }
0x175: {  	v4 =	vld [tilespmem:s10+$0xFFFFFC20]  }
0x176: {  	v12 =	vld [tilespmem:s10+$0xFFFFFC70]  }
0x177: {  	v13 =	vld [tilespmem:s10+$0x0]  }
0x178: {  	v15 =	vld [tilespmem:s10+$0x10]  }
0x179: {  	v16 =	vld [tilespmem:s10+$0x20]  }
0x17a: {  	v17 =	vld [tilespmem:s10+$0x30]  }
0x17b: {  	v5 =	vld [tilespmem:s10+$0xFFFFFC30];
	v8 =	vshll.u32 v2, $0x3  }
0x17c: {  	v6 =	vld [tilespmem:s10+$0xFFFFFC40];
	v9 =	vshll.u32 v3, $0x3;
	v2 =	vand.u32 $0x7F, v2;
	v11 =	vshll.u32 v4, $0x3  }
0x17d: {  	v7 =	vld [tilespmem:s10+$0xFFFFFC50];
	v3 =	vand.u32 $0x7F, v3;
	v4 =	vand.u32 $0x7F, v4;
	v27 =	vand.u32 $0x7F, v12  }
0x17e: {  	v10 =	vld [tilespmem:s10+$0xFFFFFC60];
	v29 =	vand.u32 $0x7F, v13;
	v31 =	vand.u32 $0x7F, v15;
	v33 =	vand.u32 $0x7F, v16  }
0x17f: {  	v35 =	vand.u32 $0x7F, v17;
	v8 =	vand.u32 $0xFFFFFC00, v8;
	v9 =	vand.u32 $0xFFFFFC00, v9  }
0x180: {  	v2 =	vor.u32 v8, v2;
	v8 =	vand.u32 $0xFFFFFC00, v11;
	v11 =	vshll.u32 v5, $0x3  }
0x181: {  	v26 =	vld [tilespmem:s10+$0xFFFFFC00];
	v5 =	vand.u32 $0x7F, v5;
	v14 =	vor.u32 $0x180, v2;
	v2 =	vshll.u32 v6, $0x3  }
0x182: {  	v11 =	vand.u32 $0xFFFFFC00, v11;
	v18 =	vand.u32 $0xFFFFFC00, v2;
	v2 =	vshll.u32 v7, $0x3  }
0x183: {  	v6 =	vand.u32 $0x7F, v6;
	v19 =	vand.u32 $0xFFFFFC00, v2;
	v2 =	vshll.u32 v10, $0x3  }
0x184: {  	v7 =	vand.u32 $0x7F, v7;
	v20 =	vand.u32 $0xFFFFFC00, v2;
	v2 =	vshll.u32 v12, $0x3  }
0x185: {  	v10 =	vand.u32 $0x7F, v10;
	v22 =	vand.u32 $0xFFFFFC00, v2;
	v2 =	vshll.u32 v13, $0x3  }
0x186: {  	v25 =	vld [tilespmem:s10+$0x60];
	v12 =	vand.u32 $0x7F, v26;
	v13 =	vshll.u32 v26, $0x3;
	v24 =	vand.u32 $0xFFFFFC00, v2  }
0x187: {  	v2 =	vshll.u32 v15, $0x3;
	v13 =	vand.u32 $0xFFFFFC00, v13;
	[tilespmem:v14+s8+$0x0] =	vst.idx.msk $0xffff, v1;
	v14 =	vor.u32 v11, v5  }
0x188: {  	v21 =	vld [tilespmem:s10+$0x40];
	v15 =	vor.u32 v18, v6;
	v11 =	vor.u32 v20, v10;
	v10 =	vor.u32 v22, v27  }
0x189: {  	v23 =	vld [tilespmem:s10+$0x50];
	v28 =	vand.u32 $0xFFFFFC00, v2;
	v2 =	vshll.u32 v16, $0x3;
	v16 =	vor.u32 v13, v12  }
0x18a: {  	v13 =	vor.u32 v8, v4;
	v12 =	vor.u32 v19, v7;
	v30 =	vand.u32 $0xFFFFFC00, v2  }
0x18b: {  	v2 =	vshll.u32 v17, $0x3;
	v17 =	vor.u32 v9, v3;
	v3 =	vand.u32 $0x7F, v25  }
0x18c: {  	v9 =	vor.u32 v24, v29;
	v8 =	vor.u32 v28, v31;
	v32 =	vand.u32 $0xFFFFFC00, v2  }
0x18d: {  	v2 =	vshll.u32 v21, $0x3;
	v21 =	vand.u32 $0x7F, v21;
	v6 =	vor.u32 v30, v33  }
0x18e: {  	v34 =	vand.u32 $0xFFFFFC00, v2;
	v2 =	vshll.u32 v23, $0x3;
	v23 =	vand.u32 $0x7F, v23  }
0x18f: {  	v7 =	vor.u32 v32, v35;
	v36 =	vand.u32 $0xFFFFFC00, v2;
	v2 =	vshll.u32 v25, $0x3  }
0x190: {  	s11 =	simm.s32 $0x0;
	s12 =	simm.s32 $0xD80;
	s10 =	simm.s32 $0x600;
	v5 =	vor.u32 v34, v21;
	v2 =	vand.u32 $0xFFFFFC00, v2;
	v4 =	vor.u32 v36, v23  }
.LBB2_24:
0x191: {  	v18 =	vld [tilespmem:s12+$0x70];
	s11 =	sadd.s32 $0x100, s11;
	v16 =	vor.u32 $0x180, v16;
	v17 =	vor.u32 $0x180, v17;
	v2 =	vor.u32 v2, v3  }
0x192: {  	v13 =	vor.u32 $0x180, v13;
	v14 =	vor.u32 $0x180, v14;
	v15 =	vor.u32 $0x180, v15;
	v3 =	vld [tilespmem:s12+$0xFFFFFC10];
	p0 =	slt.u32 s11, $0x1F00  }
0x193: {  	v12 =	vor.u32 $0x180, v12;
	v11 =	vor.u32 $0x180, v11;
	v10 =	vor.u32 $0x180, v10;
	v19 =	vld [tilespmem:s12+$0xFFFFFC20]  }
0x194: {  	v9 =	vor.u32 $0x180, v9;
	v8 =	vor.u32 $0x180, v8;
	v6 =	vor.u32 $0x180, v6;
	v20 =	vld [tilespmem:s12+$0xFFFFFC30]  }
0x195: {  	v7 =	vor.u32 $0x180, v7;
	v5 =	vor.u32 $0x180, v5;
	v4 =	vor.u32 $0x180, v4;
	v21 =	vld [tilespmem:s12+$0xFFFFFC40]  }
0x196: {  	v22 =	vld [tilespmem:s12+$0xFFFFFC50];
	v23 =	vshll.u32 v18, $0x3;
	[tilespmem:v16+s8+$0x0] =	vst.idx.msk $0xffff, v1;
	v16 =	vor.u32 $0x180, v2  }
0x197: {  	v18 =	vand.u32 $0x7F, v18;
	v2 =	vshll.u32 v3, $0x3;
	v24 =	vld [tilespmem:s12+$0xFFFFFC60];
	v23 =	vand.u32 $0xFFFFFC00, v23;
	[tilespmem:v17+s8+$0x0] =	vst.idx.msk $0xffff, v1  }
0x198: {  	v17 =	vand.u32 $0xFFFFFC00, v2;
	v2 =	vshll.u32 v19, $0x3;
	v25 =	vld [tilespmem:s12+$0xFFFFFC70];
	v18 =	vor.u32 v23, v18;
	[tilespmem:v13+s8+$0x0] =	vst.idx.msk $0xffff, v1  }
0x199: {  	v13 =	vand.u32 $0xFFFFFC00, v2;
	v2 =	vshll.u32 v20, $0x3;
	v23 =	vld [tilespmem:s12+$0x0];
	v18 =	vor.u32 $0x180, v18;
	[tilespmem:v14+s8+$0x0] =	vst.idx.msk $0xffff, v1  }
0x19a: {  	v3 =	vand.u32 $0x7F, v3;
	v14 =	vand.u32 $0xFFFFFC00, v2;
	v2 =	vshll.u32 v21, $0x3;
	v26 =	vld [tilespmem:s12+$0x10];
	[tilespmem:v15+s8+$0x0] =	vst.idx.msk $0xffff, v1  }
0x19b: {  	v15 =	vand.u32 $0x7F, v19;
	v19 =	vand.u32 $0xFFFFFC00, v2;
	v2 =	vshll.u32 v22, $0x3;
	v27 =	vld [tilespmem:s12+$0x20];
	[tilespmem:v12+s8+$0x0] =	vst.idx.msk $0xffff, v1  }
0x19c: {  	v12 =	vand.u32 $0x7F, v20;
	v20 =	vand.u32 $0xFFFFFC00, v2;
	v2 =	vshll.u32 v24, $0x3;
	v28 =	vld [tilespmem:s12+$0x30];
	[tilespmem:v11+s8+$0x0] =	vst.idx.msk $0xffff, v1  }
0x19d: {  	v11 =	vand.u32 $0x7F, v21;
	v21 =	vand.u32 $0xFFFFFC00, v2;
	v2 =	vshll.u32 v25, $0x3;
	v29 =	vld [tilespmem:s12+$0x40];
	[tilespmem:v10+s8+$0x0] =	vst.idx.msk $0xffff, v1  }
0x19e: {  	v10 =	vand.u32 $0x7F, v22;
	v22 =	vand.u32 $0xFFFFFC00, v2;
	v2 =	vshll.u32 v23, $0x3;
	v30 =	vld [tilespmem:s12+$0x50];
	[tilespmem:v18+s8+$0x0] =	vst.idx.msk $0xffff, v1  }
0x19f: {  	v18 =	vand.u32 $0x7F, v24;
	v24 =	vand.u32 $0xFFFFFC00, v2;
	v2 =	vshll.u32 v26, $0x3;
	v31 =	vld [tilespmem:s12+$0x60];
	[tilespmem:v9+s8+$0x0] =	vst.idx.msk $0xffff, v1  }
0x1a0: {  	v25 =	vand.u32 $0x7F, v25;
	v9 =	vld [tilespmem:s12+$0xFFFFFC00];
	v32 =	vand.u32 $0xFFFFFC00, v2;
	v2 =	vshll.u32 v27, $0x3;
	[tilespmem:v8+s8+$0x0] =	vst.idx.msk $0xffff, v1  }
0x1a1: {  	v8 =	vand.u32 $0x7F, v23;
	v23 =	vand.u32 $0xFFFFFC00, v2;
	v2 =	vshll.u32 v28, $0x3;
	[tilespmem:v6+s8+$0x0] =	vst.idx.msk $0xffff, v1  }
0x1a2: {  	v6 =	vand.u32 $0x7F, v26;
	v26 =	vand.u32 $0xFFFFFC00, v2;
	v2 =	vshll.u32 v29, $0x3;
	[tilespmem:v7+s8+$0x0] =	vst.idx.msk $0xffff, v1  }
0x1a3: {  	v7 =	vand.u32 $0x7F, v27;
	v27 =	vand.u32 $0xFFFFFC00, v2;
	v2 =	vshll.u32 v30, $0x3;
	[tilespmem:v5+s8+$0x0] =	vst.idx.msk $0xffff, v1  }
0x1a4: {  	v5 =	vand.u32 $0x7F, v28;
	v28 =	vand.u32 $0xFFFFFC00, v2;
	v2 =	vshll.u32 v31, $0x3;
	[tilespmem:v4+s8+$0x0] =	vst.idx.msk $0xffff, v1  }
0x1a5: {  	v4 =	vand.u32 $0x7F, v9;
	v9 =	vshll.u32 v9, $0x3;
	v2 =	vand.u32 $0xFFFFFC00, v2;
	[tilespmem:v16+s8+$0x0] =	vst.idx.msk $0xffff, v1  }
0x1a6: {  	v29 =	vand.u32 $0x7F, v29;
	v30 =	vand.u32 $0x7F, v30;
	v9 =	vand.u32 $0xFFFFFC00, v9  }
.Ltmp11:
0x1a7: {  	v17 =	vor.u32 v17, v3;
	v3 =	vand.u32 $0x7F, v31;
	v16 =	vor.u32 v9, v4;
	(pc) =	sbr.rel @p0 .LBB2_24-.Ltmp11, $4  }
0x1a8: {  	v13 =	vor.u32 v13, v15;
	v14 =	vor.u32 v14, v12;
	v15 =	vor.u32 v19, v11  }
0x1a9: {  	v12 =	vor.u32 v20, v10;
	v11 =	vor.u32 v21, v18;
	v10 =	vor.u32 v22, v25  }
0x1aa: {  	v9 =	vor.u32 v24, v8;
	v8 =	vor.u32 v32, v6;
	v6 =	vor.u32 v23, v7  }
0x1ab: {  	s12 =	sadd.s32 $0x800, s12;
	v7 =	vor.u32 v26, v5;
	v5 =	vor.u32 v27, v29;
	v4 =	vor.u32 v28, v30  }
0x1ac: {  	v16 =	vor.u32 $0x180, v16  }
0x1ad: {  	v17 =	vor.u32 $0x180, v17  }
0x1ae: {  	v13 =	vor.u32 $0x180, v13  }
0x1af: {  	v14 =	vor.u32 $0x180, v14  }
0x1b0: {  	v15 =	vor.u32 $0x180, v15  }
0x1b1: {  	v12 =	vor.u32 $0x180, v12;
	[tilespmem:v16+s8+$0x0] =	vst.idx.msk $0xffff, v1  }
0x1b2: {  	v11 =	vor.u32 $0x180, v11;
	[tilespmem:v17+s8+$0x0] =	vst.idx.msk $0xffff, v1  }
0x1b3: {  	v10 =	vor.u32 $0x180, v10;
	[tilespmem:v13+s8+$0x0] =	vst.idx.msk $0xffff, v1  }
0x1b4: {  	v9 =	vor.u32 $0x180, v9;
	[tilespmem:v14+s8+$0x0] =	vst.idx.msk $0xffff, v1  }
0x1b5: {  	v8 =	vor.u32 $0x180, v8;
	[tilespmem:v15+s8+$0x0] =	vst.idx.msk $0xffff, v1  }
0x1b6: {  	v6 =	vor.u32 $0x180, v6;
	[tilespmem:v12+s8+$0x0] =	vst.idx.msk $0xffff, v1  }
0x1b7: {  	v7 =	vor.u32 $0x180, v7;
	[tilespmem:v11+s8+$0x0] =	vst.idx.msk $0xffff, v1  }
0x1b8: {  	v5 =	vor.u32 $0x180, v5;
	[tilespmem:v10+s8+$0x0] =	vst.idx.msk $0xffff, v1  }
0x1b9: {  	v2 =	vor.u32 v2, v3;
	v3 =	vor.u32 $0x180, v4;
	[tilespmem:v9+s8+$0x0] =	vst.idx.msk $0xffff, v1  }
0x1ba: {  	v2 =	vor.u32 $0x180, v2;
	[tilespmem:v8+s8+$0x0] =	vst.idx.msk $0xffff, v1  }
0x1bb: {  	[tilespmem:v6+s8+$0x0] =	vst.idx.msk $0xffff, v1  }
0x1bc: {  	[tilespmem:v7+s8+$0x0] =	vst.idx.msk $0xffff, v1  }
0x1bd: {  	[tilespmem:v5+s8+$0x0] =	vst.idx.msk $0xffff, v1  }
0x1be: {  	[tilespmem:v3+s8+$0x0] =	vst.idx.msk $0xffff, v1  }
0x1bf: {  	[tilespmem:v2+s8+$0x0] =	vst.idx.msk $0xffff, v1  }
0x1c0: {  	v2 =	vld [tilespmem:s10+$0x70]  }
0x1c1: {  	v3 =	vld [tilespmem:s10+$0xFFFFFC10]  }
0x1c2: {  	v4 =	vld [tilespmem:s10+$0xFFFFFC20]  }
0x1c3: {  	v12 =	vld [tilespmem:s10+$0xFFFFFC70]  }
0x1c4: {  	v13 =	vld [tilespmem:s10+$0x0]  }
0x1c5: {  	v15 =	vld [tilespmem:s10+$0x10]  }
0x1c6: {  	v16 =	vld [tilespmem:s10+$0x20]  }
0x1c7: {  	v17 =	vld [tilespmem:s10+$0x30]  }
0x1c8: {  	v5 =	vld [tilespmem:s10+$0xFFFFFC30];
	v8 =	vshll.u32 v2, $0x3  }
0x1c9: {  	v6 =	vld [tilespmem:s10+$0xFFFFFC40];
	v9 =	vshll.u32 v3, $0x3;
	v2 =	vand.u32 $0x7F, v2;
	v11 =	vshll.u32 v4, $0x3  }
0x1ca: {  	v7 =	vld [tilespmem:s10+$0xFFFFFC50];
	v3 =	vand.u32 $0x7F, v3;
	v4 =	vand.u32 $0x7F, v4;
	v27 =	vand.u32 $0x7F, v12  }
0x1cb: {  	v10 =	vld [tilespmem:s10+$0xFFFFFC60];
	v29 =	vand.u32 $0x7F, v13;
	v31 =	vand.u32 $0x7F, v15;
	v33 =	vand.u32 $0x7F, v16  }
0x1cc: {  	v35 =	vand.u32 $0x7F, v17;
	v8 =	vand.u32 $0xFFFFFC00, v8;
	v9 =	vand.u32 $0xFFFFFC00, v9  }
0x1cd: {  	v2 =	vor.u32 v8, v2;
	v8 =	vand.u32 $0xFFFFFC00, v11;
	v11 =	vshll.u32 v5, $0x3  }
0x1ce: {  	v26 =	vld [tilespmem:s10+$0xFFFFFC00];
	v5 =	vand.u32 $0x7F, v5;
	v14 =	vor.u32 $0x200, v2;
	v2 =	vshll.u32 v6, $0x3  }
0x1cf: {  	v11 =	vand.u32 $0xFFFFFC00, v11;
	v18 =	vand.u32 $0xFFFFFC00, v2;
	v2 =	vshll.u32 v7, $0x3  }
0x1d0: {  	v6 =	vand.u32 $0x7F, v6;
	v19 =	vand.u32 $0xFFFFFC00, v2;
	v2 =	vshll.u32 v10, $0x3  }
0x1d1: {  	v7 =	vand.u32 $0x7F, v7;
	v20 =	vand.u32 $0xFFFFFC00, v2;
	v2 =	vshll.u32 v12, $0x3  }
0x1d2: {  	v10 =	vand.u32 $0x7F, v10;
	v22 =	vand.u32 $0xFFFFFC00, v2;
	v2 =	vshll.u32 v13, $0x3  }
0x1d3: {  	v25 =	vld [tilespmem:s10+$0x60];
	v12 =	vand.u32 $0x7F, v26;
	v13 =	vshll.u32 v26, $0x3;
	v24 =	vand.u32 $0xFFFFFC00, v2  }
0x1d4: {  	v2 =	vshll.u32 v15, $0x3;
	v13 =	vand.u32 $0xFFFFFC00, v13;
	[tilespmem:v14+s8+$0x0] =	vst.idx.msk $0xffff, v1;
	v14 =	vor.u32 v11, v5  }
0x1d5: {  	v21 =	vld [tilespmem:s10+$0x40];
	v15 =	vor.u32 v18, v6;
	v11 =	vor.u32 v20, v10;
	v10 =	vor.u32 v22, v27  }
0x1d6: {  	v23 =	vld [tilespmem:s10+$0x50];
	v28 =	vand.u32 $0xFFFFFC00, v2;
	v2 =	vshll.u32 v16, $0x3;
	v16 =	vor.u32 v13, v12  }
0x1d7: {  	v13 =	vor.u32 v8, v4;
	v12 =	vor.u32 v19, v7;
	v30 =	vand.u32 $0xFFFFFC00, v2  }
0x1d8: {  	v2 =	vshll.u32 v17, $0x3;
	v17 =	vor.u32 v9, v3;
	v3 =	vand.u32 $0x7F, v25  }
0x1d9: {  	v9 =	vor.u32 v24, v29;
	v8 =	vor.u32 v28, v31;
	v32 =	vand.u32 $0xFFFFFC00, v2  }
0x1da: {  	v2 =	vshll.u32 v21, $0x3;
	v21 =	vand.u32 $0x7F, v21;
	v6 =	vor.u32 v30, v33  }
0x1db: {  	v34 =	vand.u32 $0xFFFFFC00, v2;
	v2 =	vshll.u32 v23, $0x3;
	v23 =	vand.u32 $0x7F, v23  }
0x1dc: {  	v7 =	vor.u32 v32, v35;
	v36 =	vand.u32 $0xFFFFFC00, v2;
	v2 =	vshll.u32 v25, $0x3  }
0x1dd: {  	s11 =	simm.s32 $0x0;
	s12 =	simm.s32 $0xE00;
	s10 =	simm.s32 $0x680;
	v5 =	vor.u32 v34, v21;
	v2 =	vand.u32 $0xFFFFFC00, v2;
	v4 =	vor.u32 v36, v23  }
.LBB2_26:
0x1de: {  	v18 =	vld [tilespmem:s12+$0x70];
	s11 =	sadd.s32 $0x100, s11;
	v16 =	vor.u32 $0x200, v16;
	v17 =	vor.u32 $0x200, v17;
	v2 =	vor.u32 v2, v3  }
0x1df: {  	v13 =	vor.u32 $0x200, v13;
	v14 =	vor.u32 $0x200, v14;
	v15 =	vor.u32 $0x200, v15;
	v3 =	vld [tilespmem:s12+$0xFFFFFC10];
	p0 =	slt.u32 s11, $0x1F00  }
0x1e0: {  	v12 =	vor.u32 $0x200, v12;
	v11 =	vor.u32 $0x200, v11;
	v10 =	vor.u32 $0x200, v10;
	v19 =	vld [tilespmem:s12+$0xFFFFFC20]  }
0x1e1: {  	v9 =	vor.u32 $0x200, v9;
	v8 =	vor.u32 $0x200, v8;
	v6 =	vor.u32 $0x200, v6;
	v20 =	vld [tilespmem:s12+$0xFFFFFC30]  }
0x1e2: {  	v7 =	vor.u32 $0x200, v7;
	v5 =	vor.u32 $0x200, v5;
	v4 =	vor.u32 $0x200, v4;
	v21 =	vld [tilespmem:s12+$0xFFFFFC40]  }
0x1e3: {  	v22 =	vld [tilespmem:s12+$0xFFFFFC50];
	v23 =	vshll.u32 v18, $0x3;
	[tilespmem:v16+s8+$0x0] =	vst.idx.msk $0xffff, v1;
	v16 =	vor.u32 $0x200, v2  }
0x1e4: {  	v18 =	vand.u32 $0x7F, v18;
	v2 =	vshll.u32 v3, $0x3;
	v24 =	vld [tilespmem:s12+$0xFFFFFC60];
	v23 =	vand.u32 $0xFFFFFC00, v23;
	[tilespmem:v17+s8+$0x0] =	vst.idx.msk $0xffff, v1  }
0x1e5: {  	v17 =	vand.u32 $0xFFFFFC00, v2;
	v2 =	vshll.u32 v19, $0x3;
	v25 =	vld [tilespmem:s12+$0xFFFFFC70];
	v18 =	vor.u32 v23, v18;
	[tilespmem:v13+s8+$0x0] =	vst.idx.msk $0xffff, v1  }
0x1e6: {  	v13 =	vand.u32 $0xFFFFFC00, v2;
	v2 =	vshll.u32 v20, $0x3;
	v23 =	vld [tilespmem:s12+$0x0];
	v18 =	vor.u32 $0x200, v18;
	[tilespmem:v14+s8+$0x0] =	vst.idx.msk $0xffff, v1  }
0x1e7: {  	v3 =	vand.u32 $0x7F, v3;
	v14 =	vand.u32 $0xFFFFFC00, v2;
	v2 =	vshll.u32 v21, $0x3;
	v26 =	vld [tilespmem:s12+$0x10];
	[tilespmem:v15+s8+$0x0] =	vst.idx.msk $0xffff, v1  }
0x1e8: {  	v15 =	vand.u32 $0x7F, v19;
	v19 =	vand.u32 $0xFFFFFC00, v2;
	v2 =	vshll.u32 v22, $0x3;
	v27 =	vld [tilespmem:s12+$0x20];
	[tilespmem:v12+s8+$0x0] =	vst.idx.msk $0xffff, v1  }
0x1e9: {  	v12 =	vand.u32 $0x7F, v20;
	v20 =	vand.u32 $0xFFFFFC00, v2;
	v2 =	vshll.u32 v24, $0x3;
	v28 =	vld [tilespmem:s12+$0x30];
	[tilespmem:v11+s8+$0x0] =	vst.idx.msk $0xffff, v1  }
0x1ea: {  	v11 =	vand.u32 $0x7F, v21;
	v21 =	vand.u32 $0xFFFFFC00, v2;
	v2 =	vshll.u32 v25, $0x3;
	v29 =	vld [tilespmem:s12+$0x40];
	[tilespmem:v10+s8+$0x0] =	vst.idx.msk $0xffff, v1  }
0x1eb: {  	v10 =	vand.u32 $0x7F, v22;
	v22 =	vand.u32 $0xFFFFFC00, v2;
	v2 =	vshll.u32 v23, $0x3;
	v30 =	vld [tilespmem:s12+$0x50];
	[tilespmem:v18+s8+$0x0] =	vst.idx.msk $0xffff, v1  }
0x1ec: {  	v18 =	vand.u32 $0x7F, v24;
	v24 =	vand.u32 $0xFFFFFC00, v2;
	v2 =	vshll.u32 v26, $0x3;
	v31 =	vld [tilespmem:s12+$0x60];
	[tilespmem:v9+s8+$0x0] =	vst.idx.msk $0xffff, v1  }
0x1ed: {  	v25 =	vand.u32 $0x7F, v25;
	v9 =	vld [tilespmem:s12+$0xFFFFFC00];
	v32 =	vand.u32 $0xFFFFFC00, v2;
	v2 =	vshll.u32 v27, $0x3;
	[tilespmem:v8+s8+$0x0] =	vst.idx.msk $0xffff, v1  }
0x1ee: {  	v8 =	vand.u32 $0x7F, v23;
	v23 =	vand.u32 $0xFFFFFC00, v2;
	v2 =	vshll.u32 v28, $0x3;
	[tilespmem:v6+s8+$0x0] =	vst.idx.msk $0xffff, v1  }
0x1ef: {  	v6 =	vand.u32 $0x7F, v26;
	v26 =	vand.u32 $0xFFFFFC00, v2;
	v2 =	vshll.u32 v29, $0x3;
	[tilespmem:v7+s8+$0x0] =	vst.idx.msk $0xffff, v1  }
0x1f0: {  	v7 =	vand.u32 $0x7F, v27;
	v27 =	vand.u32 $0xFFFFFC00, v2;
	v2 =	vshll.u32 v30, $0x3;
	[tilespmem:v5+s8+$0x0] =	vst.idx.msk $0xffff, v1  }
0x1f1: {  	v5 =	vand.u32 $0x7F, v28;
	v28 =	vand.u32 $0xFFFFFC00, v2;
	v2 =	vshll.u32 v31, $0x3;
	[tilespmem:v4+s8+$0x0] =	vst.idx.msk $0xffff, v1  }
0x1f2: {  	v4 =	vand.u32 $0x7F, v9;
	v9 =	vshll.u32 v9, $0x3;
	v2 =	vand.u32 $0xFFFFFC00, v2;
	[tilespmem:v16+s8+$0x0] =	vst.idx.msk $0xffff, v1  }
0x1f3: {  	v29 =	vand.u32 $0x7F, v29;
	v30 =	vand.u32 $0x7F, v30;
	v9 =	vand.u32 $0xFFFFFC00, v9  }
.Ltmp12:
0x1f4: {  	v17 =	vor.u32 v17, v3;
	v3 =	vand.u32 $0x7F, v31;
	v16 =	vor.u32 v9, v4;
	(pc) =	sbr.rel @p0 .LBB2_26-.Ltmp12, $4  }
0x1f5: {  	v13 =	vor.u32 v13, v15;
	v14 =	vor.u32 v14, v12;
	v15 =	vor.u32 v19, v11  }
0x1f6: {  	v12 =	vor.u32 v20, v10;
	v11 =	vor.u32 v21, v18;
	v10 =	vor.u32 v22, v25  }
0x1f7: {  	v9 =	vor.u32 v24, v8;
	v8 =	vor.u32 v32, v6;
	v6 =	vor.u32 v23, v7  }
0x1f8: {  	s12 =	sadd.s32 $0x800, s12;
	v7 =	vor.u32 v26, v5;
	v5 =	vor.u32 v27, v29;
	v4 =	vor.u32 v28, v30  }
0x1f9: {  	v16 =	vor.u32 $0x200, v16  }
0x1fa: {  	v17 =	vor.u32 $0x200, v17  }
0x1fb: {  	v13 =	vor.u32 $0x200, v13  }
0x1fc: {  	v14 =	vor.u32 $0x200, v14  }
0x1fd: {  	v15 =	vor.u32 $0x200, v15  }
0x1fe: {  	v12 =	vor.u32 $0x200, v12;
	[tilespmem:v16+s8+$0x0] =	vst.idx.msk $0xffff, v1  }
0x1ff: {  	v11 =	vor.u32 $0x200, v11;
	[tilespmem:v17+s8+$0x0] =	vst.idx.msk $0xffff, v1  }
0x200: {  	v10 =	vor.u32 $0x200, v10;
	[tilespmem:v13+s8+$0x0] =	vst.idx.msk $0xffff, v1  }
0x201: {  	v9 =	vor.u32 $0x200, v9;
	[tilespmem:v14+s8+$0x0] =	vst.idx.msk $0xffff, v1  }
0x202: {  	v8 =	vor.u32 $0x200, v8;
	[tilespmem:v15+s8+$0x0] =	vst.idx.msk $0xffff, v1  }
0x203: {  	v6 =	vor.u32 $0x200, v6;
	[tilespmem:v12+s8+$0x0] =	vst.idx.msk $0xffff, v1  }
0x204: {  	v7 =	vor.u32 $0x200, v7;
	[tilespmem:v11+s8+$0x0] =	vst.idx.msk $0xffff, v1  }
0x205: {  	v5 =	vor.u32 $0x200, v5;
	[tilespmem:v10+s8+$0x0] =	vst.idx.msk $0xffff, v1  }
0x206: {  	v2 =	vor.u32 v2, v3;
	v3 =	vor.u32 $0x200, v4;
	[tilespmem:v9+s8+$0x0] =	vst.idx.msk $0xffff, v1  }
0x207: {  	v2 =	vor.u32 $0x200, v2;
	[tilespmem:v8+s8+$0x0] =	vst.idx.msk $0xffff, v1  }
0x208: {  	[tilespmem:v6+s8+$0x0] =	vst.idx.msk $0xffff, v1  }
0x209: {  	[tilespmem:v7+s8+$0x0] =	vst.idx.msk $0xffff, v1  }
0x20a: {  	[tilespmem:v5+s8+$0x0] =	vst.idx.msk $0xffff, v1  }
0x20b: {  	[tilespmem:v3+s8+$0x0] =	vst.idx.msk $0xffff, v1  }
0x20c: {  	[tilespmem:v2+s8+$0x0] =	vst.idx.msk $0xffff, v1  }
0x20d: {  	v2 =	vld [tilespmem:s10+$0x70]  }
0x20e: {  	v3 =	vld [tilespmem:s10+$0xFFFFFC10]  }
0x20f: {  	v4 =	vld [tilespmem:s10+$0xFFFFFC20]  }
0x210: {  	v12 =	vld [tilespmem:s10+$0xFFFFFC70]  }
0x211: {  	v13 =	vld [tilespmem:s10+$0x0]  }
0x212: {  	v15 =	vld [tilespmem:s10+$0x10]  }
0x213: {  	v16 =	vld [tilespmem:s10+$0x20]  }
0x214: {  	v17 =	vld [tilespmem:s10+$0x30]  }
0x215: {  	v5 =	vld [tilespmem:s10+$0xFFFFFC30];
	v8 =	vshll.u32 v2, $0x3  }
0x216: {  	v6 =	vld [tilespmem:s10+$0xFFFFFC40];
	v9 =	vshll.u32 v3, $0x3;
	v2 =	vand.u32 $0x7F, v2;
	v11 =	vshll.u32 v4, $0x3  }
0x217: {  	v7 =	vld [tilespmem:s10+$0xFFFFFC50];
	v3 =	vand.u32 $0x7F, v3;
	v4 =	vand.u32 $0x7F, v4;
	v27 =	vand.u32 $0x7F, v12  }
0x218: {  	v10 =	vld [tilespmem:s10+$0xFFFFFC60];
	v29 =	vand.u32 $0x7F, v13;
	v31 =	vand.u32 $0x7F, v15;
	v33 =	vand.u32 $0x7F, v16  }
0x219: {  	v35 =	vand.u32 $0x7F, v17;
	v8 =	vand.u32 $0xFFFFFC00, v8;
	v9 =	vand.u32 $0xFFFFFC00, v9  }
0x21a: {  	v2 =	vor.u32 v8, v2;
	v8 =	vand.u32 $0xFFFFFC00, v11;
	v11 =	vshll.u32 v5, $0x3  }
0x21b: {  	v26 =	vld [tilespmem:s10+$0xFFFFFC00];
	v5 =	vand.u32 $0x7F, v5;
	v14 =	vor.u32 $0x280, v2;
	v2 =	vshll.u32 v6, $0x3  }
0x21c: {  	v11 =	vand.u32 $0xFFFFFC00, v11;
	v18 =	vand.u32 $0xFFFFFC00, v2;
	v2 =	vshll.u32 v7, $0x3  }
0x21d: {  	v6 =	vand.u32 $0x7F, v6;
	v19 =	vand.u32 $0xFFFFFC00, v2;
	v2 =	vshll.u32 v10, $0x3  }
0x21e: {  	v7 =	vand.u32 $0x7F, v7;
	v20 =	vand.u32 $0xFFFFFC00, v2;
	v2 =	vshll.u32 v12, $0x3  }
0x21f: {  	v10 =	vand.u32 $0x7F, v10;
	v22 =	vand.u32 $0xFFFFFC00, v2;
	v2 =	vshll.u32 v13, $0x3  }
0x220: {  	v25 =	vld [tilespmem:s10+$0x60];
	v12 =	vand.u32 $0x7F, v26;
	v13 =	vshll.u32 v26, $0x3;
	v24 =	vand.u32 $0xFFFFFC00, v2  }
0x221: {  	v2 =	vshll.u32 v15, $0x3;
	v13 =	vand.u32 $0xFFFFFC00, v13;
	[tilespmem:v14+s8+$0x0] =	vst.idx.msk $0xffff, v1;
	v14 =	vor.u32 v11, v5  }
0x222: {  	v21 =	vld [tilespmem:s10+$0x40];
	v15 =	vor.u32 v18, v6;
	v11 =	vor.u32 v20, v10;
	v10 =	vor.u32 v22, v27  }
0x223: {  	v23 =	vld [tilespmem:s10+$0x50];
	v28 =	vand.u32 $0xFFFFFC00, v2;
	v2 =	vshll.u32 v16, $0x3;
	v16 =	vor.u32 v13, v12  }
0x224: {  	v13 =	vor.u32 v8, v4;
	v12 =	vor.u32 v19, v7;
	v30 =	vand.u32 $0xFFFFFC00, v2  }
0x225: {  	v2 =	vshll.u32 v17, $0x3;
	v17 =	vor.u32 v9, v3;
	v3 =	vand.u32 $0x7F, v25  }
0x226: {  	v9 =	vor.u32 v24, v29;
	v8 =	vor.u32 v28, v31;
	v32 =	vand.u32 $0xFFFFFC00, v2  }
0x227: {  	v2 =	vshll.u32 v21, $0x3;
	v21 =	vand.u32 $0x7F, v21;
	v6 =	vor.u32 v30, v33  }
0x228: {  	v34 =	vand.u32 $0xFFFFFC00, v2;
	v2 =	vshll.u32 v23, $0x3;
	v23 =	vand.u32 $0x7F, v23  }
0x229: {  	v7 =	vor.u32 v32, v35;
	v36 =	vand.u32 $0xFFFFFC00, v2;
	v2 =	vshll.u32 v25, $0x3  }
0x22a: {  	s11 =	simm.s32 $0x0;
	s12 =	simm.s32 $0xE80;
	s10 =	simm.s32 $0x700;
	v5 =	vor.u32 v34, v21;
	v2 =	vand.u32 $0xFFFFFC00, v2;
	v4 =	vor.u32 v36, v23  }
.LBB2_28:
0x22b: {  	v18 =	vld [tilespmem:s12+$0x70];
	s11 =	sadd.s32 $0x100, s11;
	v16 =	vor.u32 $0x280, v16;
	v17 =	vor.u32 $0x280, v17;
	v2 =	vor.u32 v2, v3  }
0x22c: {  	v13 =	vor.u32 $0x280, v13;
	v14 =	vor.u32 $0x280, v14;
	v15 =	vor.u32 $0x280, v15;
	v3 =	vld [tilespmem:s12+$0xFFFFFC10];
	p0 =	slt.u32 s11, $0x1F00  }
0x22d: {  	v12 =	vor.u32 $0x280, v12;
	v11 =	vor.u32 $0x280, v11;
	v10 =	vor.u32 $0x280, v10;
	v19 =	vld [tilespmem:s12+$0xFFFFFC20]  }
0x22e: {  	v9 =	vor.u32 $0x280, v9;
	v8 =	vor.u32 $0x280, v8;
	v6 =	vor.u32 $0x280, v6;
	v20 =	vld [tilespmem:s12+$0xFFFFFC30]  }
0x22f: {  	v7 =	vor.u32 $0x280, v7;
	v5 =	vor.u32 $0x280, v5;
	v4 =	vor.u32 $0x280, v4;
	v21 =	vld [tilespmem:s12+$0xFFFFFC40]  }
0x230: {  	v22 =	vld [tilespmem:s12+$0xFFFFFC50];
	v23 =	vshll.u32 v18, $0x3;
	[tilespmem:v16+s8+$0x0] =	vst.idx.msk $0xffff, v1;
	v16 =	vor.u32 $0x280, v2  }
0x231: {  	v18 =	vand.u32 $0x7F, v18;
	v2 =	vshll.u32 v3, $0x3;
	v24 =	vld [tilespmem:s12+$0xFFFFFC60];
	v23 =	vand.u32 $0xFFFFFC00, v23;
	[tilespmem:v17+s8+$0x0] =	vst.idx.msk $0xffff, v1  }
0x232: {  	v17 =	vand.u32 $0xFFFFFC00, v2;
	v2 =	vshll.u32 v19, $0x3;
	v25 =	vld [tilespmem:s12+$0xFFFFFC70];
	v18 =	vor.u32 v23, v18;
	[tilespmem:v13+s8+$0x0] =	vst.idx.msk $0xffff, v1  }
0x233: {  	v13 =	vand.u32 $0xFFFFFC00, v2;
	v2 =	vshll.u32 v20, $0x3;
	v23 =	vld [tilespmem:s12+$0x0];
	v18 =	vor.u32 $0x280, v18;
	[tilespmem:v14+s8+$0x0] =	vst.idx.msk $0xffff, v1  }
0x234: {  	v3 =	vand.u32 $0x7F, v3;
	v14 =	vand.u32 $0xFFFFFC00, v2;
	v2 =	vshll.u32 v21, $0x3;
	v26 =	vld [tilespmem:s12+$0x10];
	[tilespmem:v15+s8+$0x0] =	vst.idx.msk $0xffff, v1  }
0x235: {  	v15 =	vand.u32 $0x7F, v19;
	v19 =	vand.u32 $0xFFFFFC00, v2;
	v2 =	vshll.u32 v22, $0x3;
	v27 =	vld [tilespmem:s12+$0x20];
	[tilespmem:v12+s8+$0x0] =	vst.idx.msk $0xffff, v1  }
0x236: {  	v12 =	vand.u32 $0x7F, v20;
	v20 =	vand.u32 $0xFFFFFC00, v2;
	v2 =	vshll.u32 v24, $0x3;
	v28 =	vld [tilespmem:s12+$0x30];
	[tilespmem:v11+s8+$0x0] =	vst.idx.msk $0xffff, v1  }
0x237: {  	v11 =	vand.u32 $0x7F, v21;
	v21 =	vand.u32 $0xFFFFFC00, v2;
	v2 =	vshll.u32 v25, $0x3;
	v29 =	vld [tilespmem:s12+$0x40];
	[tilespmem:v10+s8+$0x0] =	vst.idx.msk $0xffff, v1  }
0x238: {  	v10 =	vand.u32 $0x7F, v22;
	v22 =	vand.u32 $0xFFFFFC00, v2;
	v2 =	vshll.u32 v23, $0x3;
	v30 =	vld [tilespmem:s12+$0x50];
	[tilespmem:v18+s8+$0x0] =	vst.idx.msk $0xffff, v1  }
0x239: {  	v18 =	vand.u32 $0x7F, v24;
	v24 =	vand.u32 $0xFFFFFC00, v2;
	v2 =	vshll.u32 v26, $0x3;
	v31 =	vld [tilespmem:s12+$0x60];
	[tilespmem:v9+s8+$0x0] =	vst.idx.msk $0xffff, v1  }
0x23a: {  	v25 =	vand.u32 $0x7F, v25;
	v9 =	vld [tilespmem:s12+$0xFFFFFC00];
	v32 =	vand.u32 $0xFFFFFC00, v2;
	v2 =	vshll.u32 v27, $0x3;
	[tilespmem:v8+s8+$0x0] =	vst.idx.msk $0xffff, v1  }
0x23b: {  	v8 =	vand.u32 $0x7F, v23;
	v23 =	vand.u32 $0xFFFFFC00, v2;
	v2 =	vshll.u32 v28, $0x3;
	[tilespmem:v6+s8+$0x0] =	vst.idx.msk $0xffff, v1  }
0x23c: {  	v6 =	vand.u32 $0x7F, v26;
	v26 =	vand.u32 $0xFFFFFC00, v2;
	v2 =	vshll.u32 v29, $0x3;
	[tilespmem:v7+s8+$0x0] =	vst.idx.msk $0xffff, v1  }
0x23d: {  	v7 =	vand.u32 $0x7F, v27;
	v27 =	vand.u32 $0xFFFFFC00, v2;
	v2 =	vshll.u32 v30, $0x3;
	[tilespmem:v5+s8+$0x0] =	vst.idx.msk $0xffff, v1  }
0x23e: {  	v5 =	vand.u32 $0x7F, v28;
	v28 =	vand.u32 $0xFFFFFC00, v2;
	v2 =	vshll.u32 v31, $0x3;
	[tilespmem:v4+s8+$0x0] =	vst.idx.msk $0xffff, v1  }
0x23f: {  	v4 =	vand.u32 $0x7F, v9;
	v9 =	vshll.u32 v9, $0x3;
	v2 =	vand.u32 $0xFFFFFC00, v2;
	[tilespmem:v16+s8+$0x0] =	vst.idx.msk $0xffff, v1  }
0x240: {  	v29 =	vand.u32 $0x7F, v29;
	v30 =	vand.u32 $0x7F, v30;
	v9 =	vand.u32 $0xFFFFFC00, v9  }
.Ltmp13:
0x241: {  	v17 =	vor.u32 v17, v3;
	v3 =	vand.u32 $0x7F, v31;
	v16 =	vor.u32 v9, v4;
	(pc) =	sbr.rel @p0 .LBB2_28-.Ltmp13, $4  }
0x242: {  	v13 =	vor.u32 v13, v15;
	v14 =	vor.u32 v14, v12;
	v15 =	vor.u32 v19, v11  }
0x243: {  	v12 =	vor.u32 v20, v10;
	v11 =	vor.u32 v21, v18;
	v10 =	vor.u32 v22, v25  }
0x244: {  	v9 =	vor.u32 v24, v8;
	v8 =	vor.u32 v32, v6;
	v6 =	vor.u32 v23, v7  }
0x245: {  	s12 =	sadd.s32 $0x800, s12;
	v7 =	vor.u32 v26, v5;
	v5 =	vor.u32 v27, v29;
	v4 =	vor.u32 v28, v30  }
0x246: {  	v16 =	vor.u32 $0x280, v16  }
0x247: {  	v17 =	vor.u32 $0x280, v17  }
0x248: {  	v13 =	vor.u32 $0x280, v13  }
0x249: {  	v14 =	vor.u32 $0x280, v14  }
0x24a: {  	v15 =	vor.u32 $0x280, v15  }
0x24b: {  	v12 =	vor.u32 $0x280, v12;
	[tilespmem:v16+s8+$0x0] =	vst.idx.msk $0xffff, v1  }
0x24c: {  	v11 =	vor.u32 $0x280, v11;
	[tilespmem:v17+s8+$0x0] =	vst.idx.msk $0xffff, v1  }
0x24d: {  	v10 =	vor.u32 $0x280, v10;
	[tilespmem:v13+s8+$0x0] =	vst.idx.msk $0xffff, v1  }
0x24e: {  	v9 =	vor.u32 $0x280, v9;
	[tilespmem:v14+s8+$0x0] =	vst.idx.msk $0xffff, v1  }
0x24f: {  	v8 =	vor.u32 $0x280, v8;
	[tilespmem:v15+s8+$0x0] =	vst.idx.msk $0xffff, v1  }
0x250: {  	v6 =	vor.u32 $0x280, v6;
	[tilespmem:v12+s8+$0x0] =	vst.idx.msk $0xffff, v1  }
0x251: {  	v7 =	vor.u32 $0x280, v7;
	[tilespmem:v11+s8+$0x0] =	vst.idx.msk $0xffff, v1  }
0x252: {  	v5 =	vor.u32 $0x280, v5;
	[tilespmem:v10+s8+$0x0] =	vst.idx.msk $0xffff, v1  }
0x253: {  	v2 =	vor.u32 v2, v3;
	v3 =	vor.u32 $0x280, v4;
	[tilespmem:v9+s8+$0x0] =	vst.idx.msk $0xffff, v1  }
0x254: {  	v2 =	vor.u32 $0x280, v2;
	[tilespmem:v8+s8+$0x0] =	vst.idx.msk $0xffff, v1  }
0x255: {  	[tilespmem:v6+s8+$0x0] =	vst.idx.msk $0xffff, v1  }
0x256: {  	[tilespmem:v7+s8+$0x0] =	vst.idx.msk $0xffff, v1  }
0x257: {  	[tilespmem:v5+s8+$0x0] =	vst.idx.msk $0xffff, v1  }
0x258: {  	[tilespmem:v3+s8+$0x0] =	vst.idx.msk $0xffff, v1  }
0x259: {  	[tilespmem:v2+s8+$0x0] =	vst.idx.msk $0xffff, v1  }
0x25a: {  	v2 =	vld [tilespmem:s10+$0x70]  }
0x25b: {  	v3 =	vld [tilespmem:s10+$0xFFFFFC10]  }
0x25c: {  	v4 =	vld [tilespmem:s10+$0xFFFFFC20]  }
0x25d: {  	v12 =	vld [tilespmem:s10+$0xFFFFFC70]  }
0x25e: {  	v13 =	vld [tilespmem:s10+$0x0]  }
0x25f: {  	v15 =	vld [tilespmem:s10+$0x10]  }
0x260: {  	v16 =	vld [tilespmem:s10+$0x20]  }
0x261: {  	v17 =	vld [tilespmem:s10+$0x30]  }
0x262: {  	v5 =	vld [tilespmem:s10+$0xFFFFFC30];
	v8 =	vshll.u32 v2, $0x3  }
0x263: {  	v6 =	vld [tilespmem:s10+$0xFFFFFC40];
	v9 =	vshll.u32 v3, $0x3;
	v2 =	vand.u32 $0x7F, v2;
	v11 =	vshll.u32 v4, $0x3  }
0x264: {  	v7 =	vld [tilespmem:s10+$0xFFFFFC50];
	v3 =	vand.u32 $0x7F, v3;
	v4 =	vand.u32 $0x7F, v4;
	v27 =	vand.u32 $0x7F, v12  }
0x265: {  	v10 =	vld [tilespmem:s10+$0xFFFFFC60];
	v29 =	vand.u32 $0x7F, v13;
	v31 =	vand.u32 $0x7F, v15;
	v33 =	vand.u32 $0x7F, v16  }
0x266: {  	v35 =	vand.u32 $0x7F, v17;
	v8 =	vand.u32 $0xFFFFFC00, v8;
	v9 =	vand.u32 $0xFFFFFC00, v9  }
0x267: {  	v2 =	vor.u32 v8, v2;
	v8 =	vand.u32 $0xFFFFFC00, v11;
	v11 =	vshll.u32 v5, $0x3  }
0x268: {  	v26 =	vld [tilespmem:s10+$0xFFFFFC00];
	v5 =	vand.u32 $0x7F, v5;
	v14 =	vor.u32 $0x300, v2;
	v2 =	vshll.u32 v6, $0x3  }
0x269: {  	v11 =	vand.u32 $0xFFFFFC00, v11;
	v18 =	vand.u32 $0xFFFFFC00, v2;
	v2 =	vshll.u32 v7, $0x3  }
0x26a: {  	v6 =	vand.u32 $0x7F, v6;
	v19 =	vand.u32 $0xFFFFFC00, v2;
	v2 =	vshll.u32 v10, $0x3  }
0x26b: {  	v7 =	vand.u32 $0x7F, v7;
	v20 =	vand.u32 $0xFFFFFC00, v2;
	v2 =	vshll.u32 v12, $0x3  }
0x26c: {  	v10 =	vand.u32 $0x7F, v10;
	v22 =	vand.u32 $0xFFFFFC00, v2;
	v2 =	vshll.u32 v13, $0x3  }
0x26d: {  	v25 =	vld [tilespmem:s10+$0x60];
	v12 =	vand.u32 $0x7F, v26;
	v13 =	vshll.u32 v26, $0x3;
	v24 =	vand.u32 $0xFFFFFC00, v2  }
0x26e: {  	v2 =	vshll.u32 v15, $0x3;
	v13 =	vand.u32 $0xFFFFFC00, v13;
	[tilespmem:v14+s8+$0x0] =	vst.idx.msk $0xffff, v1;
	v14 =	vor.u32 v11, v5  }
0x26f: {  	v21 =	vld [tilespmem:s10+$0x40];
	v15 =	vor.u32 v18, v6;
	v11 =	vor.u32 v20, v10;
	v10 =	vor.u32 v22, v27  }
0x270: {  	v23 =	vld [tilespmem:s10+$0x50];
	v28 =	vand.u32 $0xFFFFFC00, v2;
	v2 =	vshll.u32 v16, $0x3;
	v16 =	vor.u32 v13, v12  }
0x271: {  	v13 =	vor.u32 v8, v4;
	v12 =	vor.u32 v19, v7;
	v30 =	vand.u32 $0xFFFFFC00, v2  }
0x272: {  	v2 =	vshll.u32 v17, $0x3;
	v17 =	vor.u32 v9, v3;
	v3 =	vand.u32 $0x7F, v25  }
0x273: {  	v9 =	vor.u32 v24, v29;
	v8 =	vor.u32 v28, v31;
	v32 =	vand.u32 $0xFFFFFC00, v2  }
0x274: {  	v2 =	vshll.u32 v21, $0x3;
	v21 =	vand.u32 $0x7F, v21;
	v6 =	vor.u32 v30, v33  }
0x275: {  	v34 =	vand.u32 $0xFFFFFC00, v2;
	v2 =	vshll.u32 v23, $0x3;
	v23 =	vand.u32 $0x7F, v23  }
0x276: {  	v7 =	vor.u32 v32, v35;
	v36 =	vand.u32 $0xFFFFFC00, v2;
	v2 =	vshll.u32 v25, $0x3  }
0x277: {  	s11 =	simm.s32 $0x0;
	s12 =	simm.s32 $0xF00;
	s10 =	simm.s32 $0x780;
	v5 =	vor.u32 v34, v21;
	v2 =	vand.u32 $0xFFFFFC00, v2;
	v4 =	vor.u32 v36, v23  }
.LBB2_30:
0x278: {  	v18 =	vld [tilespmem:s12+$0x70];
	s11 =	sadd.s32 $0x100, s11;
	v16 =	vor.u32 $0x300, v16;
	v17 =	vor.u32 $0x300, v17;
	v2 =	vor.u32 v2, v3  }
0x279: {  	v13 =	vor.u32 $0x300, v13;
	v14 =	vor.u32 $0x300, v14;
	v15 =	vor.u32 $0x300, v15;
	v3 =	vld [tilespmem:s12+$0xFFFFFC10];
	p0 =	slt.u32 s11, $0x1F00  }
0x27a: {  	v12 =	vor.u32 $0x300, v12;
	v11 =	vor.u32 $0x300, v11;
	v10 =	vor.u32 $0x300, v10;
	v19 =	vld [tilespmem:s12+$0xFFFFFC20]  }
0x27b: {  	v9 =	vor.u32 $0x300, v9;
	v8 =	vor.u32 $0x300, v8;
	v6 =	vor.u32 $0x300, v6;
	v20 =	vld [tilespmem:s12+$0xFFFFFC30]  }
0x27c: {  	v7 =	vor.u32 $0x300, v7;
	v5 =	vor.u32 $0x300, v5;
	v4 =	vor.u32 $0x300, v4;
	v21 =	vld [tilespmem:s12+$0xFFFFFC40]  }
0x27d: {  	v22 =	vld [tilespmem:s12+$0xFFFFFC50];
	v23 =	vshll.u32 v18, $0x3;
	[tilespmem:v16+s8+$0x0] =	vst.idx.msk $0xffff, v1;
	v16 =	vor.u32 $0x300, v2  }
0x27e: {  	v18 =	vand.u32 $0x7F, v18;
	v2 =	vshll.u32 v3, $0x3;
	v24 =	vld [tilespmem:s12+$0xFFFFFC60];
	v23 =	vand.u32 $0xFFFFFC00, v23;
	[tilespmem:v17+s8+$0x0] =	vst.idx.msk $0xffff, v1  }
0x27f: {  	v17 =	vand.u32 $0xFFFFFC00, v2;
	v2 =	vshll.u32 v19, $0x3;
	v25 =	vld [tilespmem:s12+$0xFFFFFC70];
	v18 =	vor.u32 v23, v18;
	[tilespmem:v13+s8+$0x0] =	vst.idx.msk $0xffff, v1  }
0x280: {  	v13 =	vand.u32 $0xFFFFFC00, v2;
	v2 =	vshll.u32 v20, $0x3;
	v23 =	vld [tilespmem:s12+$0x0];
	v18 =	vor.u32 $0x300, v18;
	[tilespmem:v14+s8+$0x0] =	vst.idx.msk $0xffff, v1  }
0x281: {  	v3 =	vand.u32 $0x7F, v3;
	v14 =	vand.u32 $0xFFFFFC00, v2;
	v2 =	vshll.u32 v21, $0x3;
	v26 =	vld [tilespmem:s12+$0x10];
	[tilespmem:v15+s8+$0x0] =	vst.idx.msk $0xffff, v1  }
0x282: {  	v15 =	vand.u32 $0x7F, v19;
	v19 =	vand.u32 $0xFFFFFC00, v2;
	v2 =	vshll.u32 v22, $0x3;
	v27 =	vld [tilespmem:s12+$0x20];
	[tilespmem:v12+s8+$0x0] =	vst.idx.msk $0xffff, v1  }
0x283: {  	v12 =	vand.u32 $0x7F, v20;
	v20 =	vand.u32 $0xFFFFFC00, v2;
	v2 =	vshll.u32 v24, $0x3;
	v28 =	vld [tilespmem:s12+$0x30];
	[tilespmem:v11+s8+$0x0] =	vst.idx.msk $0xffff, v1  }
0x284: {  	v11 =	vand.u32 $0x7F, v21;
	v21 =	vand.u32 $0xFFFFFC00, v2;
	v2 =	vshll.u32 v25, $0x3;
	v29 =	vld [tilespmem:s12+$0x40];
	[tilespmem:v10+s8+$0x0] =	vst.idx.msk $0xffff, v1  }
0x285: {  	v10 =	vand.u32 $0x7F, v22;
	v22 =	vand.u32 $0xFFFFFC00, v2;
	v2 =	vshll.u32 v23, $0x3;
	v30 =	vld [tilespmem:s12+$0x50];
	[tilespmem:v18+s8+$0x0] =	vst.idx.msk $0xffff, v1  }
0x286: {  	v18 =	vand.u32 $0x7F, v24;
	v24 =	vand.u32 $0xFFFFFC00, v2;
	v2 =	vshll.u32 v26, $0x3;
	v31 =	vld [tilespmem:s12+$0x60];
	[tilespmem:v9+s8+$0x0] =	vst.idx.msk $0xffff, v1  }
0x287: {  	v25 =	vand.u32 $0x7F, v25;
	v9 =	vld [tilespmem:s12+$0xFFFFFC00];
	v32 =	vand.u32 $0xFFFFFC00, v2;
	v2 =	vshll.u32 v27, $0x3;
	[tilespmem:v8+s8+$0x0] =	vst.idx.msk $0xffff, v1  }
0x288: {  	v8 =	vand.u32 $0x7F, v23;
	v23 =	vand.u32 $0xFFFFFC00, v2;
	v2 =	vshll.u32 v28, $0x3;
	[tilespmem:v6+s8+$0x0] =	vst.idx.msk $0xffff, v1  }
0x289: {  	v6 =	vand.u32 $0x7F, v26;
	v26 =	vand.u32 $0xFFFFFC00, v2;
	v2 =	vshll.u32 v29, $0x3;
	[tilespmem:v7+s8+$0x0] =	vst.idx.msk $0xffff, v1  }
0x28a: {  	v7 =	vand.u32 $0x7F, v27;
	v27 =	vand.u32 $0xFFFFFC00, v2;
	v2 =	vshll.u32 v30, $0x3;
	[tilespmem:v5+s8+$0x0] =	vst.idx.msk $0xffff, v1  }
0x28b: {  	v5 =	vand.u32 $0x7F, v28;
	v28 =	vand.u32 $0xFFFFFC00, v2;
	v2 =	vshll.u32 v31, $0x3;
	[tilespmem:v4+s8+$0x0] =	vst.idx.msk $0xffff, v1  }
0x28c: {  	v4 =	vand.u32 $0x7F, v9;
	v9 =	vshll.u32 v9, $0x3;
	v2 =	vand.u32 $0xFFFFFC00, v2;
	[tilespmem:v16+s8+$0x0] =	vst.idx.msk $0xffff, v1  }
0x28d: {  	v29 =	vand.u32 $0x7F, v29;
	v30 =	vand.u32 $0x7F, v30;
	v9 =	vand.u32 $0xFFFFFC00, v9  }
.Ltmp14:
0x28e: {  	v17 =	vor.u32 v17, v3;
	v3 =	vand.u32 $0x7F, v31;
	v16 =	vor.u32 v9, v4;
	(pc) =	sbr.rel @p0 .LBB2_30-.Ltmp14, $4  }
0x28f: {  	v13 =	vor.u32 v13, v15;
	v14 =	vor.u32 v14, v12;
	v15 =	vor.u32 v19, v11  }
0x290: {  	v12 =	vor.u32 v20, v10;
	v11 =	vor.u32 v21, v18;
	v10 =	vor.u32 v22, v25  }
0x291: {  	v9 =	vor.u32 v24, v8;
	v8 =	vor.u32 v32, v6;
	v6 =	vor.u32 v23, v7  }
0x292: {  	s12 =	sadd.s32 $0x800, s12;
	v7 =	vor.u32 v26, v5;
	v5 =	vor.u32 v27, v29;
	v4 =	vor.u32 v28, v30  }
0x293: {  	v16 =	vor.u32 $0x300, v16  }
0x294: {  	v17 =	vor.u32 $0x300, v17  }
0x295: {  	v13 =	vor.u32 $0x300, v13  }
0x296: {  	v14 =	vor.u32 $0x300, v14  }
0x297: {  	v15 =	vor.u32 $0x300, v15  }
0x298: {  	v12 =	vor.u32 $0x300, v12;
	[tilespmem:v16+s8+$0x0] =	vst.idx.msk $0xffff, v1  }
0x299: {  	v11 =	vor.u32 $0x300, v11;
	[tilespmem:v17+s8+$0x0] =	vst.idx.msk $0xffff, v1  }
0x29a: {  	v10 =	vor.u32 $0x300, v10;
	[tilespmem:v13+s8+$0x0] =	vst.idx.msk $0xffff, v1  }
0x29b: {  	v9 =	vor.u32 $0x300, v9;
	[tilespmem:v14+s8+$0x0] =	vst.idx.msk $0xffff, v1  }
0x29c: {  	v8 =	vor.u32 $0x300, v8;
	[tilespmem:v15+s8+$0x0] =	vst.idx.msk $0xffff, v1  }
0x29d: {  	v6 =	vor.u32 $0x300, v6;
	[tilespmem:v12+s8+$0x0] =	vst.idx.msk $0xffff, v1  }
0x29e: {  	v7 =	vor.u32 $0x300, v7;
	[tilespmem:v11+s8+$0x0] =	vst.idx.msk $0xffff, v1  }
0x29f: {  	v5 =	vor.u32 $0x300, v5;
	[tilespmem:v10+s8+$0x0] =	vst.idx.msk $0xffff, v1  }
0x2a0: {  	v2 =	vor.u32 v2, v3;
	v3 =	vor.u32 $0x300, v4;
	[tilespmem:v9+s8+$0x0] =	vst.idx.msk $0xffff, v1  }
0x2a1: {  	v2 =	vor.u32 $0x300, v2;
	[tilespmem:v8+s8+$0x0] =	vst.idx.msk $0xffff, v1  }
0x2a2: {  	[tilespmem:v6+s8+$0x0] =	vst.idx.msk $0xffff, v1  }
0x2a3: {  	[tilespmem:v7+s8+$0x0] =	vst.idx.msk $0xffff, v1  }
0x2a4: {  	[tilespmem:v5+s8+$0x0] =	vst.idx.msk $0xffff, v1  }
0x2a5: {  	[tilespmem:v3+s8+$0x0] =	vst.idx.msk $0xffff, v1  }
0x2a6: {  	[tilespmem:v2+s8+$0x0] =	vst.idx.msk $0xffff, v1  }
0x2a7: {  	v2 =	vld [tilespmem:s10+$0x70]  }
0x2a8: {  	v3 =	vld [tilespmem:s10+$0xFFFFFC10]  }
0x2a9: {  	v4 =	vld [tilespmem:s10+$0xFFFFFC20]  }
0x2aa: {  	v12 =	vld [tilespmem:s10+$0xFFFFFC70]  }
0x2ab: {  	v13 =	vld [tilespmem:s10+$0x0]  }
0x2ac: {  	v15 =	vld [tilespmem:s10+$0x10]  }
0x2ad: {  	v16 =	vld [tilespmem:s10+$0x20]  }
0x2ae: {  	v17 =	vld [tilespmem:s10+$0x30]  }
0x2af: {  	v5 =	vld [tilespmem:s10+$0xFFFFFC30];
	v8 =	vshll.u32 v2, $0x3  }
0x2b0: {  	v6 =	vld [tilespmem:s10+$0xFFFFFC40];
	v9 =	vshll.u32 v3, $0x3;
	v2 =	vand.u32 $0x7F, v2;
	v11 =	vshll.u32 v4, $0x3  }
0x2b1: {  	v7 =	vld [tilespmem:s10+$0xFFFFFC50];
	v3 =	vand.u32 $0x7F, v3;
	v4 =	vand.u32 $0x7F, v4;
	v27 =	vand.u32 $0x7F, v12  }
0x2b2: {  	v10 =	vld [tilespmem:s10+$0xFFFFFC60];
	v29 =	vand.u32 $0x7F, v13;
	v31 =	vand.u32 $0x7F, v15;
	v33 =	vand.u32 $0x7F, v16  }
0x2b3: {  	v35 =	vand.u32 $0x7F, v17;
	v8 =	vand.u32 $0xFFFFFC00, v8;
	v9 =	vand.u32 $0xFFFFFC00, v9  }
0x2b4: {  	v2 =	vor.u32 v8, v2;
	v8 =	vand.u32 $0xFFFFFC00, v11;
	v11 =	vshll.u32 v5, $0x3  }
0x2b5: {  	v26 =	vld [tilespmem:s10+$0xFFFFFC00];
	v5 =	vand.u32 $0x7F, v5;
	v14 =	vor.u32 $0x380, v2;
	v2 =	vshll.u32 v6, $0x3  }
0x2b6: {  	v11 =	vand.u32 $0xFFFFFC00, v11;
	v18 =	vand.u32 $0xFFFFFC00, v2;
	v2 =	vshll.u32 v7, $0x3  }
0x2b7: {  	v6 =	vand.u32 $0x7F, v6;
	v19 =	vand.u32 $0xFFFFFC00, v2;
	v2 =	vshll.u32 v10, $0x3  }
0x2b8: {  	v7 =	vand.u32 $0x7F, v7;
	v20 =	vand.u32 $0xFFFFFC00, v2;
	v2 =	vshll.u32 v12, $0x3  }
0x2b9: {  	v10 =	vand.u32 $0x7F, v10;
	v22 =	vand.u32 $0xFFFFFC00, v2;
	v2 =	vshll.u32 v13, $0x3  }
0x2ba: {  	v25 =	vld [tilespmem:s10+$0x60];
	v12 =	vand.u32 $0x7F, v26;
	v13 =	vshll.u32 v26, $0x3;
	v24 =	vand.u32 $0xFFFFFC00, v2  }
0x2bb: {  	v2 =	vshll.u32 v15, $0x3;
	v13 =	vand.u32 $0xFFFFFC00, v13;
	[tilespmem:v14+s8+$0x0] =	vst.idx.msk $0xffff, v1;
	v14 =	vor.u32 v11, v5  }
0x2bc: {  	v21 =	vld [tilespmem:s10+$0x40];
	v15 =	vor.u32 v18, v6;
	v11 =	vor.u32 v20, v10;
	v10 =	vor.u32 v22, v27  }
0x2bd: {  	v23 =	vld [tilespmem:s10+$0x50];
	v28 =	vand.u32 $0xFFFFFC00, v2;
	v2 =	vshll.u32 v16, $0x3;
	v16 =	vor.u32 v13, v12  }
0x2be: {  	v13 =	vor.u32 v8, v4;
	v12 =	vor.u32 v19, v7;
	v30 =	vand.u32 $0xFFFFFC00, v2  }
0x2bf: {  	v2 =	vshll.u32 v17, $0x3;
	v17 =	vor.u32 v9, v3;
	v3 =	vand.u32 $0x7F, v25  }
0x2c0: {  	v9 =	vor.u32 v24, v29;
	v8 =	vor.u32 v28, v31;
	v32 =	vand.u32 $0xFFFFFC00, v2  }
0x2c1: {  	v2 =	vshll.u32 v21, $0x3;
	v21 =	vand.u32 $0x7F, v21;
	v7 =	vor.u32 v30, v33  }
0x2c2: {  	v34 =	vand.u32 $0xFFFFFC00, v2;
	v2 =	vshll.u32 v23, $0x3;
	v23 =	vand.u32 $0x7F, v23  }
0x2c3: {  	v6 =	vor.u32 v32, v35;
	v36 =	vand.u32 $0xFFFFFC00, v2;
	v2 =	vshll.u32 v25, $0x3  }
0x2c4: {  	s11 =	simm.s32 $0xF80;
	s10 =	simm.s32 $0x0;
	v5 =	vor.u32 v34, v21;
	v2 =	vand.u32 $0xFFFFFC00, v2;
	v4 =	vor.u32 v36, v23  }
.LBB2_32:
0x2c5: {  	v18 =	vld [tilespmem:s11+$0x70];
	s10 =	sadd.s32 $0x100, s10;
	v16 =	vor.u32 $0x380, v16;
	v17 =	vor.u32 $0x380, v17;
	v2 =	vor.u32 v2, v3  }
0x2c6: {  	v13 =	vor.u32 $0x380, v13;
	v14 =	vor.u32 $0x380, v14;
	v15 =	vor.u32 $0x380, v15;
	v3 =	vld [tilespmem:s11+$0xFFFFFC10];
	p0 =	slt.u32 s10, $0x1F00  }
0x2c7: {  	v12 =	vor.u32 $0x380, v12;
	v11 =	vor.u32 $0x380, v11;
	v10 =	vor.u32 $0x380, v10;
	v19 =	vld [tilespmem:s11+$0xFFFFFC20]  }
0x2c8: {  	v9 =	vor.u32 $0x380, v9;
	v8 =	vor.u32 $0x380, v8;
	v7 =	vor.u32 $0x380, v7;
	v20 =	vld [tilespmem:s11+$0xFFFFFC30]  }
0x2c9: {  	v6 =	vor.u32 $0x380, v6;
	v5 =	vor.u32 $0x380, v5;
	v4 =	vor.u32 $0x380, v4;
	v21 =	vld [tilespmem:s11+$0xFFFFFC40]  }
0x2ca: {  	v22 =	vld [tilespmem:s11+$0xFFFFFC50];
	v23 =	vshll.u32 v18, $0x3;
	[tilespmem:v16+s8+$0x0] =	vst.idx.msk $0xffff, v1;
	v16 =	vor.u32 $0x380, v2  }
0x2cb: {  	v18 =	vand.u32 $0x7F, v18;
	v2 =	vshll.u32 v3, $0x3;
	v24 =	vld [tilespmem:s11+$0xFFFFFC60];
	v23 =	vand.u32 $0xFFFFFC00, v23;
	[tilespmem:v17+s8+$0x0] =	vst.idx.msk $0xffff, v1  }
0x2cc: {  	v17 =	vand.u32 $0xFFFFFC00, v2;
	v2 =	vshll.u32 v19, $0x3;
	v25 =	vld [tilespmem:s11+$0xFFFFFC70];
	v18 =	vor.u32 v23, v18;
	[tilespmem:v13+s8+$0x0] =	vst.idx.msk $0xffff, v1  }
0x2cd: {  	v13 =	vand.u32 $0xFFFFFC00, v2;
	v2 =	vshll.u32 v20, $0x3;
	v23 =	vld [tilespmem:s11+$0x0];
	v18 =	vor.u32 $0x380, v18;
	[tilespmem:v14+s8+$0x0] =	vst.idx.msk $0xffff, v1  }
0x2ce: {  	v3 =	vand.u32 $0x7F, v3;
	v14 =	vand.u32 $0xFFFFFC00, v2;
	v2 =	vshll.u32 v21, $0x3;
	v26 =	vld [tilespmem:s11+$0x10];
	[tilespmem:v15+s8+$0x0] =	vst.idx.msk $0xffff, v1  }
0x2cf: {  	v15 =	vand.u32 $0x7F, v19;
	v19 =	vand.u32 $0xFFFFFC00, v2;
	v2 =	vshll.u32 v22, $0x3;
	v27 =	vld [tilespmem:s11+$0x20];
	[tilespmem:v12+s8+$0x0] =	vst.idx.msk $0xffff, v1  }
0x2d0: {  	v12 =	vand.u32 $0x7F, v20;
	v20 =	vand.u32 $0xFFFFFC00, v2;
	v2 =	vshll.u32 v24, $0x3;
	v28 =	vld [tilespmem:s11+$0x30];
	[tilespmem:v11+s8+$0x0] =	vst.idx.msk $0xffff, v1  }
0x2d1: {  	v11 =	vand.u32 $0x7F, v21;
	v21 =	vand.u32 $0xFFFFFC00, v2;
	v2 =	vshll.u32 v25, $0x3;
	v29 =	vld [tilespmem:s11+$0x40];
	[tilespmem:v10+s8+$0x0] =	vst.idx.msk $0xffff, v1  }
0x2d2: {  	v10 =	vand.u32 $0x7F, v22;
	v22 =	vand.u32 $0xFFFFFC00, v2;
	v2 =	vshll.u32 v23, $0x3;
	v30 =	vld [tilespmem:s11+$0x50];
	[tilespmem:v18+s8+$0x0] =	vst.idx.msk $0xffff, v1  }
0x2d3: {  	v18 =	vand.u32 $0x7F, v24;
	v24 =	vand.u32 $0xFFFFFC00, v2;
	v2 =	vshll.u32 v26, $0x3;
	v31 =	vld [tilespmem:s11+$0x60];
	[tilespmem:v9+s8+$0x0] =	vst.idx.msk $0xffff, v1  }
0x2d4: {  	v25 =	vand.u32 $0x7F, v25;
	v9 =	vld [tilespmem:s11+$0xFFFFFC00];
	v32 =	vand.u32 $0xFFFFFC00, v2;
	v2 =	vshll.u32 v27, $0x3;
	[tilespmem:v8+s8+$0x0] =	vst.idx.msk $0xffff, v1  }
0x2d5: {  	v8 =	vand.u32 $0x7F, v23;
	v23 =	vand.u32 $0xFFFFFC00, v2;
	v2 =	vshll.u32 v28, $0x3;
	[tilespmem:v7+s8+$0x0] =	vst.idx.msk $0xffff, v1  }
0x2d6: {  	v7 =	vand.u32 $0x7F, v26;
	v26 =	vand.u32 $0xFFFFFC00, v2;
	v2 =	vshll.u32 v29, $0x3;
	[tilespmem:v6+s8+$0x0] =	vst.idx.msk $0xffff, v1  }
0x2d7: {  	v6 =	vand.u32 $0x7F, v27;
	v27 =	vand.u32 $0xFFFFFC00, v2;
	v2 =	vshll.u32 v30, $0x3;
	[tilespmem:v5+s8+$0x0] =	vst.idx.msk $0xffff, v1  }
0x2d8: {  	v5 =	vand.u32 $0x7F, v28;
	v28 =	vand.u32 $0xFFFFFC00, v2;
	v2 =	vshll.u32 v31, $0x3;
	[tilespmem:v4+s8+$0x0] =	vst.idx.msk $0xffff, v1  }
0x2d9: {  	v4 =	vand.u32 $0x7F, v9;
	v9 =	vshll.u32 v9, $0x3;
	v2 =	vand.u32 $0xFFFFFC00, v2;
	[tilespmem:v16+s8+$0x0] =	vst.idx.msk $0xffff, v1  }
0x2da: {  	v29 =	vand.u32 $0x7F, v29;
	v30 =	vand.u32 $0x7F, v30;
	v9 =	vand.u32 $0xFFFFFC00, v9  }
.Ltmp15:
0x2db: {  	v17 =	vor.u32 v17, v3;
	v3 =	vand.u32 $0x7F, v31;
	v16 =	vor.u32 v9, v4;
	(pc) =	sbr.rel @p0 .LBB2_32-.Ltmp15, $4  }
0x2dc: {  	v13 =	vor.u32 v13, v15;
	v14 =	vor.u32 v14, v12;
	v15 =	vor.u32 v19, v11  }
0x2dd: {  	v12 =	vor.u32 v20, v10;
	v11 =	vor.u32 v21, v18;
	v10 =	vor.u32 v22, v25  }
0x2de: {  	v9 =	vor.u32 v24, v8;
	v8 =	vor.u32 v32, v7;
	v7 =	vor.u32 v23, v6  }
0x2df: {  	s11 =	sadd.s32 $0x800, s11;
	v6 =	vor.u32 v26, v5;
	v5 =	vor.u32 v27, v29;
	v4 =	vor.u32 v28, v30  }
0x2e0: {  	v16 =	vor.u32 $0x380, v16  }
0x2e1: {  	v17 =	vor.u32 $0x380, v17  }
0x2e2: {  	v13 =	vor.u32 $0x380, v13  }
0x2e3: {  	v14 =	vor.u32 $0x380, v14  }
0x2e4: {  	v15 =	vor.u32 $0x380, v15  }
0x2e5: {  	v12 =	vor.u32 $0x380, v12;
	[tilespmem:v16+s8+$0x0] =	vst.idx.msk $0xffff, v1  }
0x2e6: {  	v11 =	vor.u32 $0x380, v11;
	[tilespmem:v17+s8+$0x0] =	vst.idx.msk $0xffff, v1  }
0x2e7: {  	v10 =	vor.u32 $0x380, v10;
	[tilespmem:v13+s8+$0x0] =	vst.idx.msk $0xffff, v1  }
0x2e8: {  	v9 =	vor.u32 $0x380, v9;
	[tilespmem:v14+s8+$0x0] =	vst.idx.msk $0xffff, v1  }
0x2e9: {  	v8 =	vor.u32 $0x380, v8;
	[tilespmem:v15+s8+$0x0] =	vst.idx.msk $0xffff, v1  }
0x2ea: {  	v7 =	vor.u32 $0x380, v7;
	[tilespmem:v12+s8+$0x0] =	vst.idx.msk $0xffff, v1  }
0x2eb: {  	v6 =	vor.u32 $0x380, v6;
	[tilespmem:v11+s8+$0x0] =	vst.idx.msk $0xffff, v1  }
0x2ec: {  	v5 =	vor.u32 $0x380, v5;
	[tilespmem:v10+s8+$0x0] =	vst.idx.msk $0xffff, v1  }
0x2ed: {  	v2 =	vor.u32 v2, v3;
	v3 =	vor.u32 $0x380, v4;
	[tilespmem:v9+s8+$0x0] =	vst.idx.msk $0xffff, v1  }
0x2ee: {  	v2 =	vor.u32 $0x380, v2;
	[tilespmem:v8+s8+$0x0] =	vst.idx.msk $0xffff, v1  }
0x2ef: {  	[tilespmem:v7+s8+$0x0] =	vst.idx.msk $0xffff, v1  }
0x2f0: {  	[tilespmem:v6+s8+$0x0] =	vst.idx.msk $0xffff, v1  }
0x2f1: {  	[tilespmem:v5+s8+$0x0] =	vst.idx.msk $0xffff, v1  }
0x2f2: {  	[tilespmem:v3+s8+$0x0] =	vst.idx.msk $0xffff, v1  }
0x2f3: {  	[tilespmem:v2+s8+$0x0] =	vst.idx.msk $0xffff, v1  }
0x2f4: {  	[tilespmem:s2], [sflag:$0x1] =	stream.linear.gather [hbm4b:s4+s2], $0x10000, $0x38;
	[tilespmem:$0x12800] =	vst v63  }
0x2f5: {  	_ =	swait.ge [sflag:s7], $0x10000  }
0x2f6: {  	[sflag:s7] =	ssyncset.done $0x0  }
0x2f7: {  	s10 =	simm.s32 $0x400;
	[sflag:s7] =	ssyncadd.s32 $0xFFFF0000  }
0x2f8: {  	v2 =	vld [tilespmem:s10+$0x70]  }
0x2f9: {  	v3 =	vld [tilespmem:s10+$0xFFFFFC10]  }
0x2fa: {  	v11 =	vld [tilespmem:s10+$0xFFFFFC50]  }
0x2fb: {  	v13 =	vld [tilespmem:s10+$0xFFFFFC60]  }
0x2fc: {  	v15 =	vld [tilespmem:s10+$0xFFFFFC70]  }
0x2fd: {  	v17 =	vld [tilespmem:s10+$0x0]  }
0x2fe: {  	v19 =	vld [tilespmem:s10+$0x10]  }
0x2ff: {  	v21 =	vld [tilespmem:s10+$0x20]  }
0x300: {  	v23 =	vld [tilespmem:s10+$0x30]  }
0x301: {  	v25 =	vld [tilespmem:s10+$0x40]  }
0x302: {  	v29 =	vld [tilespmem:s10+$0x50]  }
0x303: {  	v32 =	vld [tilespmem:s10+$0x60]  }
0x304: {  	v27 =	vld [tilespmem:s10+$0xFFFFFC00];
	v4 =	vshll.u32 v2, $0x3  }
0x305: {  	v6 =	vshll.u32 v3, $0x3;
	v8 =	vand.u32 $0x7F, v2;
	v3 =	vand.u32 $0x7F, v3  }
0x306: {  	v5 =	vld [tilespmem:s10+$0xFFFFFC20];
	v10 =	vshll.u32 v11, $0x3;
	v14 =	vshll.u32 v13, $0x3;
	v12 =	vand.u32 $0x7F, v11  }
0x307: {  	v16 =	vshll.u32 v15, $0x3;
	v18 =	vshll.u32 v17, $0x3;
	v20 =	vshll.u32 v19, $0x3  }
0x308: {  	v22 =	vshll.u32 v21, $0x3;
	v24 =	vshll.u32 v23, $0x3;
	v26 =	vshll.u32 v25, $0x3  }
0x309: {  	v30 =	vshll.u32 v29, $0x3;
	v31 =	vshll.u32 v32, $0x3;
	v33 =	vshll.u32 v27, $0x3  }
0x30a: {  	v29 =	vand.u32 $0x7F, v29;
	v4 =	vand.u32 $0xFFFFFC00, v4;
	v2 =	vand.u32 $0xFFFFFC00, v6  }
0x30b: {  	v6 =	vshll.u32 v5, $0x3;
	v10 =	vand.u32 $0xFFFFFC00, v10;
	v11 =	vand.u32 $0xFFFFFC00, v14  }
0x30c: {  	v14 =	vand.u32 $0x7F, v13;
	v13 =	vand.u32 $0xFFFFFC00, v16;
	v16 =	vand.u32 $0x7F, v15  }
0x30d: {  	v7 =	vld [tilespmem:s10+$0xFFFFFC30];
	v15 =	vand.u32 $0xFFFFFC00, v18;
	v18 =	vand.u32 $0x7F, v17;
	v17 =	vand.u32 $0xFFFFFC00, v20  }
0x30e: {  	v9 =	vld [tilespmem:s10+$0xFFFFFC40];
	v20 =	vand.u32 $0x7F, v19;
	v19 =	vand.u32 $0xFFFFFC00, v22;
	v22 =	vand.u32 $0x7F, v21  }
0x30f: {  	v21 =	vand.u32 $0xFFFFFC00, v24;
	v24 =	vand.u32 $0x7F, v23;
	v28 =	vor.u32 v8, v4  }
0x310: {  	v23 =	vand.u32 $0xFFFFFC00, v26;
	v26 =	vand.u32 $0x7F, v25;
	v25 =	vand.u32 $0xFFFFFC00, v30  }
0x311: {  	v30 =	vand.u32 $0x7F, v27;
	v27 =	vand.u32 $0xFFFFFC00, v31;
	v31 =	vand.u32 $0xFFFFFC00, v33  }
0x312: {  	v4 =	vand.u32 $0xFFFFFC00, v6;
	v8 =	vshll.u32 v7, $0x3;
	v6 =	vand.u32 $0x7F, v5  }
0x313: {  	v7 =	vand.u32 $0x7F, v7;
	v5 =	vand.u32 $0xFFFFFC00, v8;
	v8 =	vshll.u32 v9, $0x3  }
0x314: {  	s11 =	simm.s32 $0xC00;
	s10 =	simm.s32 $0x0;
	v9 =	vand.u32 $0x7F, v9;
	v8 =	vand.u32 $0xFFFFFC00, v8;
	[tilespmem:v28+s8+$0x0] =	vst.idx.msk $0xffff, v1;
	v28 =	vand.u32 $0x7F, v32  }
.LBB2_34:
0x315: {  	v32 =	vld [tilespmem:s11+$0x70];
	s10 =	sadd.s32 $0x100, s10;
	v30 =	vor.u32 v30, v31;
	v2 =	vor.u32 v3, v2;
	v3 =	vor.u32 v6, v4  }
0x316: {  	v5 =	vor.u32 v7, v5;
	v7 =	vor.u32 v9, v8;
	v9 =	vor.u32 v12, v10;
	v4 =	vld [tilespmem:s11+$0xFFFFFC10];
	p0 =	slt.u32 s10, $0x1F00  }
0x317: {  	v11 =	vor.u32 v14, v11;
	v16 =	vor.u32 v16, v13;
	v18 =	vor.u32 v18, v15;
	v6 =	vld [tilespmem:s11+$0xFFFFFC20]  }
0x318: {  	v20 =	vor.u32 v20, v17;
	v22 =	vor.u32 v22, v19;
	v24 =	vor.u32 v24, v21;
	v8 =	vld [tilespmem:s11+$0xFFFFFC30]  }
0x319: {  	v26 =	vor.u32 v26, v23;
	v29 =	vor.u32 v29, v25;
	v28 =	vor.u32 v28, v27;
	v10 =	vld [tilespmem:s11+$0xFFFFFC40]  }
0x31a: {  	v12 =	vld [tilespmem:s11+$0xFFFFFC50];
	v13 =	vshll.u32 v32, $0x3;
	[tilespmem:v30+s8+$0x0] =	vst.idx.msk $0xffff, v1  }
0x31b: {  	v17 =	vand.u32 $0x7F, v32;
	v14 =	vshll.u32 v4, $0x3;
	v15 =	vld [tilespmem:s11+$0xFFFFFC60];
	v13 =	vand.u32 $0xFFFFFC00, v13;
	[tilespmem:v2+s8+$0x0] =	vst.idx.msk $0xffff, v1  }
0x31c: {  	v2 =	vand.u32 $0xFFFFFC00, v14;
	v14 =	vshll.u32 v6, $0x3;
	v19 =	vld [tilespmem:s11+$0xFFFFFC70];
	v13 =	vor.u32 v17, v13;
	[tilespmem:v3+s8+$0x0] =	vst.idx.msk $0xffff, v1  }
0x31d: {  	v3 =	vand.u32 $0x7F, v4;
	v4 =	vand.u32 $0xFFFFFC00, v14;
	v14 =	vshll.u32 v8, $0x3;
	v17 =	vld [tilespmem:s11+$0x0];
	[tilespmem:v5+s8+$0x0] =	vst.idx.msk $0xffff, v1  }
0x31e: {  	v6 =	vand.u32 $0x7F, v6;
	v5 =	vand.u32 $0xFFFFFC00, v14;
	v14 =	vshll.u32 v10, $0x3;
	v21 =	vld [tilespmem:s11+$0x10];
	[tilespmem:v7+s8+$0x0] =	vst.idx.msk $0xffff, v1  }
0x31f: {  	v7 =	vand.u32 $0x7F, v8;
	v8 =	vand.u32 $0xFFFFFC00, v14;
	v14 =	vshll.u32 v12, $0x3;
	v23 =	vld [tilespmem:s11+$0x20];
	[tilespmem:v9+s8+$0x0] =	vst.idx.msk $0xffff, v1  }
0x320: {  	v9 =	vand.u32 $0x7F, v10;
	v10 =	vand.u32 $0xFFFFFC00, v14;
	v14 =	vshll.u32 v15, $0x3;
	v25 =	vld [tilespmem:s11+$0x30];
	[tilespmem:v11+s8+$0x0] =	vst.idx.msk $0xffff, v1  }
0x321: {  	s12 =	simm.s32 $0x480;
	v12 =	vand.u32 $0x7F, v12;
	v11 =	vand.u32 $0xFFFFFC00, v14;
	v27 =	vshll.u32 v19, $0x3;
	v30 =	vld [tilespmem:s11+$0x40];
	[tilespmem:v13+s8+$0x0] =	vst.idx.msk $0xffff, v1  }
0x322: {  	v14 =	vand.u32 $0x7F, v15;
	v13 =	vand.u32 $0xFFFFFC00, v27;
	v15 =	vshll.u32 v17, $0x3;
	v32 =	vld [tilespmem:s11+$0x50];
	[tilespmem:v16+s8+$0x0] =	vst.idx.msk $0xffff, v1  }
0x323: {  	v16 =	vand.u32 $0x7F, v19;
	v15 =	vand.u32 $0xFFFFFC00, v15;
	v19 =	vshll.u32 v21, $0x3;
	v33 =	vld [tilespmem:s11+$0x60];
	[tilespmem:v18+s8+$0x0] =	vst.idx.msk $0xffff, v1  }
0x324: {  	v18 =	vand.u32 $0x7F, v17;
	v27 =	vld [tilespmem:s11+$0xFFFFFC00];
	v17 =	vand.u32 $0xFFFFFC00, v19;
	v19 =	vshll.u32 v23, $0x3;
	[tilespmem:v20+s8+$0x0] =	vst.idx.msk $0xffff, v1  }
0x325: {  	v20 =	vand.u32 $0x7F, v21;
	v19 =	vand.u32 $0xFFFFFC00, v19;
	v21 =	vshll.u32 v25, $0x3;
	[tilespmem:v22+s8+$0x0] =	vst.idx.msk $0xffff, v1  }
.Ltmp16:
0x326: {  	v22 =	vand.u32 $0x7F, v23;
	v21 =	vand.u32 $0xFFFFFC00, v21;
	v23 =	vshll.u32 v30, $0x3;
	[tilespmem:v24+s8+$0x0] =	vst.idx.msk $0xffff, v1;
	(pc) =	sbr.rel @p0 .LBB2_34-.Ltmp16, $4  }
0x327: {  	v24 =	vand.u32 $0x7F, v25;
	v23 =	vand.u32 $0xFFFFFC00, v23;
	v25 =	vshll.u32 v32, $0x3;
	[tilespmem:v26+s8+$0x0] =	vst.idx.msk $0xffff, v1  }
0x328: {  	v26 =	vand.u32 $0x7F, v30;
	v25 =	vand.u32 $0xFFFFFC00, v25;
	v31 =	vshll.u32 v33, $0x3;
	[tilespmem:v29+s8+$0x0] =	vst.idx.msk $0xffff, v1  }
0x329: {  	v30 =	vand.u32 $0x7F, v27;
	v29 =	vshll.u32 v27, $0x3;
	v27 =	vand.u32 $0xFFFFFC00, v31;
	[tilespmem:v28+s8+$0x0] =	vst.idx.msk $0xffff, v1  }
0x32a: {  	s11 =	sadd.s32 $0x800, s11;
	v28 =	vand.u32 $0x7F, v33;
	v31 =	vand.u32 $0xFFFFFC00, v29;
	v29 =	vand.u32 $0x7F, v32  }
0x32b: {  	v30 =	vor.u32 v30, v31  }
0x32c: {  	v2 =	vor.u32 v3, v2  }
0x32d: {  	v3 =	vor.u32 v6, v4  }
0x32e: {  	v4 =	vor.u32 v7, v5  }
0x32f: {  	v5 =	vor.u32 v9, v8  }
0x330: {  	v6 =	vor.u32 v12, v10;
	[tilespmem:v30+s8+$0x0] =	vst.idx.msk $0xffff, v1  }
0x331: {  	v7 =	vor.u32 v14, v11;
	[tilespmem:v2+s8+$0x0] =	vst.idx.msk $0xffff, v1  }
0x332: {  	v2 =	vor.u32 v16, v13;
	[tilespmem:v3+s8+$0x0] =	vst.idx.msk $0xffff, v1  }
0x333: {  	v3 =	vor.u32 v18, v15;
	[tilespmem:v4+s8+$0x0] =	vst.idx.msk $0xffff, v1  }
0x334: {  	v4 =	vor.u32 v20, v17;
	[tilespmem:v5+s8+$0x0] =	vst.idx.msk $0xffff, v1  }
0x335: {  	v5 =	vor.u32 v22, v19;
	[tilespmem:v6+s8+$0x0] =	vst.idx.msk $0xffff, v1  }
0x336: {  	v6 =	vor.u32 v24, v21;
	[tilespmem:v7+s8+$0x0] =	vst.idx.msk $0xffff, v1  }
0x337: {  	v7 =	vor.u32 v26, v23;
	[tilespmem:v2+s8+$0x0] =	vst.idx.msk $0xffff, v1  }
0x338: {  	v2 =	vor.u32 v29, v25;
	[tilespmem:v3+s8+$0x0] =	vst.idx.msk $0xffff, v1  }
0x339: {  	v3 =	vor.u32 v28, v27;
	[tilespmem:v4+s8+$0x0] =	vst.idx.msk $0xffff, v1  }
0x33a: {  	[tilespmem:v5+s8+$0x0] =	vst.idx.msk $0xffff, v1  }
0x33b: {  	[tilespmem:v6+s8+$0x0] =	vst.idx.msk $0xffff, v1  }
0x33c: {  	[tilespmem:v7+s8+$0x0] =	vst.idx.msk $0xffff, v1  }
0x33d: {  	[tilespmem:v2+s8+$0x0] =	vst.idx.msk $0xffff, v1  }
0x33e: {  	[tilespmem:v3+s8+$0x0] =	vst.idx.msk $0xffff, v1  }
0x33f: {  	v2 =	vld [tilespmem:s12+$0x70]  }
0x340: {  	v3 =	vld [tilespmem:s12+$0xFFFFFC10]  }
0x341: {  	v4 =	vld [tilespmem:s12+$0xFFFFFC20]  }
0x342: {  	v12 =	vld [tilespmem:s12+$0xFFFFFC70]  }
0x343: {  	v13 =	vld [tilespmem:s12+$0x0]  }
0x344: {  	v15 =	vld [tilespmem:s12+$0x10]  }
0x345: {  	v16 =	vld [tilespmem:s12+$0x20]  }
0x346: {  	v17 =	vld [tilespmem:s12+$0x30]  }
0x347: {  	v53 =	vld [tilespmem:s12+$0x40]  }
0x348: {  	v55 =	vld [tilespmem:s12+$0x50];
	v8 =	vshll.u32 v2, $0x3  }
0x349: {  	v5 =	vld [tilespmem:s12+$0xFFFFFC30];
	v9 =	vshll.u32 v3, $0x3;
	v2 =	vand.u32 $0x7F, v2;
	v11 =	vshll.u32 v4, $0x3  }
0x34a: {  	v6 =	vld [tilespmem:s12+$0xFFFFFC40];
	v3 =	vand.u32 $0x7F, v3;
	v4 =	vand.u32 $0x7F, v4;
	v59 =	vand.u32 $0x7F, v12  }
0x34b: {  	v7 =	vld [tilespmem:s12+$0xFFFFFC50];
	v61 =	vand.u32 $0x7F, v13;
	v63 =	vand.u32 $0x7F, v15;
	v33 =	vand.u32 $0x7F, v16  }
0x34c: {  	v10 =	vld [tilespmem:s12+$0xFFFFFC60];
	v35 =	vand.u32 $0x7F, v17;
	v21 =	vand.u32 $0x7F, v53;
	v8 =	vand.u32 $0xFFFFFC00, v8  }
0x34d: {  	v23 =	vand.u32 $0x7F, v55;
	v9 =	vand.u32 $0xFFFFFC00, v9;
	v2 =	vor.u32 v8, v2  }
0x34e: {  	v58 =	vld [tilespmem:s12+$0xFFFFFC00];
	v8 =	vand.u32 $0xFFFFFC00, v11;
	v11 =	vshll.u32 v5, $0x3;
	v5 =	vand.u32 $0x7F, v5  }
0x34f: {  	v14 =	vor.u32 $0x80, v2;
	v11 =	vand.u32 $0xFFFFFC00, v11;
	v2 =	vshll.u32 v6, $0x3  }
0x350: {  	v6 =	vand.u32 $0x7F, v6;
	v18 =	vand.u32 $0xFFFFFC00, v2;
	v2 =	vshll.u32 v7, $0x3  }
0x351: {  	v7 =	vand.u32 $0x7F, v7;
	v19 =	vand.u32 $0xFFFFFC00, v2;
	v2 =	vshll.u32 v10, $0x3  }
0x352: {  	v10 =	vand.u32 $0x7F, v10;
	v52 =	vand.u32 $0xFFFFFC00, v2;
	v2 =	vshll.u32 v12, $0x3  }
0x353: {  	v12 =	vand.u32 $0x7F, v58;
	v54 =	vand.u32 $0xFFFFFC00, v2;
	v2 =	vshll.u32 v13, $0x3  }
0x354: {  	v57 =	vld [tilespmem:s12+$0x60];
	v13 =	vshll.u32 v58, $0x3;
	v56 =	vand.u32 $0xFFFFFC00, v2;
	v2 =	vshll.u32 v15, $0x3  }
0x355: {  	v13 =	vand.u32 $0xFFFFFC00, v13;
	[tilespmem:v14+s8+$0x0] =	vst.idx.msk $0xffff, v1;
	v14 =	vor.u32 v11, v5;
	v15 =	vor.u32 v18, v6  }
0x356: {  	v11 =	vor.u32 v52, v10;
	v10 =	vor.u32 v54, v59;
	v60 =	vand.u32 $0xFFFFFC00, v2  }
0x357: {  	v2 =	vshll.u32 v16, $0x3;
	v16 =	vor.u32 v13, v12;
	v13 =	vor.u32 v8, v4  }
0x358: {  	v12 =	vor.u32 v19, v7;
	v62 =	vand.u32 $0xFFFFFC00, v2;
	v2 =	vshll.u32 v17, $0x3  }
0x359: {  	v17 =	vor.u32 v9, v3;
	v3 =	vand.u32 $0x7F, v57;
	v9 =	vor.u32 v56, v61  }
0x35a: {  	v8 =	vor.u32 v60, v63;
	v32 =	vand.u32 $0xFFFFFC00, v2;
	v2 =	vshll.u32 v53, $0x3  }
0x35b: {  	v7 =	vor.u32 v62, v33;
	v34 =	vand.u32 $0xFFFFFC00, v2;
	v2 =	vshll.u32 v55, $0x3  }
0x35c: {  	v6 =	vor.u32 v32, v35;
	v36 =	vand.u32 $0xFFFFFC00, v2;
	v2 =	vshll.u32 v57, $0x3  }
0x35d: {  	s10 =	simm.s32 $0x0;
	s11 =	simm.s32 $0xC80;
	v5 =	vor.u32 v34, v21;
	v2 =	vand.u32 $0xFFFFFC00, v2;
	v4 =	vor.u32 v36, v23  }
.LBB2_36:
0x35e: {  	v18 =	vld [tilespmem:s11+$0x70];
	s10 =	sadd.s32 $0x100, s10;
	v16 =	vor.u32 $0x80, v16;
	v17 =	vor.u32 $0x80, v17;
	v2 =	vor.u32 v2, v3  }
0x35f: {  	v13 =	vor.u32 $0x80, v13;
	v14 =	vor.u32 $0x80, v14;
	v15 =	vor.u32 $0x80, v15;
	v3 =	vld [tilespmem:s11+$0xFFFFFC10];
	p0 =	slt.u32 s10, $0x1F00  }
0x360: {  	v12 =	vor.u32 $0x80, v12;
	v11 =	vor.u32 $0x80, v11;
	v10 =	vor.u32 $0x80, v10;
	v19 =	vld [tilespmem:s11+$0xFFFFFC20]  }
0x361: {  	v9 =	vor.u32 $0x80, v9;
	v8 =	vor.u32 $0x80, v8;
	v7 =	vor.u32 $0x80, v7;
	v20 =	vld [tilespmem:s11+$0xFFFFFC30]  }
0x362: {  	v6 =	vor.u32 $0x80, v6;
	v5 =	vor.u32 $0x80, v5;
	v4 =	vor.u32 $0x80, v4;
	v21 =	vld [tilespmem:s11+$0xFFFFFC40]  }
0x363: {  	v22 =	vld [tilespmem:s11+$0xFFFFFC50];
	v23 =	vshll.u32 v18, $0x3;
	[tilespmem:v16+s8+$0x0] =	vst.idx.msk $0xffff, v1;
	v16 =	vor.u32 $0x80, v2  }
0x364: {  	v18 =	vand.u32 $0x7F, v18;
	v2 =	vshll.u32 v3, $0x3;
	v24 =	vld [tilespmem:s11+$0xFFFFFC60];
	v23 =	vand.u32 $0xFFFFFC00, v23;
	[tilespmem:v17+s8+$0x0] =	vst.idx.msk $0xffff, v1  }
0x365: {  	v17 =	vand.u32 $0xFFFFFC00, v2;
	v2 =	vshll.u32 v19, $0x3;
	v25 =	vld [tilespmem:s11+$0xFFFFFC70];
	v18 =	vor.u32 v23, v18;
	[tilespmem:v13+s8+$0x0] =	vst.idx.msk $0xffff, v1  }
0x366: {  	v13 =	vand.u32 $0xFFFFFC00, v2;
	v2 =	vshll.u32 v20, $0x3;
	v23 =	vld [tilespmem:s11+$0x0];
	v18 =	vor.u32 $0x80, v18;
	[tilespmem:v14+s8+$0x0] =	vst.idx.msk $0xffff, v1  }
0x367: {  	v3 =	vand.u32 $0x7F, v3;
	v14 =	vand.u32 $0xFFFFFC00, v2;
	v2 =	vshll.u32 v21, $0x3;
	v26 =	vld [tilespmem:s11+$0x10];
	[tilespmem:v15+s8+$0x0] =	vst.idx.msk $0xffff, v1  }
0x368: {  	v15 =	vand.u32 $0x7F, v19;
	v19 =	vand.u32 $0xFFFFFC00, v2;
	v2 =	vshll.u32 v22, $0x3;
	v27 =	vld [tilespmem:s11+$0x20];
	[tilespmem:v12+s8+$0x0] =	vst.idx.msk $0xffff, v1  }
0x369: {  	v12 =	vand.u32 $0x7F, v20;
	v20 =	vand.u32 $0xFFFFFC00, v2;
	v2 =	vshll.u32 v24, $0x3;
	v28 =	vld [tilespmem:s11+$0x30];
	[tilespmem:v11+s8+$0x0] =	vst.idx.msk $0xffff, v1  }
0x36a: {  	v11 =	vand.u32 $0x7F, v21;
	v21 =	vand.u32 $0xFFFFFC00, v2;
	v2 =	vshll.u32 v25, $0x3;
	v29 =	vld [tilespmem:s11+$0x40];
	[tilespmem:v10+s8+$0x0] =	vst.idx.msk $0xffff, v1  }
0x36b: {  	s12 =	simm.s32 $0x500;
	v10 =	vand.u32 $0x7F, v22;
	v22 =	vand.u32 $0xFFFFFC00, v2;
	v2 =	vshll.u32 v23, $0x3;
	v30 =	vld [tilespmem:s11+$0x50];
	[tilespmem:v18+s8+$0x0] =	vst.idx.msk $0xffff, v1  }
0x36c: {  	v18 =	vand.u32 $0x7F, v24;
	v24 =	vand.u32 $0xFFFFFC00, v2;
	v2 =	vshll.u32 v26, $0x3;
	v31 =	vld [tilespmem:s11+$0x60];
	[tilespmem:v9+s8+$0x0] =	vst.idx.msk $0xffff, v1  }
0x36d: {  	v25 =	vand.u32 $0x7F, v25;
	v9 =	vld [tilespmem:s11+$0xFFFFFC00];
	v32 =	vand.u32 $0xFFFFFC00, v2;
	v2 =	vshll.u32 v27, $0x3;
	[tilespmem:v8+s8+$0x0] =	vst.idx.msk $0xffff, v1  }
0x36e: {  	v8 =	vand.u32 $0x7F, v23;
	v23 =	vand.u32 $0xFFFFFC00, v2;
	v2 =	vshll.u32 v28, $0x3;
	[tilespmem:v7+s8+$0x0] =	vst.idx.msk $0xffff, v1  }
0x36f: {  	v7 =	vand.u32 $0x7F, v26;
	v26 =	vand.u32 $0xFFFFFC00, v2;
	v2 =	vshll.u32 v29, $0x3;
	[tilespmem:v6+s8+$0x0] =	vst.idx.msk $0xffff, v1  }
0x370: {  	v6 =	vand.u32 $0x7F, v27;
	v27 =	vand.u32 $0xFFFFFC00, v2;
	v2 =	vshll.u32 v30, $0x3;
	[tilespmem:v5+s8+$0x0] =	vst.idx.msk $0xffff, v1  }
0x371: {  	v5 =	vand.u32 $0x7F, v28;
	v28 =	vand.u32 $0xFFFFFC00, v2;
	v2 =	vshll.u32 v31, $0x3;
	[tilespmem:v4+s8+$0x0] =	vst.idx.msk $0xffff, v1  }
0x372: {  	v4 =	vand.u32 $0x7F, v9;
	v9 =	vshll.u32 v9, $0x3;
	v2 =	vand.u32 $0xFFFFFC00, v2;
	[tilespmem:v16+s8+$0x0] =	vst.idx.msk $0xffff, v1  }
0x373: {  	v29 =	vand.u32 $0x7F, v29;
	v30 =	vand.u32 $0x7F, v30;
	v9 =	vand.u32 $0xFFFFFC00, v9  }
.Ltmp17:
0x374: {  	v17 =	vor.u32 v17, v3;
	v3 =	vand.u32 $0x7F, v31;
	v16 =	vor.u32 v9, v4;
	(pc) =	sbr.rel @p0 .LBB2_36-.Ltmp17, $4  }
0x375: {  	v13 =	vor.u32 v13, v15;
	v14 =	vor.u32 v14, v12;
	v15 =	vor.u32 v19, v11  }
0x376: {  	v12 =	vor.u32 v20, v10;
	v11 =	vor.u32 v21, v18;
	v10 =	vor.u32 v22, v25  }
0x377: {  	v9 =	vor.u32 v24, v8;
	v8 =	vor.u32 v32, v7;
	v7 =	vor.u32 v23, v6  }
0x378: {  	s11 =	sadd.s32 $0x800, s11;
	v6 =	vor.u32 v26, v5;
	v5 =	vor.u32 v27, v29;
	v4 =	vor.u32 v28, v30  }
0x379: {  	v16 =	vor.u32 $0x80, v16  }
0x37a: {  	v17 =	vor.u32 $0x80, v17  }
0x37b: {  	v13 =	vor.u32 $0x80, v13  }
0x37c: {  	v14 =	vor.u32 $0x80, v14  }
0x37d: {  	v15 =	vor.u32 $0x80, v15  }
0x37e: {  	v12 =	vor.u32 $0x80, v12;
	[tilespmem:v16+s8+$0x0] =	vst.idx.msk $0xffff, v1  }
0x37f: {  	v11 =	vor.u32 $0x80, v11;
	[tilespmem:v17+s8+$0x0] =	vst.idx.msk $0xffff, v1  }
0x380: {  	v10 =	vor.u32 $0x80, v10;
	[tilespmem:v13+s8+$0x0] =	vst.idx.msk $0xffff, v1  }
0x381: {  	v9 =	vor.u32 $0x80, v9;
	[tilespmem:v14+s8+$0x0] =	vst.idx.msk $0xffff, v1  }
0x382: {  	v8 =	vor.u32 $0x80, v8;
	[tilespmem:v15+s8+$0x0] =	vst.idx.msk $0xffff, v1  }
0x383: {  	v7 =	vor.u32 $0x80, v7;
	[tilespmem:v12+s8+$0x0] =	vst.idx.msk $0xffff, v1  }
0x384: {  	v6 =	vor.u32 $0x80, v6;
	[tilespmem:v11+s8+$0x0] =	vst.idx.msk $0xffff, v1  }
0x385: {  	v5 =	vor.u32 $0x80, v5;
	[tilespmem:v10+s8+$0x0] =	vst.idx.msk $0xffff, v1  }
0x386: {  	v2 =	vor.u32 v2, v3;
	v3 =	vor.u32 $0x80, v4;
	[tilespmem:v9+s8+$0x0] =	vst.idx.msk $0xffff, v1  }
0x387: {  	v2 =	vor.u32 $0x80, v2;
	[tilespmem:v8+s8+$0x0] =	vst.idx.msk $0xffff, v1  }
0x388: {  	[tilespmem:v7+s8+$0x0] =	vst.idx.msk $0xffff, v1  }
0x389: {  	[tilespmem:v6+s8+$0x0] =	vst.idx.msk $0xffff, v1  }
0x38a: {  	[tilespmem:v5+s8+$0x0] =	vst.idx.msk $0xffff, v1  }
0x38b: {  	[tilespmem:v3+s8+$0x0] =	vst.idx.msk $0xffff, v1  }
0x38c: {  	[tilespmem:v2+s8+$0x0] =	vst.idx.msk $0xffff, v1  }
0x38d: {  	v2 =	vld [tilespmem:s12+$0x70]  }
0x38e: {  	v3 =	vld [tilespmem:s12+$0xFFFFFC10]  }
0x38f: {  	v4 =	vld [tilespmem:s12+$0xFFFFFC20]  }
0x390: {  	v12 =	vld [tilespmem:s12+$0xFFFFFC70]  }
0x391: {  	v13 =	vld [tilespmem:s12+$0x0]  }
0x392: {  	v15 =	vld [tilespmem:s12+$0x10]  }
0x393: {  	v16 =	vld [tilespmem:s12+$0x20]  }
0x394: {  	v17 =	vld [tilespmem:s12+$0x30]  }
0x395: {  	v5 =	vld [tilespmem:s12+$0xFFFFFC30];
	v8 =	vshll.u32 v2, $0x3  }
0x396: {  	v6 =	vld [tilespmem:s12+$0xFFFFFC40];
	v9 =	vshll.u32 v3, $0x3;
	v2 =	vand.u32 $0x7F, v2;
	v11 =	vshll.u32 v4, $0x3  }
0x397: {  	v7 =	vld [tilespmem:s12+$0xFFFFFC50];
	v3 =	vand.u32 $0x7F, v3;
	v4 =	vand.u32 $0x7F, v4;
	v27 =	vand.u32 $0x7F, v12  }
0x398: {  	v10 =	vld [tilespmem:s12+$0xFFFFFC60];
	v29 =	vand.u32 $0x7F, v13;
	v31 =	vand.u32 $0x7F, v15;
	v33 =	vand.u32 $0x7F, v16  }
0x399: {  	v35 =	vand.u32 $0x7F, v17;
	v8 =	vand.u32 $0xFFFFFC00, v8;
	v9 =	vand.u32 $0xFFFFFC00, v9  }
0x39a: {  	v2 =	vor.u32 v8, v2;
	v8 =	vand.u32 $0xFFFFFC00, v11;
	v11 =	vshll.u32 v5, $0x3  }
0x39b: {  	v26 =	vld [tilespmem:s12+$0xFFFFFC00];
	v5 =	vand.u32 $0x7F, v5;
	v14 =	vor.u32 $0x100, v2;
	v2 =	vshll.u32 v6, $0x3  }
0x39c: {  	v11 =	vand.u32 $0xFFFFFC00, v11;
	v18 =	vand.u32 $0xFFFFFC00, v2;
	v2 =	vshll.u32 v7, $0x3  }
0x39d: {  	v6 =	vand.u32 $0x7F, v6;
	v19 =	vand.u32 $0xFFFFFC00, v2;
	v2 =	vshll.u32 v10, $0x3  }
0x39e: {  	v7 =	vand.u32 $0x7F, v7;
	v20 =	vand.u32 $0xFFFFFC00, v2;
	v2 =	vshll.u32 v12, $0x3  }
0x39f: {  	v10 =	vand.u32 $0x7F, v10;
	v22 =	vand.u32 $0xFFFFFC00, v2;
	v2 =	vshll.u32 v13, $0x3  }
0x3a0: {  	v25 =	vld [tilespmem:s12+$0x60];
	v12 =	vand.u32 $0x7F, v26;
	v13 =	vshll.u32 v26, $0x3;
	v24 =	vand.u32 $0xFFFFFC00, v2  }
0x3a1: {  	v2 =	vshll.u32 v15, $0x3;
	v13 =	vand.u32 $0xFFFFFC00, v13;
	[tilespmem:v14+s8+$0x0] =	vst.idx.msk $0xffff, v1;
	v14 =	vor.u32 v11, v5  }
0x3a2: {  	v21 =	vld [tilespmem:s12+$0x40];
	v15 =	vor.u32 v18, v6;
	v11 =	vor.u32 v20, v10;
	v10 =	vor.u32 v22, v27  }
0x3a3: {  	v23 =	vld [tilespmem:s12+$0x50];
	v28 =	vand.u32 $0xFFFFFC00, v2;
	v2 =	vshll.u32 v16, $0x3;
	v16 =	vor.u32 v13, v12  }
0x3a4: {  	v13 =	vor.u32 v8, v4;
	v12 =	vor.u32 v19, v7;
	v30 =	vand.u32 $0xFFFFFC00, v2  }
0x3a5: {  	v2 =	vshll.u32 v17, $0x3;
	v17 =	vor.u32 v9, v3;
	v3 =	vand.u32 $0x7F, v25  }
0x3a6: {  	v9 =	vor.u32 v24, v29;
	v8 =	vor.u32 v28, v31;
	v32 =	vand.u32 $0xFFFFFC00, v2  }
0x3a7: {  	v2 =	vshll.u32 v21, $0x3;
	v21 =	vand.u32 $0x7F, v21;
	v7 =	vor.u32 v30, v33  }
0x3a8: {  	v34 =	vand.u32 $0xFFFFFC00, v2;
	v2 =	vshll.u32 v23, $0x3;
	v23 =	vand.u32 $0x7F, v23  }
0x3a9: {  	v6 =	vor.u32 v32, v35;
	v36 =	vand.u32 $0xFFFFFC00, v2;
	v2 =	vshll.u32 v25, $0x3  }
0x3aa: {  	s10 =	simm.s32 $0x0;
	s11 =	simm.s32 $0xD00;
	v5 =	vor.u32 v34, v21;
	v2 =	vand.u32 $0xFFFFFC00, v2;
	v4 =	vor.u32 v36, v23  }
.LBB2_38:
0x3ab: {  	v18 =	vld [tilespmem:s11+$0x70];
	s10 =	sadd.s32 $0x100, s10;
	v16 =	vor.u32 $0x100, v16;
	v17 =	vor.u32 $0x100, v17;
	v2 =	vor.u32 v2, v3  }
0x3ac: {  	v13 =	vor.u32 $0x100, v13;
	v14 =	vor.u32 $0x100, v14;
	v15 =	vor.u32 $0x100, v15;
	v3 =	vld [tilespmem:s11+$0xFFFFFC10];
	p0 =	slt.u32 s10, $0x1F00  }
0x3ad: {  	v12 =	vor.u32 $0x100, v12;
	v11 =	vor.u32 $0x100, v11;
	v10 =	vor.u32 $0x100, v10;
	v19 =	vld [tilespmem:s11+$0xFFFFFC20]  }
0x3ae: {  	v9 =	vor.u32 $0x100, v9;
	v8 =	vor.u32 $0x100, v8;
	v7 =	vor.u32 $0x100, v7;
	v20 =	vld [tilespmem:s11+$0xFFFFFC30]  }
0x3af: {  	v6 =	vor.u32 $0x100, v6;
	v5 =	vor.u32 $0x100, v5;
	v4 =	vor.u32 $0x100, v4;
	v21 =	vld [tilespmem:s11+$0xFFFFFC40]  }
0x3b0: {  	v22 =	vld [tilespmem:s11+$0xFFFFFC50];
	v23 =	vshll.u32 v18, $0x3;
	[tilespmem:v16+s8+$0x0] =	vst.idx.msk $0xffff, v1;
	v16 =	vor.u32 $0x100, v2  }
0x3b1: {  	v18 =	vand.u32 $0x7F, v18;
	v2 =	vshll.u32 v3, $0x3;
	v24 =	vld [tilespmem:s11+$0xFFFFFC60];
	v23 =	vand.u32 $0xFFFFFC00, v23;
	[tilespmem:v17+s8+$0x0] =	vst.idx.msk $0xffff, v1  }
0x3b2: {  	v17 =	vand.u32 $0xFFFFFC00, v2;
	v2 =	vshll.u32 v19, $0x3;
	v25 =	vld [tilespmem:s11+$0xFFFFFC70];
	v18 =	vor.u32 v23, v18;
	[tilespmem:v13+s8+$0x0] =	vst.idx.msk $0xffff, v1  }
0x3b3: {  	v13 =	vand.u32 $0xFFFFFC00, v2;
	v2 =	vshll.u32 v20, $0x3;
	v23 =	vld [tilespmem:s11+$0x0];
	v18 =	vor.u32 $0x100, v18;
	[tilespmem:v14+s8+$0x0] =	vst.idx.msk $0xffff, v1  }
0x3b4: {  	v3 =	vand.u32 $0x7F, v3;
	v14 =	vand.u32 $0xFFFFFC00, v2;
	v2 =	vshll.u32 v21, $0x3;
	v26 =	vld [tilespmem:s11+$0x10];
	[tilespmem:v15+s8+$0x0] =	vst.idx.msk $0xffff, v1  }
0x3b5: {  	v15 =	vand.u32 $0x7F, v19;
	v19 =	vand.u32 $0xFFFFFC00, v2;
	v2 =	vshll.u32 v22, $0x3;
	v27 =	vld [tilespmem:s11+$0x20];
	[tilespmem:v12+s8+$0x0] =	vst.idx.msk $0xffff, v1  }
0x3b6: {  	v12 =	vand.u32 $0x7F, v20;
	v20 =	vand.u32 $0xFFFFFC00, v2;
	v2 =	vshll.u32 v24, $0x3;
	v28 =	vld [tilespmem:s11+$0x30];
	[tilespmem:v11+s8+$0x0] =	vst.idx.msk $0xffff, v1  }
0x3b7: {  	v11 =	vand.u32 $0x7F, v21;
	v21 =	vand.u32 $0xFFFFFC00, v2;
	v2 =	vshll.u32 v25, $0x3;
	v29 =	vld [tilespmem:s11+$0x40];
	[tilespmem:v10+s8+$0x0] =	vst.idx.msk $0xffff, v1  }
0x3b8: {  	s12 =	simm.s32 $0x580;
	v10 =	vand.u32 $0x7F, v22;
	v22 =	vand.u32 $0xFFFFFC00, v2;
	v2 =	vshll.u32 v23, $0x3;
	v30 =	vld [tilespmem:s11+$0x50];
	[tilespmem:v18+s8+$0x0] =	vst.idx.msk $0xffff, v1  }
0x3b9: {  	v18 =	vand.u32 $0x7F, v24;
	v24 =	vand.u32 $0xFFFFFC00, v2;
	v2 =	vshll.u32 v26, $0x3;
	v31 =	vld [tilespmem:s11+$0x60];
	[tilespmem:v9+s8+$0x0] =	vst.idx.msk $0xffff, v1  }
0x3ba: {  	v25 =	vand.u32 $0x7F, v25;
	v9 =	vld [tilespmem:s11+$0xFFFFFC00];
	v32 =	vand.u32 $0xFFFFFC00, v2;
	v2 =	vshll.u32 v27, $0x3;
	[tilespmem:v8+s8+$0x0] =	vst.idx.msk $0xffff, v1  }
0x3bb: {  	v8 =	vand.u32 $0x7F, v23;
	v23 =	vand.u32 $0xFFFFFC00, v2;
	v2 =	vshll.u32 v28, $0x3;
	[tilespmem:v7+s8+$0x0] =	vst.idx.msk $0xffff, v1  }
0x3bc: {  	v7 =	vand.u32 $0x7F, v26;
	v26 =	vand.u32 $0xFFFFFC00, v2;
	v2 =	vshll.u32 v29, $0x3;
	[tilespmem:v6+s8+$0x0] =	vst.idx.msk $0xffff, v1  }
0x3bd: {  	v6 =	vand.u32 $0x7F, v27;
	v27 =	vand.u32 $0xFFFFFC00, v2;
	v2 =	vshll.u32 v30, $0x3;
	[tilespmem:v5+s8+$0x0] =	vst.idx.msk $0xffff, v1  }
0x3be: {  	v5 =	vand.u32 $0x7F, v28;
	v28 =	vand.u32 $0xFFFFFC00, v2;
	v2 =	vshll.u32 v31, $0x3;
	[tilespmem:v4+s8+$0x0] =	vst.idx.msk $0xffff, v1  }
0x3bf: {  	v4 =	vand.u32 $0x7F, v9;
	v9 =	vshll.u32 v9, $0x3;
	v2 =	vand.u32 $0xFFFFFC00, v2;
	[tilespmem:v16+s8+$0x0] =	vst.idx.msk $0xffff, v1  }
0x3c0: {  	v29 =	vand.u32 $0x7F, v29;
	v30 =	vand.u32 $0x7F, v30;
	v9 =	vand.u32 $0xFFFFFC00, v9  }
.Ltmp18:
0x3c1: {  	v17 =	vor.u32 v17, v3;
	v3 =	vand.u32 $0x7F, v31;
	v16 =	vor.u32 v9, v4;
	(pc) =	sbr.rel @p0 .LBB2_38-.Ltmp18, $4  }
0x3c2: {  	v13 =	vor.u32 v13, v15;
	v14 =	vor.u32 v14, v12;
	v15 =	vor.u32 v19, v11  }
0x3c3: {  	v12 =	vor.u32 v20, v10;
	v11 =	vor.u32 v21, v18;
	v10 =	vor.u32 v22, v25  }
0x3c4: {  	v9 =	vor.u32 v24, v8;
	v8 =	vor.u32 v32, v7;
	v7 =	vor.u32 v23, v6  }
0x3c5: {  	s11 =	sadd.s32 $0x800, s11;
	v6 =	vor.u32 v26, v5;
	v5 =	vor.u32 v27, v29;
	v4 =	vor.u32 v28, v30  }
0x3c6: {  	v16 =	vor.u32 $0x100, v16  }
0x3c7: {  	v17 =	vor.u32 $0x100, v17  }
0x3c8: {  	v13 =	vor.u32 $0x100, v13  }
0x3c9: {  	v14 =	vor.u32 $0x100, v14  }
0x3ca: {  	v15 =	vor.u32 $0x100, v15  }
0x3cb: {  	v12 =	vor.u32 $0x100, v12;
	[tilespmem:v16+s8+$0x0] =	vst.idx.msk $0xffff, v1  }
0x3cc: {  	v11 =	vor.u32 $0x100, v11;
	[tilespmem:v17+s8+$0x0] =	vst.idx.msk $0xffff, v1  }
0x3cd: {  	v10 =	vor.u32 $0x100, v10;
	[tilespmem:v13+s8+$0x0] =	vst.idx.msk $0xffff, v1  }
0x3ce: {  	v9 =	vor.u32 $0x100, v9;
	[tilespmem:v14+s8+$0x0] =	vst.idx.msk $0xffff, v1  }
0x3cf: {  	v8 =	vor.u32 $0x100, v8;
	[tilespmem:v15+s8+$0x0] =	vst.idx.msk $0xffff, v1  }
0x3d0: {  	v7 =	vor.u32 $0x100, v7;
	[tilespmem:v12+s8+$0x0] =	vst.idx.msk $0xffff, v1  }
0x3d1: {  	v6 =	vor.u32 $0x100, v6;
	[tilespmem:v11+s8+$0x0] =	vst.idx.msk $0xffff, v1  }
0x3d2: {  	v5 =	vor.u32 $0x100, v5;
	[tilespmem:v10+s8+$0x0] =	vst.idx.msk $0xffff, v1  }
0x3d3: {  	v2 =	vor.u32 v2, v3;
	v3 =	vor.u32 $0x100, v4;
	[tilespmem:v9+s8+$0x0] =	vst.idx.msk $0xffff, v1  }
0x3d4: {  	v2 =	vor.u32 $0x100, v2;
	[tilespmem:v8+s8+$0x0] =	vst.idx.msk $0xffff, v1  }
0x3d5: {  	[tilespmem:v7+s8+$0x0] =	vst.idx.msk $0xffff, v1  }
0x3d6: {  	[tilespmem:v6+s8+$0x0] =	vst.idx.msk $0xffff, v1  }
0x3d7: {  	[tilespmem:v5+s8+$0x0] =	vst.idx.msk $0xffff, v1  }
0x3d8: {  	[tilespmem:v3+s8+$0x0] =	vst.idx.msk $0xffff, v1  }
0x3d9: {  	[tilespmem:v2+s8+$0x0] =	vst.idx.msk $0xffff, v1  }
0x3da: {  	v2 =	vld [tilespmem:s12+$0x70]  }
0x3db: {  	v3 =	vld [tilespmem:s12+$0xFFFFFC10]  }
0x3dc: {  	v4 =	vld [tilespmem:s12+$0xFFFFFC20]  }
0x3dd: {  	v12 =	vld [tilespmem:s12+$0xFFFFFC70]  }
0x3de: {  	v13 =	vld [tilespmem:s12+$0x0]  }
0x3df: {  	v15 =	vld [tilespmem:s12+$0x10]  }
0x3e0: {  	v16 =	vld [tilespmem:s12+$0x20]  }
0x3e1: {  	v17 =	vld [tilespmem:s12+$0x30]  }
0x3e2: {  	v5 =	vld [tilespmem:s12+$0xFFFFFC30];
	v8 =	vshll.u32 v2, $0x3  }
0x3e3: {  	v6 =	vld [tilespmem:s12+$0xFFFFFC40];
	v9 =	vshll.u32 v3, $0x3;
	v2 =	vand.u32 $0x7F, v2;
	v11 =	vshll.u32 v4, $0x3  }
0x3e4: {  	v7 =	vld [tilespmem:s12+$0xFFFFFC50];
	v3 =	vand.u32 $0x7F, v3;
	v4 =	vand.u32 $0x7F, v4;
	v27 =	vand.u32 $0x7F, v12  }
0x3e5: {  	v10 =	vld [tilespmem:s12+$0xFFFFFC60];
	v29 =	vand.u32 $0x7F, v13;
	v31 =	vand.u32 $0x7F, v15;
	v33 =	vand.u32 $0x7F, v16  }
0x3e6: {  	v35 =	vand.u32 $0x7F, v17;
	v8 =	vand.u32 $0xFFFFFC00, v8;
	v9 =	vand.u32 $0xFFFFFC00, v9  }
0x3e7: {  	v2 =	vor.u32 v8, v2;
	v8 =	vand.u32 $0xFFFFFC00, v11;
	v11 =	vshll.u32 v5, $0x3  }
0x3e8: {  	v26 =	vld [tilespmem:s12+$0xFFFFFC00];
	v5 =	vand.u32 $0x7F, v5;
	v14 =	vor.u32 $0x180, v2;
	v2 =	vshll.u32 v6, $0x3  }
0x3e9: {  	v11 =	vand.u32 $0xFFFFFC00, v11;
	v18 =	vand.u32 $0xFFFFFC00, v2;
	v2 =	vshll.u32 v7, $0x3  }
0x3ea: {  	v6 =	vand.u32 $0x7F, v6;
	v19 =	vand.u32 $0xFFFFFC00, v2;
	v2 =	vshll.u32 v10, $0x3  }
0x3eb: {  	v7 =	vand.u32 $0x7F, v7;
	v20 =	vand.u32 $0xFFFFFC00, v2;
	v2 =	vshll.u32 v12, $0x3  }
0x3ec: {  	v10 =	vand.u32 $0x7F, v10;
	v22 =	vand.u32 $0xFFFFFC00, v2;
	v2 =	vshll.u32 v13, $0x3  }
0x3ed: {  	v25 =	vld [tilespmem:s12+$0x60];
	v12 =	vand.u32 $0x7F, v26;
	v13 =	vshll.u32 v26, $0x3;
	v24 =	vand.u32 $0xFFFFFC00, v2  }
0x3ee: {  	v2 =	vshll.u32 v15, $0x3;
	v13 =	vand.u32 $0xFFFFFC00, v13;
	[tilespmem:v14+s8+$0x0] =	vst.idx.msk $0xffff, v1;
	v14 =	vor.u32 v11, v5  }
0x3ef: {  	v21 =	vld [tilespmem:s12+$0x40];
	v15 =	vor.u32 v18, v6;
	v11 =	vor.u32 v20, v10;
	v10 =	vor.u32 v22, v27  }
0x3f0: {  	v23 =	vld [tilespmem:s12+$0x50];
	v28 =	vand.u32 $0xFFFFFC00, v2;
	v2 =	vshll.u32 v16, $0x3;
	v16 =	vor.u32 v13, v12  }
0x3f1: {  	v13 =	vor.u32 v8, v4;
	v12 =	vor.u32 v19, v7;
	v30 =	vand.u32 $0xFFFFFC00, v2  }
0x3f2: {  	v2 =	vshll.u32 v17, $0x3;
	v17 =	vor.u32 v9, v3;
	v3 =	vand.u32 $0x7F, v25  }
0x3f3: {  	v9 =	vor.u32 v24, v29;
	v8 =	vor.u32 v28, v31;
	v32 =	vand.u32 $0xFFFFFC00, v2  }
0x3f4: {  	v2 =	vshll.u32 v21, $0x3;
	v21 =	vand.u32 $0x7F, v21;
	v7 =	vor.u32 v30, v33  }
0x3f5: {  	v34 =	vand.u32 $0xFFFFFC00, v2;
	v2 =	vshll.u32 v23, $0x3;
	v23 =	vand.u32 $0x7F, v23  }
0x3f6: {  	v6 =	vor.u32 v32, v35;
	v36 =	vand.u32 $0xFFFFFC00, v2;
	v2 =	vshll.u32 v25, $0x3  }
0x3f7: {  	s10 =	simm.s32 $0x0;
	s11 =	simm.s32 $0xD80;
	v5 =	vor.u32 v34, v21;
	v2 =	vand.u32 $0xFFFFFC00, v2;
	v4 =	vor.u32 v36, v23  }
.LBB2_40:
0x3f8: {  	v18 =	vld [tilespmem:s11+$0x70];
	s10 =	sadd.s32 $0x100, s10;
	v16 =	vor.u32 $0x180, v16;
	v17 =	vor.u32 $0x180, v17;
	v2 =	vor.u32 v2, v3  }
0x3f9: {  	v13 =	vor.u32 $0x180, v13;
	v14 =	vor.u32 $0x180, v14;
	v15 =	vor.u32 $0x180, v15;
	v3 =	vld [tilespmem:s11+$0xFFFFFC10];
	p0 =	slt.u32 s10, $0x1F00  }
0x3fa: {  	v12 =	vor.u32 $0x180, v12;
	v11 =	vor.u32 $0x180, v11;
	v10 =	vor.u32 $0x180, v10;
	v19 =	vld [tilespmem:s11+$0xFFFFFC20]  }
0x3fb: {  	v9 =	vor.u32 $0x180, v9;
	v8 =	vor.u32 $0x180, v8;
	v7 =	vor.u32 $0x180, v7;
	v20 =	vld [tilespmem:s11+$0xFFFFFC30]  }
0x3fc: {  	v6 =	vor.u32 $0x180, v6;
	v5 =	vor.u32 $0x180, v5;
	v4 =	vor.u32 $0x180, v4;
	v21 =	vld [tilespmem:s11+$0xFFFFFC40]  }
0x3fd: {  	v22 =	vld [tilespmem:s11+$0xFFFFFC50];
	v23 =	vshll.u32 v18, $0x3;
	[tilespmem:v16+s8+$0x0] =	vst.idx.msk $0xffff, v1;
	v16 =	vor.u32 $0x180, v2  }
0x3fe: {  	v18 =	vand.u32 $0x7F, v18;
	v2 =	vshll.u32 v3, $0x3;
	v24 =	vld [tilespmem:s11+$0xFFFFFC60];
	v23 =	vand.u32 $0xFFFFFC00, v23;
	[tilespmem:v17+s8+$0x0] =	vst.idx.msk $0xffff, v1  }
0x3ff: {  	v17 =	vand.u32 $0xFFFFFC00, v2;
	v2 =	vshll.u32 v19, $0x3;
	v25 =	vld [tilespmem:s11+$0xFFFFFC70];
	v18 =	vor.u32 v23, v18;
	[tilespmem:v13+s8+$0x0] =	vst.idx.msk $0xffff, v1  }
0x400: {  	v13 =	vand.u32 $0xFFFFFC00, v2;
	v2 =	vshll.u32 v20, $0x3;
	v23 =	vld [tilespmem:s11+$0x0];
	v18 =	vor.u32 $0x180, v18;
	[tilespmem:v14+s8+$0x0] =	vst.idx.msk $0xffff, v1  }
0x401: {  	v3 =	vand.u32 $0x7F, v3;
	v14 =	vand.u32 $0xFFFFFC00, v2;
	v2 =	vshll.u32 v21, $0x3;
	v26 =	vld [tilespmem:s11+$0x10];
	[tilespmem:v15+s8+$0x0] =	vst.idx.msk $0xffff, v1  }
0x402: {  	v15 =	vand.u32 $0x7F, v19;
	v19 =	vand.u32 $0xFFFFFC00, v2;
	v2 =	vshll.u32 v22, $0x3;
	v27 =	vld [tilespmem:s11+$0x20];
	[tilespmem:v12+s8+$0x0] =	vst.idx.msk $0xffff, v1  }
0x403: {  	v12 =	vand.u32 $0x7F, v20;
	v20 =	vand.u32 $0xFFFFFC00, v2;
	v2 =	vshll.u32 v24, $0x3;
	v28 =	vld [tilespmem:s11+$0x30];
	[tilespmem:v11+s8+$0x0] =	vst.idx.msk $0xffff, v1  }
0x404: {  	v11 =	vand.u32 $0x7F, v21;
	v21 =	vand.u32 $0xFFFFFC00, v2;
	v2 =	vshll.u32 v25, $0x3;
	v29 =	vld [tilespmem:s11+$0x40];
	[tilespmem:v10+s8+$0x0] =	vst.idx.msk $0xffff, v1  }
0x405: {  	s12 =	simm.s32 $0x600;
	v10 =	vand.u32 $0x7F, v22;
	v22 =	vand.u32 $0xFFFFFC00, v2;
	v2 =	vshll.u32 v23, $0x3;
	v30 =	vld [tilespmem:s11+$0x50];
	[tilespmem:v18+s8+$0x0] =	vst.idx.msk $0xffff, v1  }
0x406: {  	v18 =	vand.u32 $0x7F, v24;
	v24 =	vand.u32 $0xFFFFFC00, v2;
	v2 =	vshll.u32 v26, $0x3;
	v31 =	vld [tilespmem:s11+$0x60];
	[tilespmem:v9+s8+$0x0] =	vst.idx.msk $0xffff, v1  }
0x407: {  	v25 =	vand.u32 $0x7F, v25;
	v9 =	vld [tilespmem:s11+$0xFFFFFC00];
	v32 =	vand.u32 $0xFFFFFC00, v2;
	v2 =	vshll.u32 v27, $0x3;
	[tilespmem:v8+s8+$0x0] =	vst.idx.msk $0xffff, v1  }
0x408: {  	v8 =	vand.u32 $0x7F, v23;
	v23 =	vand.u32 $0xFFFFFC00, v2;
	v2 =	vshll.u32 v28, $0x3;
	[tilespmem:v7+s8+$0x0] =	vst.idx.msk $0xffff, v1  }
0x409: {  	v7 =	vand.u32 $0x7F, v26;
	v26 =	vand.u32 $0xFFFFFC00, v2;
	v2 =	vshll.u32 v29, $0x3;
	[tilespmem:v6+s8+$0x0] =	vst.idx.msk $0xffff, v1  }
0x40a: {  	v6 =	vand.u32 $0x7F, v27;
	v27 =	vand.u32 $0xFFFFFC00, v2;
	v2 =	vshll.u32 v30, $0x3;
	[tilespmem:v5+s8+$0x0] =	vst.idx.msk $0xffff, v1  }
0x40b: {  	v5 =	vand.u32 $0x7F, v28;
	v28 =	vand.u32 $0xFFFFFC00, v2;
	v2 =	vshll.u32 v31, $0x3;
	[tilespmem:v4+s8+$0x0] =	vst.idx.msk $0xffff, v1  }
0x40c: {  	v4 =	vand.u32 $0x7F, v9;
	v9 =	vshll.u32 v9, $0x3;
	v2 =	vand.u32 $0xFFFFFC00, v2;
	[tilespmem:v16+s8+$0x0] =	vst.idx.msk $0xffff, v1  }
0x40d: {  	v29 =	vand.u32 $0x7F, v29;
	v30 =	vand.u32 $0x7F, v30;
	v9 =	vand.u32 $0xFFFFFC00, v9  }
.Ltmp19:
0x40e: {  	v17 =	vor.u32 v17, v3;
	v3 =	vand.u32 $0x7F, v31;
	v16 =	vor.u32 v9, v4;
	(pc) =	sbr.rel @p0 .LBB2_40-.Ltmp19, $4  }
0x40f: {  	v13 =	vor.u32 v13, v15;
	v14 =	vor.u32 v14, v12;
	v15 =	vor.u32 v19, v11  }
0x410: {  	v12 =	vor.u32 v20, v10;
	v11 =	vor.u32 v21, v18;
	v10 =	vor.u32 v22, v25  }
0x411: {  	v9 =	vor.u32 v24, v8;
	v8 =	vor.u32 v32, v7;
	v7 =	vor.u32 v23, v6  }
0x412: {  	s11 =	sadd.s32 $0x800, s11;
	v6 =	vor.u32 v26, v5;
	v5 =	vor.u32 v27, v29;
	v4 =	vor.u32 v28, v30  }
0x413: {  	v16 =	vor.u32 $0x180, v16  }
0x414: {  	v17 =	vor.u32 $0x180, v17  }
0x415: {  	v13 =	vor.u32 $0x180, v13  }
0x416: {  	v14 =	vor.u32 $0x180, v14  }
0x417: {  	v15 =	vor.u32 $0x180, v15  }
0x418: {  	v12 =	vor.u32 $0x180, v12;
	[tilespmem:v16+s8+$0x0] =	vst.idx.msk $0xffff, v1  }
0x419: {  	v11 =	vor.u32 $0x180, v11;
	[tilespmem:v17+s8+$0x0] =	vst.idx.msk $0xffff, v1  }
0x41a: {  	v10 =	vor.u32 $0x180, v10;
	[tilespmem:v13+s8+$0x0] =	vst.idx.msk $0xffff, v1  }
0x41b: {  	v9 =	vor.u32 $0x180, v9;
	[tilespmem:v14+s8+$0x0] =	vst.idx.msk $0xffff, v1  }
0x41c: {  	v8 =	vor.u32 $0x180, v8;
	[tilespmem:v15+s8+$0x0] =	vst.idx.msk $0xffff, v1  }
0x41d: {  	v7 =	vor.u32 $0x180, v7;
	[tilespmem:v12+s8+$0x0] =	vst.idx.msk $0xffff, v1  }
0x41e: {  	v6 =	vor.u32 $0x180, v6;
	[tilespmem:v11+s8+$0x0] =	vst.idx.msk $0xffff, v1  }
0x41f: {  	v5 =	vor.u32 $0x180, v5;
	[tilespmem:v10+s8+$0x0] =	vst.idx.msk $0xffff, v1  }
0x420: {  	v2 =	vor.u32 v2, v3;
	v3 =	vor.u32 $0x180, v4;
	[tilespmem:v9+s8+$0x0] =	vst.idx.msk $0xffff, v1  }
0x421: {  	v2 =	vor.u32 $0x180, v2;
	[tilespmem:v8+s8+$0x0] =	vst.idx.msk $0xffff, v1  }
0x422: {  	[tilespmem:v7+s8+$0x0] =	vst.idx.msk $0xffff, v1  }
0x423: {  	[tilespmem:v6+s8+$0x0] =	vst.idx.msk $0xffff, v1  }
0x424: {  	[tilespmem:v5+s8+$0x0] =	vst.idx.msk $0xffff, v1  }
0x425: {  	[tilespmem:v3+s8+$0x0] =	vst.idx.msk $0xffff, v1  }
0x426: {  	[tilespmem:v2+s8+$0x0] =	vst.idx.msk $0xffff, v1  }
0x427: {  	v2 =	vld [tilespmem:s12+$0x70]  }
0x428: {  	v3 =	vld [tilespmem:s12+$0xFFFFFC10]  }
0x429: {  	v4 =	vld [tilespmem:s12+$0xFFFFFC20]  }
0x42a: {  	v12 =	vld [tilespmem:s12+$0xFFFFFC70]  }
0x42b: {  	v13 =	vld [tilespmem:s12+$0x0]  }
0x42c: {  	v15 =	vld [tilespmem:s12+$0x10]  }
0x42d: {  	v16 =	vld [tilespmem:s12+$0x20]  }
0x42e: {  	v17 =	vld [tilespmem:s12+$0x30]  }
0x42f: {  	v5 =	vld [tilespmem:s12+$0xFFFFFC30];
	v8 =	vshll.u32 v2, $0x3  }
0x430: {  	v6 =	vld [tilespmem:s12+$0xFFFFFC40];
	v9 =	vshll.u32 v3, $0x3;
	v2 =	vand.u32 $0x7F, v2;
	v11 =	vshll.u32 v4, $0x3  }
0x431: {  	v7 =	vld [tilespmem:s12+$0xFFFFFC50];
	v3 =	vand.u32 $0x7F, v3;
	v4 =	vand.u32 $0x7F, v4;
	v27 =	vand.u32 $0x7F, v12  }
0x432: {  	v10 =	vld [tilespmem:s12+$0xFFFFFC60];
	v29 =	vand.u32 $0x7F, v13;
	v31 =	vand.u32 $0x7F, v15;
	v33 =	vand.u32 $0x7F, v16  }
0x433: {  	v35 =	vand.u32 $0x7F, v17;
	v8 =	vand.u32 $0xFFFFFC00, v8;
	v9 =	vand.u32 $0xFFFFFC00, v9  }
0x434: {  	v2 =	vor.u32 v8, v2;
	v8 =	vand.u32 $0xFFFFFC00, v11;
	v11 =	vshll.u32 v5, $0x3  }
0x435: {  	v26 =	vld [tilespmem:s12+$0xFFFFFC00];
	v5 =	vand.u32 $0x7F, v5;
	v14 =	vor.u32 $0x200, v2;
	v2 =	vshll.u32 v6, $0x3  }
0x436: {  	v11 =	vand.u32 $0xFFFFFC00, v11;
	v18 =	vand.u32 $0xFFFFFC00, v2;
	v2 =	vshll.u32 v7, $0x3  }
0x437: {  	v6 =	vand.u32 $0x7F, v6;
	v19 =	vand.u32 $0xFFFFFC00, v2;
	v2 =	vshll.u32 v10, $0x3  }
0x438: {  	v7 =	vand.u32 $0x7F, v7;
	v20 =	vand.u32 $0xFFFFFC00, v2;
	v2 =	vshll.u32 v12, $0x3  }
0x439: {  	v10 =	vand.u32 $0x7F, v10;
	v22 =	vand.u32 $0xFFFFFC00, v2;
	v2 =	vshll.u32 v13, $0x3  }
0x43a: {  	v25 =	vld [tilespmem:s12+$0x60];
	v12 =	vand.u32 $0x7F, v26;
	v13 =	vshll.u32 v26, $0x3;
	v24 =	vand.u32 $0xFFFFFC00, v2  }
0x43b: {  	v2 =	vshll.u32 v15, $0x3;
	v13 =	vand.u32 $0xFFFFFC00, v13;
	[tilespmem:v14+s8+$0x0] =	vst.idx.msk $0xffff, v1;
	v14 =	vor.u32 v11, v5  }
0x43c: {  	v21 =	vld [tilespmem:s12+$0x40];
	v15 =	vor.u32 v18, v6;
	v11 =	vor.u32 v20, v10;
	v10 =	vor.u32 v22, v27  }
0x43d: {  	v23 =	vld [tilespmem:s12+$0x50];
	v28 =	vand.u32 $0xFFFFFC00, v2;
	v2 =	vshll.u32 v16, $0x3;
	v16 =	vor.u32 v13, v12  }
0x43e: {  	v13 =	vor.u32 v8, v4;
	v12 =	vor.u32 v19, v7;
	v30 =	vand.u32 $0xFFFFFC00, v2  }
0x43f: {  	v2 =	vshll.u32 v17, $0x3;
	v17 =	vor.u32 v9, v3;
	v3 =	vand.u32 $0x7F, v25  }
0x440: {  	v9 =	vor.u32 v24, v29;
	v8 =	vor.u32 v28, v31;
	v32 =	vand.u32 $0xFFFFFC00, v2  }
0x441: {  	v2 =	vshll.u32 v21, $0x3;
	v21 =	vand.u32 $0x7F, v21;
	v7 =	vor.u32 v30, v33  }
0x442: {  	v34 =	vand.u32 $0xFFFFFC00, v2;
	v2 =	vshll.u32 v23, $0x3;
	v23 =	vand.u32 $0x7F, v23  }
0x443: {  	v6 =	vor.u32 v32, v35;
	v36 =	vand.u32 $0xFFFFFC00, v2;
	v2 =	vshll.u32 v25, $0x3  }
0x444: {  	s10 =	simm.s32 $0x0;
	s11 =	simm.s32 $0xE00;
	v5 =	vor.u32 v34, v21;
	v2 =	vand.u32 $0xFFFFFC00, v2;
	v4 =	vor.u32 v36, v23  }
.LBB2_42:
0x445: {  	v18 =	vld [tilespmem:s11+$0x70];
	s10 =	sadd.s32 $0x100, s10;
	v16 =	vor.u32 $0x200, v16;
	v17 =	vor.u32 $0x200, v17;
	v2 =	vor.u32 v2, v3  }
0x446: {  	v13 =	vor.u32 $0x200, v13;
	v14 =	vor.u32 $0x200, v14;
	v15 =	vor.u32 $0x200, v15;
	v3 =	vld [tilespmem:s11+$0xFFFFFC10];
	p0 =	slt.u32 s10, $0x1F00  }
0x447: {  	v12 =	vor.u32 $0x200, v12;
	v11 =	vor.u32 $0x200, v11;
	v10 =	vor.u32 $0x200, v10;
	v19 =	vld [tilespmem:s11+$0xFFFFFC20]  }
0x448: {  	v9 =	vor.u32 $0x200, v9;
	v8 =	vor.u32 $0x200, v8;
	v7 =	vor.u32 $0x200, v7;
	v20 =	vld [tilespmem:s11+$0xFFFFFC30]  }
0x449: {  	v6 =	vor.u32 $0x200, v6;
	v5 =	vor.u32 $0x200, v5;
	v4 =	vor.u32 $0x200, v4;
	v21 =	vld [tilespmem:s11+$0xFFFFFC40]  }
0x44a: {  	v22 =	vld [tilespmem:s11+$0xFFFFFC50];
	v23 =	vshll.u32 v18, $0x3;
	[tilespmem:v16+s8+$0x0] =	vst.idx.msk $0xffff, v1;
	v16 =	vor.u32 $0x200, v2  }
0x44b: {  	v18 =	vand.u32 $0x7F, v18;
	v2 =	vshll.u32 v3, $0x3;
	v24 =	vld [tilespmem:s11+$0xFFFFFC60];
	v23 =	vand.u32 $0xFFFFFC00, v23;
	[tilespmem:v17+s8+$0x0] =	vst.idx.msk $0xffff, v1  }
0x44c: {  	v17 =	vand.u32 $0xFFFFFC00, v2;
	v2 =	vshll.u32 v19, $0x3;
	v25 =	vld [tilespmem:s11+$0xFFFFFC70];
	v18 =	vor.u32 v23, v18;
	[tilespmem:v13+s8+$0x0] =	vst.idx.msk $0xffff, v1  }
0x44d: {  	v13 =	vand.u32 $0xFFFFFC00, v2;
	v2 =	vshll.u32 v20, $0x3;
	v23 =	vld [tilespmem:s11+$0x0];
	v18 =	vor.u32 $0x200, v18;
	[tilespmem:v14+s8+$0x0] =	vst.idx.msk $0xffff, v1  }
0x44e: {  	v3 =	vand.u32 $0x7F, v3;
	v14 =	vand.u32 $0xFFFFFC00, v2;
	v2 =	vshll.u32 v21, $0x3;
	v26 =	vld [tilespmem:s11+$0x10];
	[tilespmem:v15+s8+$0x0] =	vst.idx.msk $0xffff, v1  }
0x44f: {  	v15 =	vand.u32 $0x7F, v19;
	v19 =	vand.u32 $0xFFFFFC00, v2;
	v2 =	vshll.u32 v22, $0x3;
	v27 =	vld [tilespmem:s11+$0x20];
	[tilespmem:v12+s8+$0x0] =	vst.idx.msk $0xffff, v1  }
0x450: {  	v12 =	vand.u32 $0x7F, v20;
	v20 =	vand.u32 $0xFFFFFC00, v2;
	v2 =	vshll.u32 v24, $0x3;
	v28 =	vld [tilespmem:s11+$0x30];
	[tilespmem:v11+s8+$0x0] =	vst.idx.msk $0xffff, v1  }
0x451: {  	v11 =	vand.u32 $0x7F, v21;
	v21 =	vand.u32 $0xFFFFFC00, v2;
	v2 =	vshll.u32 v25, $0x3;
	v29 =	vld [tilespmem:s11+$0x40];
	[tilespmem:v10+s8+$0x0] =	vst.idx.msk $0xffff, v1  }
0x452: {  	s12 =	simm.s32 $0x680;
	v10 =	vand.u32 $0x7F, v22;
	v22 =	vand.u32 $0xFFFFFC00, v2;
	v2 =	vshll.u32 v23, $0x3;
	v30 =	vld [tilespmem:s11+$0x50];
	[tilespmem:v18+s8+$0x0] =	vst.idx.msk $0xffff, v1  }
0x453: {  	v18 =	vand.u32 $0x7F, v24;
	v24 =	vand.u32 $0xFFFFFC00, v2;
	v2 =	vshll.u32 v26, $0x3;
	v31 =	vld [tilespmem:s11+$0x60];
	[tilespmem:v9+s8+$0x0] =	vst.idx.msk $0xffff, v1  }
0x454: {  	v25 =	vand.u32 $0x7F, v25;
	v9 =	vld [tilespmem:s11+$0xFFFFFC00];
	v32 =	vand.u32 $0xFFFFFC00, v2;
	v2 =	vshll.u32 v27, $0x3;
	[tilespmem:v8+s8+$0x0] =	vst.idx.msk $0xffff, v1  }
0x455: {  	v8 =	vand.u32 $0x7F, v23;
	v23 =	vand.u32 $0xFFFFFC00, v2;
	v2 =	vshll.u32 v28, $0x3;
	[tilespmem:v7+s8+$0x0] =	vst.idx.msk $0xffff, v1  }
0x456: {  	v7 =	vand.u32 $0x7F, v26;
	v26 =	vand.u32 $0xFFFFFC00, v2;
	v2 =	vshll.u32 v29, $0x3;
	[tilespmem:v6+s8+$0x0] =	vst.idx.msk $0xffff, v1  }
0x457: {  	v6 =	vand.u32 $0x7F, v27;
	v27 =	vand.u32 $0xFFFFFC00, v2;
	v2 =	vshll.u32 v30, $0x3;
	[tilespmem:v5+s8+$0x0] =	vst.idx.msk $0xffff, v1  }
0x458: {  	v5 =	vand.u32 $0x7F, v28;
	v28 =	vand.u32 $0xFFFFFC00, v2;
	v2 =	vshll.u32 v31, $0x3;
	[tilespmem:v4+s8+$0x0] =	vst.idx.msk $0xffff, v1  }
0x459: {  	v4 =	vand.u32 $0x7F, v9;
	v9 =	vshll.u32 v9, $0x3;
	v2 =	vand.u32 $0xFFFFFC00, v2;
	[tilespmem:v16+s8+$0x0] =	vst.idx.msk $0xffff, v1  }
0x45a: {  	v29 =	vand.u32 $0x7F, v29;
	v30 =	vand.u32 $0x7F, v30;
	v9 =	vand.u32 $0xFFFFFC00, v9  }
.Ltmp20:
0x45b: {  	v17 =	vor.u32 v17, v3;
	v3 =	vand.u32 $0x7F, v31;
	v16 =	vor.u32 v9, v4;
	(pc) =	sbr.rel @p0 .LBB2_42-.Ltmp20, $4  }
0x45c: {  	v13 =	vor.u32 v13, v15;
	v14 =	vor.u32 v14, v12;
	v15 =	vor.u32 v19, v11  }
0x45d: {  	v12 =	vor.u32 v20, v10;
	v11 =	vor.u32 v21, v18;
	v10 =	vor.u32 v22, v25  }
0x45e: {  	v9 =	vor.u32 v24, v8;
	v8 =	vor.u32 v32, v7;
	v7 =	vor.u32 v23, v6  }
0x45f: {  	s11 =	sadd.s32 $0x800, s11;
	v6 =	vor.u32 v26, v5;
	v5 =	vor.u32 v27, v29;
	v4 =	vor.u32 v28, v30  }
0x460: {  	v16 =	vor.u32 $0x200, v16  }
0x461: {  	v17 =	vor.u32 $0x200, v17  }
0x462: {  	v13 =	vor.u32 $0x200, v13  }
0x463: {  	v14 =	vor.u32 $0x200, v14  }
0x464: {  	v15 =	vor.u32 $0x200, v15  }
0x465: {  	v12 =	vor.u32 $0x200, v12;
	[tilespmem:v16+s8+$0x0] =	vst.idx.msk $0xffff, v1  }
0x466: {  	v11 =	vor.u32 $0x200, v11;
	[tilespmem:v17+s8+$0x0] =	vst.idx.msk $0xffff, v1  }
0x467: {  	v10 =	vor.u32 $0x200, v10;
	[tilespmem:v13+s8+$0x0] =	vst.idx.msk $0xffff, v1  }
0x468: {  	v9 =	vor.u32 $0x200, v9;
	[tilespmem:v14+s8+$0x0] =	vst.idx.msk $0xffff, v1  }
0x469: {  	v8 =	vor.u32 $0x200, v8;
	[tilespmem:v15+s8+$0x0] =	vst.idx.msk $0xffff, v1  }
0x46a: {  	v7 =	vor.u32 $0x200, v7;
	[tilespmem:v12+s8+$0x0] =	vst.idx.msk $0xffff, v1  }
0x46b: {  	v6 =	vor.u32 $0x200, v6;
	[tilespmem:v11+s8+$0x0] =	vst.idx.msk $0xffff, v1  }
0x46c: {  	v5 =	vor.u32 $0x200, v5;
	[tilespmem:v10+s8+$0x0] =	vst.idx.msk $0xffff, v1  }
0x46d: {  	v2 =	vor.u32 v2, v3;
	v3 =	vor.u32 $0x200, v4;
	[tilespmem:v9+s8+$0x0] =	vst.idx.msk $0xffff, v1  }
0x46e: {  	v2 =	vor.u32 $0x200, v2;
	[tilespmem:v8+s8+$0x0] =	vst.idx.msk $0xffff, v1  }
0x46f: {  	[tilespmem:v7+s8+$0x0] =	vst.idx.msk $0xffff, v1  }
0x470: {  	[tilespmem:v6+s8+$0x0] =	vst.idx.msk $0xffff, v1  }
0x471: {  	[tilespmem:v5+s8+$0x0] =	vst.idx.msk $0xffff, v1  }
0x472: {  	[tilespmem:v3+s8+$0x0] =	vst.idx.msk $0xffff, v1  }
0x473: {  	[tilespmem:v2+s8+$0x0] =	vst.idx.msk $0xffff, v1  }
0x474: {  	v2 =	vld [tilespmem:s12+$0x70]  }
0x475: {  	v3 =	vld [tilespmem:s12+$0xFFFFFC10]  }
0x476: {  	v4 =	vld [tilespmem:s12+$0xFFFFFC20]  }
0x477: {  	v12 =	vld [tilespmem:s12+$0xFFFFFC70]  }
0x478: {  	v13 =	vld [tilespmem:s12+$0x0]  }
0x479: {  	v15 =	vld [tilespmem:s12+$0x10]  }
0x47a: {  	v16 =	vld [tilespmem:s12+$0x20]  }
0x47b: {  	v17 =	vld [tilespmem:s12+$0x30]  }
0x47c: {  	v5 =	vld [tilespmem:s12+$0xFFFFFC30];
	v8 =	vshll.u32 v2, $0x3  }
0x47d: {  	v6 =	vld [tilespmem:s12+$0xFFFFFC40];
	v9 =	vshll.u32 v3, $0x3;
	v2 =	vand.u32 $0x7F, v2;
	v11 =	vshll.u32 v4, $0x3  }
0x47e: {  	v7 =	vld [tilespmem:s12+$0xFFFFFC50];
	v3 =	vand.u32 $0x7F, v3;
	v4 =	vand.u32 $0x7F, v4;
	v27 =	vand.u32 $0x7F, v12  }
0x47f: {  	v10 =	vld [tilespmem:s12+$0xFFFFFC60];
	v29 =	vand.u32 $0x7F, v13;
	v31 =	vand.u32 $0x7F, v15;
	v33 =	vand.u32 $0x7F, v16  }
0x480: {  	v35 =	vand.u32 $0x7F, v17;
	v8 =	vand.u32 $0xFFFFFC00, v8;
	v9 =	vand.u32 $0xFFFFFC00, v9  }
0x481: {  	v2 =	vor.u32 v8, v2;
	v8 =	vand.u32 $0xFFFFFC00, v11;
	v11 =	vshll.u32 v5, $0x3  }
0x482: {  	v26 =	vld [tilespmem:s12+$0xFFFFFC00];
	v5 =	vand.u32 $0x7F, v5;
	v14 =	vor.u32 $0x280, v2;
	v2 =	vshll.u32 v6, $0x3  }
0x483: {  	v11 =	vand.u32 $0xFFFFFC00, v11;
	v18 =	vand.u32 $0xFFFFFC00, v2;
	v2 =	vshll.u32 v7, $0x3  }
0x484: {  	v6 =	vand.u32 $0x7F, v6;
	v19 =	vand.u32 $0xFFFFFC00, v2;
	v2 =	vshll.u32 v10, $0x3  }
0x485: {  	v7 =	vand.u32 $0x7F, v7;
	v20 =	vand.u32 $0xFFFFFC00, v2;
	v2 =	vshll.u32 v12, $0x3  }
0x486: {  	v10 =	vand.u32 $0x7F, v10;
	v22 =	vand.u32 $0xFFFFFC00, v2;
	v2 =	vshll.u32 v13, $0x3  }
0x487: {  	v25 =	vld [tilespmem:s12+$0x60];
	v12 =	vand.u32 $0x7F, v26;
	v13 =	vshll.u32 v26, $0x3;
	v24 =	vand.u32 $0xFFFFFC00, v2  }
0x488: {  	v2 =	vshll.u32 v15, $0x3;
	v13 =	vand.u32 $0xFFFFFC00, v13;
	[tilespmem:v14+s8+$0x0] =	vst.idx.msk $0xffff, v1;
	v14 =	vor.u32 v11, v5  }
0x489: {  	v21 =	vld [tilespmem:s12+$0x40];
	v15 =	vor.u32 v18, v6;
	v11 =	vor.u32 v20, v10;
	v10 =	vor.u32 v22, v27  }
0x48a: {  	v23 =	vld [tilespmem:s12+$0x50];
	v28 =	vand.u32 $0xFFFFFC00, v2;
	v2 =	vshll.u32 v16, $0x3;
	v16 =	vor.u32 v13, v12  }
0x48b: {  	v13 =	vor.u32 v8, v4;
	v12 =	vor.u32 v19, v7;
	v30 =	vand.u32 $0xFFFFFC00, v2  }
0x48c: {  	v2 =	vshll.u32 v17, $0x3;
	v17 =	vor.u32 v9, v3;
	v3 =	vand.u32 $0x7F, v25  }
0x48d: {  	v9 =	vor.u32 v24, v29;
	v8 =	vor.u32 v28, v31;
	v32 =	vand.u32 $0xFFFFFC00, v2  }
0x48e: {  	v2 =	vshll.u32 v21, $0x3;
	v21 =	vand.u32 $0x7F, v21;
	v7 =	vor.u32 v30, v33  }
0x48f: {  	v34 =	vand.u32 $0xFFFFFC00, v2;
	v2 =	vshll.u32 v23, $0x3;
	v23 =	vand.u32 $0x7F, v23  }
0x490: {  	v6 =	vor.u32 v32, v35;
	v36 =	vand.u32 $0xFFFFFC00, v2;
	v2 =	vshll.u32 v25, $0x3  }
0x491: {  	s10 =	simm.s32 $0x0;
	s11 =	simm.s32 $0xE80;
	v5 =	vor.u32 v34, v21;
	v2 =	vand.u32 $0xFFFFFC00, v2;
	v4 =	vor.u32 v36, v23  }
.LBB2_44:
0x492: {  	v18 =	vld [tilespmem:s11+$0x70];
	s10 =	sadd.s32 $0x100, s10;
	v16 =	vor.u32 $0x280, v16;
	v17 =	vor.u32 $0x280, v17;
	v2 =	vor.u32 v2, v3  }
0x493: {  	v13 =	vor.u32 $0x280, v13;
	v14 =	vor.u32 $0x280, v14;
	v15 =	vor.u32 $0x280, v15;
	v3 =	vld [tilespmem:s11+$0xFFFFFC10];
	p0 =	slt.u32 s10, $0x1F00  }
0x494: {  	v12 =	vor.u32 $0x280, v12;
	v11 =	vor.u32 $0x280, v11;
	v10 =	vor.u32 $0x280, v10;
	v19 =	vld [tilespmem:s11+$0xFFFFFC20]  }
0x495: {  	v9 =	vor.u32 $0x280, v9;
	v8 =	vor.u32 $0x280, v8;
	v7 =	vor.u32 $0x280, v7;
	v20 =	vld [tilespmem:s11+$0xFFFFFC30]  }
0x496: {  	v6 =	vor.u32 $0x280, v6;
	v5 =	vor.u32 $0x280, v5;
	v4 =	vor.u32 $0x280, v4;
	v21 =	vld [tilespmem:s11+$0xFFFFFC40]  }
0x497: {  	v22 =	vld [tilespmem:s11+$0xFFFFFC50];
	v23 =	vshll.u32 v18, $0x3;
	[tilespmem:v16+s8+$0x0] =	vst.idx.msk $0xffff, v1;
	v16 =	vor.u32 $0x280, v2  }
0x498: {  	v18 =	vand.u32 $0x7F, v18;
	v2 =	vshll.u32 v3, $0x3;
	v24 =	vld [tilespmem:s11+$0xFFFFFC60];
	v23 =	vand.u32 $0xFFFFFC00, v23;
	[tilespmem:v17+s8+$0x0] =	vst.idx.msk $0xffff, v1  }
0x499: {  	v17 =	vand.u32 $0xFFFFFC00, v2;
	v2 =	vshll.u32 v19, $0x3;
	v25 =	vld [tilespmem:s11+$0xFFFFFC70];
	v18 =	vor.u32 v23, v18;
	[tilespmem:v13+s8+$0x0] =	vst.idx.msk $0xffff, v1  }
0x49a: {  	v13 =	vand.u32 $0xFFFFFC00, v2;
	v2 =	vshll.u32 v20, $0x3;
	v23 =	vld [tilespmem:s11+$0x0];
	v18 =	vor.u32 $0x280, v18;
	[tilespmem:v14+s8+$0x0] =	vst.idx.msk $0xffff, v1  }
0x49b: {  	v3 =	vand.u32 $0x7F, v3;
	v14 =	vand.u32 $0xFFFFFC00, v2;
	v2 =	vshll.u32 v21, $0x3;
	v26 =	vld [tilespmem:s11+$0x10];
	[tilespmem:v15+s8+$0x0] =	vst.idx.msk $0xffff, v1  }
0x49c: {  	v15 =	vand.u32 $0x7F, v19;
	v19 =	vand.u32 $0xFFFFFC00, v2;
	v2 =	vshll.u32 v22, $0x3;
	v27 =	vld [tilespmem:s11+$0x20];
	[tilespmem:v12+s8+$0x0] =	vst.idx.msk $0xffff, v1  }
0x49d: {  	v12 =	vand.u32 $0x7F, v20;
	v20 =	vand.u32 $0xFFFFFC00, v2;
	v2 =	vshll.u32 v24, $0x3;
	v28 =	vld [tilespmem:s11+$0x30];
	[tilespmem:v11+s8+$0x0] =	vst.idx.msk $0xffff, v1  }
0x49e: {  	v11 =	vand.u32 $0x7F, v21;
	v21 =	vand.u32 $0xFFFFFC00, v2;
	v2 =	vshll.u32 v25, $0x3;
	v29 =	vld [tilespmem:s11+$0x40];
	[tilespmem:v10+s8+$0x0] =	vst.idx.msk $0xffff, v1  }
0x49f: {  	s12 =	simm.s32 $0x700;
	v10 =	vand.u32 $0x7F, v22;
	v22 =	vand.u32 $0xFFFFFC00, v2;
	v2 =	vshll.u32 v23, $0x3;
	v30 =	vld [tilespmem:s11+$0x50];
	[tilespmem:v18+s8+$0x0] =	vst.idx.msk $0xffff, v1  }
0x4a0: {  	v18 =	vand.u32 $0x7F, v24;
	v24 =	vand.u32 $0xFFFFFC00, v2;
	v2 =	vshll.u32 v26, $0x3;
	v31 =	vld [tilespmem:s11+$0x60];
	[tilespmem:v9+s8+$0x0] =	vst.idx.msk $0xffff, v1  }
0x4a1: {  	v25 =	vand.u32 $0x7F, v25;
	v9 =	vld [tilespmem:s11+$0xFFFFFC00];
	v32 =	vand.u32 $0xFFFFFC00, v2;
	v2 =	vshll.u32 v27, $0x3;
	[tilespmem:v8+s8+$0x0] =	vst.idx.msk $0xffff, v1  }
0x4a2: {  	v8 =	vand.u32 $0x7F, v23;
	v23 =	vand.u32 $0xFFFFFC00, v2;
	v2 =	vshll.u32 v28, $0x3;
	[tilespmem:v7+s8+$0x0] =	vst.idx.msk $0xffff, v1  }
0x4a3: {  	v7 =	vand.u32 $0x7F, v26;
	v26 =	vand.u32 $0xFFFFFC00, v2;
	v2 =	vshll.u32 v29, $0x3;
	[tilespmem:v6+s8+$0x0] =	vst.idx.msk $0xffff, v1  }
0x4a4: {  	v6 =	vand.u32 $0x7F, v27;
	v27 =	vand.u32 $0xFFFFFC00, v2;
	v2 =	vshll.u32 v30, $0x3;
	[tilespmem:v5+s8+$0x0] =	vst.idx.msk $0xffff, v1  }
0x4a5: {  	v5 =	vand.u32 $0x7F, v28;
	v28 =	vand.u32 $0xFFFFFC00, v2;
	v2 =	vshll.u32 v31, $0x3;
	[tilespmem:v4+s8+$0x0] =	vst.idx.msk $0xffff, v1  }
0x4a6: {  	v4 =	vand.u32 $0x7F, v9;
	v9 =	vshll.u32 v9, $0x3;
	v2 =	vand.u32 $0xFFFFFC00, v2;
	[tilespmem:v16+s8+$0x0] =	vst.idx.msk $0xffff, v1  }
0x4a7: {  	v29 =	vand.u32 $0x7F, v29;
	v30 =	vand.u32 $0x7F, v30;
	v9 =	vand.u32 $0xFFFFFC00, v9  }
.Ltmp21:
0x4a8: {  	v17 =	vor.u32 v17, v3;
	v3 =	vand.u32 $0x7F, v31;
	v16 =	vor.u32 v9, v4;
	(pc) =	sbr.rel @p0 .LBB2_44-.Ltmp21, $4  }
0x4a9: {  	v13 =	vor.u32 v13, v15;
	v14 =	vor.u32 v14, v12;
	v15 =	vor.u32 v19, v11  }
0x4aa: {  	v12 =	vor.u32 v20, v10;
	v11 =	vor.u32 v21, v18;
	v10 =	vor.u32 v22, v25  }
0x4ab: {  	v9 =	vor.u32 v24, v8;
	v8 =	vor.u32 v32, v7;
	v7 =	vor.u32 v23, v6  }
0x4ac: {  	s11 =	sadd.s32 $0x800, s11;
	v6 =	vor.u32 v26, v5;
	v5 =	vor.u32 v27, v29;
	v4 =	vor.u32 v28, v30  }
0x4ad: {  	v16 =	vor.u32 $0x280, v16  }
0x4ae: {  	v17 =	vor.u32 $0x280, v17  }
0x4af: {  	v13 =	vor.u32 $0x280, v13  }
0x4b0: {  	v14 =	vor.u32 $0x280, v14  }
0x4b1: {  	v15 =	vor.u32 $0x280, v15  }
0x4b2: {  	v12 =	vor.u32 $0x280, v12;
	[tilespmem:v16+s8+$0x0] =	vst.idx.msk $0xffff, v1  }
0x4b3: {  	v11 =	vor.u32 $0x280, v11;
	[tilespmem:v17+s8+$0x0] =	vst.idx.msk $0xffff, v1  }
0x4b4: {  	v10 =	vor.u32 $0x280, v10;
	[tilespmem:v13+s8+$0x0] =	vst.idx.msk $0xffff, v1  }
0x4b5: {  	v9 =	vor.u32 $0x280, v9;
	[tilespmem:v14+s8+$0x0] =	vst.idx.msk $0xffff, v1  }
0x4b6: {  	v8 =	vor.u32 $0x280, v8;
	[tilespmem:v15+s8+$0x0] =	vst.idx.msk $0xffff, v1  }
0x4b7: {  	v7 =	vor.u32 $0x280, v7;
	[tilespmem:v12+s8+$0x0] =	vst.idx.msk $0xffff, v1  }
0x4b8: {  	v6 =	vor.u32 $0x280, v6;
	[tilespmem:v11+s8+$0x0] =	vst.idx.msk $0xffff, v1  }
0x4b9: {  	v5 =	vor.u32 $0x280, v5;
	[tilespmem:v10+s8+$0x0] =	vst.idx.msk $0xffff, v1  }
0x4ba: {  	v2 =	vor.u32 v2, v3;
	v3 =	vor.u32 $0x280, v4;
	[tilespmem:v9+s8+$0x0] =	vst.idx.msk $0xffff, v1  }
0x4bb: {  	v2 =	vor.u32 $0x280, v2;
	[tilespmem:v8+s8+$0x0] =	vst.idx.msk $0xffff, v1  }
0x4bc: {  	[tilespmem:v7+s8+$0x0] =	vst.idx.msk $0xffff, v1  }
0x4bd: {  	[tilespmem:v6+s8+$0x0] =	vst.idx.msk $0xffff, v1  }
0x4be: {  	[tilespmem:v5+s8+$0x0] =	vst.idx.msk $0xffff, v1  }
0x4bf: {  	[tilespmem:v3+s8+$0x0] =	vst.idx.msk $0xffff, v1  }
0x4c0: {  	[tilespmem:v2+s8+$0x0] =	vst.idx.msk $0xffff, v1  }
0x4c1: {  	v2 =	vld [tilespmem:s12+$0x70]  }
0x4c2: {  	v3 =	vld [tilespmem:s12+$0xFFFFFC10]  }
0x4c3: {  	v4 =	vld [tilespmem:s12+$0xFFFFFC20]  }
0x4c4: {  	v12 =	vld [tilespmem:s12+$0xFFFFFC70]  }
0x4c5: {  	v13 =	vld [tilespmem:s12+$0x0]  }
0x4c6: {  	v15 =	vld [tilespmem:s12+$0x10]  }
0x4c7: {  	v16 =	vld [tilespmem:s12+$0x20]  }
0x4c8: {  	v17 =	vld [tilespmem:s12+$0x30]  }
0x4c9: {  	v5 =	vld [tilespmem:s12+$0xFFFFFC30];
	v8 =	vshll.u32 v2, $0x3  }
0x4ca: {  	v6 =	vld [tilespmem:s12+$0xFFFFFC40];
	v9 =	vshll.u32 v3, $0x3;
	v2 =	vand.u32 $0x7F, v2;
	v11 =	vshll.u32 v4, $0x3  }
0x4cb: {  	v7 =	vld [tilespmem:s12+$0xFFFFFC50];
	v3 =	vand.u32 $0x7F, v3;
	v4 =	vand.u32 $0x7F, v4;
	v27 =	vand.u32 $0x7F, v12  }
0x4cc: {  	v10 =	vld [tilespmem:s12+$0xFFFFFC60];
	v29 =	vand.u32 $0x7F, v13;
	v31 =	vand.u32 $0x7F, v15;
	v33 =	vand.u32 $0x7F, v16  }
0x4cd: {  	v35 =	vand.u32 $0x7F, v17;
	v8 =	vand.u32 $0xFFFFFC00, v8;
	v9 =	vand.u32 $0xFFFFFC00, v9  }
0x4ce: {  	v2 =	vor.u32 v8, v2;
	v8 =	vand.u32 $0xFFFFFC00, v11;
	v11 =	vshll.u32 v5, $0x3  }
0x4cf: {  	v26 =	vld [tilespmem:s12+$0xFFFFFC00];
	v5 =	vand.u32 $0x7F, v5;
	v14 =	vor.u32 $0x300, v2;
	v2 =	vshll.u32 v6, $0x3  }
0x4d0: {  	v11 =	vand.u32 $0xFFFFFC00, v11;
	v18 =	vand.u32 $0xFFFFFC00, v2;
	v2 =	vshll.u32 v7, $0x3  }
0x4d1: {  	v6 =	vand.u32 $0x7F, v6;
	v19 =	vand.u32 $0xFFFFFC00, v2;
	v2 =	vshll.u32 v10, $0x3  }
0x4d2: {  	v7 =	vand.u32 $0x7F, v7;
	v20 =	vand.u32 $0xFFFFFC00, v2;
	v2 =	vshll.u32 v12, $0x3  }
0x4d3: {  	v10 =	vand.u32 $0x7F, v10;
	v22 =	vand.u32 $0xFFFFFC00, v2;
	v2 =	vshll.u32 v13, $0x3  }
0x4d4: {  	v25 =	vld [tilespmem:s12+$0x60];
	v12 =	vand.u32 $0x7F, v26;
	v13 =	vshll.u32 v26, $0x3;
	v24 =	vand.u32 $0xFFFFFC00, v2  }
0x4d5: {  	v2 =	vshll.u32 v15, $0x3;
	v13 =	vand.u32 $0xFFFFFC00, v13;
	[tilespmem:v14+s8+$0x0] =	vst.idx.msk $0xffff, v1;
	v14 =	vor.u32 v11, v5  }
0x4d6: {  	v21 =	vld [tilespmem:s12+$0x40];
	v15 =	vor.u32 v18, v6;
	v11 =	vor.u32 v20, v10;
	v10 =	vor.u32 v22, v27  }
0x4d7: {  	v23 =	vld [tilespmem:s12+$0x50];
	v28 =	vand.u32 $0xFFFFFC00, v2;
	v2 =	vshll.u32 v16, $0x3;
	v16 =	vor.u32 v13, v12  }
0x4d8: {  	v13 =	vor.u32 v8, v4;
	v12 =	vor.u32 v19, v7;
	v30 =	vand.u32 $0xFFFFFC00, v2  }
0x4d9: {  	v2 =	vshll.u32 v17, $0x3;
	v17 =	vor.u32 v9, v3;
	v3 =	vand.u32 $0x7F, v25  }
0x4da: {  	v9 =	vor.u32 v24, v29;
	v8 =	vor.u32 v28, v31;
	v32 =	vand.u32 $0xFFFFFC00, v2  }
0x4db: {  	v2 =	vshll.u32 v21, $0x3;
	v21 =	vand.u32 $0x7F, v21;
	v7 =	vor.u32 v30, v33  }
0x4dc: {  	v34 =	vand.u32 $0xFFFFFC00, v2;
	v2 =	vshll.u32 v23, $0x3;
	v23 =	vand.u32 $0x7F, v23  }
0x4dd: {  	v6 =	vor.u32 v32, v35;
	v36 =	vand.u32 $0xFFFFFC00, v2;
	v2 =	vshll.u32 v25, $0x3  }
0x4de: {  	s10 =	simm.s32 $0x0;
	s11 =	simm.s32 $0xF00;
	v5 =	vor.u32 v34, v21;
	v2 =	vand.u32 $0xFFFFFC00, v2;
	v4 =	vor.u32 v36, v23  }
.LBB2_46:
0x4df: {  	v18 =	vld [tilespmem:s11+$0x70];
	s10 =	sadd.s32 $0x100, s10;
	v16 =	vor.u32 $0x300, v16;
	v17 =	vor.u32 $0x300, v17;
	v2 =	vor.u32 v2, v3  }
0x4e0: {  	v13 =	vor.u32 $0x300, v13;
	v14 =	vor.u32 $0x300, v14;
	v15 =	vor.u32 $0x300, v15;
	v3 =	vld [tilespmem:s11+$0xFFFFFC10];
	p0 =	slt.u32 s10, $0x1F00  }
0x4e1: {  	v12 =	vor.u32 $0x300, v12;
	v11 =	vor.u32 $0x300, v11;
	v10 =	vor.u32 $0x300, v10;
	v19 =	vld [tilespmem:s11+$0xFFFFFC20]  }
0x4e2: {  	v9 =	vor.u32 $0x300, v9;
	v8 =	vor.u32 $0x300, v8;
	v7 =	vor.u32 $0x300, v7;
	v20 =	vld [tilespmem:s11+$0xFFFFFC30]  }
0x4e3: {  	v6 =	vor.u32 $0x300, v6;
	v5 =	vor.u32 $0x300, v5;
	v4 =	vor.u32 $0x300, v4;
	v21 =	vld [tilespmem:s11+$0xFFFFFC40]  }
0x4e4: {  	v22 =	vld [tilespmem:s11+$0xFFFFFC50];
	v23 =	vshll.u32 v18, $0x3;
	[tilespmem:v16+s8+$0x0] =	vst.idx.msk $0xffff, v1;
	v16 =	vor.u32 $0x300, v2  }
0x4e5: {  	v18 =	vand.u32 $0x7F, v18;
	v2 =	vshll.u32 v3, $0x3;
	v24 =	vld [tilespmem:s11+$0xFFFFFC60];
	v23 =	vand.u32 $0xFFFFFC00, v23;
	[tilespmem:v17+s8+$0x0] =	vst.idx.msk $0xffff, v1  }
0x4e6: {  	v17 =	vand.u32 $0xFFFFFC00, v2;
	v2 =	vshll.u32 v19, $0x3;
	v25 =	vld [tilespmem:s11+$0xFFFFFC70];
	v18 =	vor.u32 v23, v18;
	[tilespmem:v13+s8+$0x0] =	vst.idx.msk $0xffff, v1  }
0x4e7: {  	v13 =	vand.u32 $0xFFFFFC00, v2;
	v2 =	vshll.u32 v20, $0x3;
	v23 =	vld [tilespmem:s11+$0x0];
	v18 =	vor.u32 $0x300, v18;
	[tilespmem:v14+s8+$0x0] =	vst.idx.msk $0xffff, v1  }
0x4e8: {  	v3 =	vand.u32 $0x7F, v3;
	v14 =	vand.u32 $0xFFFFFC00, v2;
	v2 =	vshll.u32 v21, $0x3;
	v26 =	vld [tilespmem:s11+$0x10];
	[tilespmem:v15+s8+$0x0] =	vst.idx.msk $0xffff, v1  }
0x4e9: {  	v15 =	vand.u32 $0x7F, v19;
	v19 =	vand.u32 $0xFFFFFC00, v2;
	v2 =	vshll.u32 v22, $0x3;
	v27 =	vld [tilespmem:s11+$0x20];
	[tilespmem:v12+s8+$0x0] =	vst.idx.msk $0xffff, v1  }
0x4ea: {  	v12 =	vand.u32 $0x7F, v20;
	v20 =	vand.u32 $0xFFFFFC00, v2;
	v2 =	vshll.u32 v24, $0x3;
	v28 =	vld [tilespmem:s11+$0x30];
	[tilespmem:v11+s8+$0x0] =	vst.idx.msk $0xffff, v1  }
0x4eb: {  	v11 =	vand.u32 $0x7F, v21;
	v21 =	vand.u32 $0xFFFFFC00, v2;
	v2 =	vshll.u32 v25, $0x3;
	v29 =	vld [tilespmem:s11+$0x40];
	[tilespmem:v10+s8+$0x0] =	vst.idx.msk $0xffff, v1  }
0x4ec: {  	s12 =	simm.s32 $0x780;
	v10 =	vand.u32 $0x7F, v22;
	v22 =	vand.u32 $0xFFFFFC00, v2;
	v2 =	vshll.u32 v23, $0x3;
	v30 =	vld [tilespmem:s11+$0x50];
	[tilespmem:v18+s8+$0x0] =	vst.idx.msk $0xffff, v1  }
0x4ed: {  	v18 =	vand.u32 $0x7F, v24;
	v24 =	vand.u32 $0xFFFFFC00, v2;
	v2 =	vshll.u32 v26, $0x3;
	v31 =	vld [tilespmem:s11+$0x60];
	[tilespmem:v9+s8+$0x0] =	vst.idx.msk $0xffff, v1  }
0x4ee: {  	v25 =	vand.u32 $0x7F, v25;
	v9 =	vld [tilespmem:s11+$0xFFFFFC00];
	v32 =	vand.u32 $0xFFFFFC00, v2;
	v2 =	vshll.u32 v27, $0x3;
	[tilespmem:v8+s8+$0x0] =	vst.idx.msk $0xffff, v1  }
0x4ef: {  	v8 =	vand.u32 $0x7F, v23;
	v23 =	vand.u32 $0xFFFFFC00, v2;
	v2 =	vshll.u32 v28, $0x3;
	[tilespmem:v7+s8+$0x0] =	vst.idx.msk $0xffff, v1  }
0x4f0: {  	v7 =	vand.u32 $0x7F, v26;
	v26 =	vand.u32 $0xFFFFFC00, v2;
	v2 =	vshll.u32 v29, $0x3;
	[tilespmem:v6+s8+$0x0] =	vst.idx.msk $0xffff, v1  }
0x4f1: {  	v6 =	vand.u32 $0x7F, v27;
	v27 =	vand.u32 $0xFFFFFC00, v2;
	v2 =	vshll.u32 v30, $0x3;
	[tilespmem:v5+s8+$0x0] =	vst.idx.msk $0xffff, v1  }
0x4f2: {  	v5 =	vand.u32 $0x7F, v28;
	v28 =	vand.u32 $0xFFFFFC00, v2;
	v2 =	vshll.u32 v31, $0x3;
	[tilespmem:v4+s8+$0x0] =	vst.idx.msk $0xffff, v1  }
0x4f3: {  	v4 =	vand.u32 $0x7F, v9;
	v9 =	vshll.u32 v9, $0x3;
	v2 =	vand.u32 $0xFFFFFC00, v2;
	[tilespmem:v16+s8+$0x0] =	vst.idx.msk $0xffff, v1  }
0x4f4: {  	v29 =	vand.u32 $0x7F, v29;
	v30 =	vand.u32 $0x7F, v30;
	v9 =	vand.u32 $0xFFFFFC00, v9  }
.Ltmp22:
0x4f5: {  	v17 =	vor.u32 v17, v3;
	v3 =	vand.u32 $0x7F, v31;
	v16 =	vor.u32 v9, v4;
	(pc) =	sbr.rel @p0 .LBB2_46-.Ltmp22, $4  }
0x4f6: {  	v13 =	vor.u32 v13, v15;
	v14 =	vor.u32 v14, v12;
	v15 =	vor.u32 v19, v11  }
0x4f7: {  	v12 =	vor.u32 v20, v10;
	v11 =	vor.u32 v21, v18;
	v10 =	vor.u32 v22, v25  }
0x4f8: {  	v9 =	vor.u32 v24, v8;
	v8 =	vor.u32 v32, v7;
	v7 =	vor.u32 v23, v6  }
0x4f9: {  	s11 =	sadd.s32 $0x800, s11;
	v6 =	vor.u32 v26, v5;
	v5 =	vor.u32 v27, v29;
	v4 =	vor.u32 v28, v30  }
0x4fa: {  	v16 =	vor.u32 $0x300, v16  }
0x4fb: {  	v17 =	vor.u32 $0x300, v17  }
0x4fc: {  	v13 =	vor.u32 $0x300, v13  }
0x4fd: {  	v14 =	vor.u32 $0x300, v14  }
0x4fe: {  	v15 =	vor.u32 $0x300, v15  }
0x4ff: {  	v12 =	vor.u32 $0x300, v12;
	[tilespmem:v16+s8+$0x0] =	vst.idx.msk $0xffff, v1  }
0x500: {  	v11 =	vor.u32 $0x300, v11;
	[tilespmem:v17+s8+$0x0] =	vst.idx.msk $0xffff, v1  }
0x501: {  	v10 =	vor.u32 $0x300, v10;
	[tilespmem:v13+s8+$0x0] =	vst.idx.msk $0xffff, v1  }
0x502: {  	v9 =	vor.u32 $0x300, v9;
	[tilespmem:v14+s8+$0x0] =	vst.idx.msk $0xffff, v1  }
0x503: {  	v8 =	vor.u32 $0x300, v8;
	[tilespmem:v15+s8+$0x0] =	vst.idx.msk $0xffff, v1  }
0x504: {  	v7 =	vor.u32 $0x300, v7;
	[tilespmem:v12+s8+$0x0] =	vst.idx.msk $0xffff, v1  }
0x505: {  	v6 =	vor.u32 $0x300, v6;
	[tilespmem:v11+s8+$0x0] =	vst.idx.msk $0xffff, v1  }
0x506: {  	v5 =	vor.u32 $0x300, v5;
	[tilespmem:v10+s8+$0x0] =	vst.idx.msk $0xffff, v1  }
0x507: {  	v2 =	vor.u32 v2, v3;
	v3 =	vor.u32 $0x300, v4;
	[tilespmem:v9+s8+$0x0] =	vst.idx.msk $0xffff, v1  }
0x508: {  	v2 =	vor.u32 $0x300, v2;
	[tilespmem:v8+s8+$0x0] =	vst.idx.msk $0xffff, v1  }
0x509: {  	[tilespmem:v7+s8+$0x0] =	vst.idx.msk $0xffff, v1  }
0x50a: {  	[tilespmem:v6+s8+$0x0] =	vst.idx.msk $0xffff, v1  }
0x50b: {  	[tilespmem:v5+s8+$0x0] =	vst.idx.msk $0xffff, v1  }
0x50c: {  	[tilespmem:v3+s8+$0x0] =	vst.idx.msk $0xffff, v1  }
0x50d: {  	[tilespmem:v2+s8+$0x0] =	vst.idx.msk $0xffff, v1  }
0x50e: {  	v2 =	vld [tilespmem:s12+$0x70]  }
0x50f: {  	v3 =	vld [tilespmem:s12+$0xFFFFFC10]  }
0x510: {  	v4 =	vld [tilespmem:s12+$0xFFFFFC20]  }
0x511: {  	v12 =	vld [tilespmem:s12+$0xFFFFFC70]  }
0x512: {  	v13 =	vld [tilespmem:s12+$0x0]  }
0x513: {  	v15 =	vld [tilespmem:s12+$0x10]  }
0x514: {  	v16 =	vld [tilespmem:s12+$0x20]  }
0x515: {  	v17 =	vld [tilespmem:s12+$0x30]  }
0x516: {  	v5 =	vld [tilespmem:s12+$0xFFFFFC30];
	v8 =	vshll.u32 v2, $0x3  }
0x517: {  	v6 =	vld [tilespmem:s12+$0xFFFFFC40];
	v9 =	vshll.u32 v3, $0x3;
	v2 =	vand.u32 $0x7F, v2;
	v11 =	vshll.u32 v4, $0x3  }
0x518: {  	v7 =	vld [tilespmem:s12+$0xFFFFFC50];
	v3 =	vand.u32 $0x7F, v3;
	v4 =	vand.u32 $0x7F, v4;
	v27 =	vand.u32 $0x7F, v12  }
0x519: {  	v10 =	vld [tilespmem:s12+$0xFFFFFC60];
	v29 =	vand.u32 $0x7F, v13;
	v31 =	vand.u32 $0x7F, v15;
	v33 =	vand.u32 $0x7F, v16  }
0x51a: {  	v35 =	vand.u32 $0x7F, v17;
	v8 =	vand.u32 $0xFFFFFC00, v8;
	v9 =	vand.u32 $0xFFFFFC00, v9  }
0x51b: {  	v2 =	vor.u32 v8, v2;
	v8 =	vand.u32 $0xFFFFFC00, v11;
	v11 =	vshll.u32 v5, $0x3  }
0x51c: {  	v26 =	vld [tilespmem:s12+$0xFFFFFC00];
	v5 =	vand.u32 $0x7F, v5;
	v14 =	vor.u32 $0x380, v2;
	v2 =	vshll.u32 v6, $0x3  }
0x51d: {  	v11 =	vand.u32 $0xFFFFFC00, v11;
	v18 =	vand.u32 $0xFFFFFC00, v2;
	v2 =	vshll.u32 v7, $0x3  }
0x51e: {  	v6 =	vand.u32 $0x7F, v6;
	v19 =	vand.u32 $0xFFFFFC00, v2;
	v2 =	vshll.u32 v10, $0x3  }
0x51f: {  	v7 =	vand.u32 $0x7F, v7;
	v20 =	vand.u32 $0xFFFFFC00, v2;
	v2 =	vshll.u32 v12, $0x3  }
0x520: {  	v10 =	vand.u32 $0x7F, v10;
	v22 =	vand.u32 $0xFFFFFC00, v2;
	v2 =	vshll.u32 v13, $0x3  }
0x521: {  	v25 =	vld [tilespmem:s12+$0x60];
	v12 =	vand.u32 $0x7F, v26;
	v13 =	vshll.u32 v26, $0x3;
	v24 =	vand.u32 $0xFFFFFC00, v2  }
0x522: {  	v2 =	vshll.u32 v15, $0x3;
	v13 =	vand.u32 $0xFFFFFC00, v13;
	[tilespmem:v14+s8+$0x0] =	vst.idx.msk $0xffff, v1;
	v14 =	vor.u32 v11, v5  }
0x523: {  	v21 =	vld [tilespmem:s12+$0x40];
	v15 =	vor.u32 v18, v6;
	v11 =	vor.u32 v20, v10;
	v10 =	vor.u32 v22, v27  }
0x524: {  	v23 =	vld [tilespmem:s12+$0x50];
	v28 =	vand.u32 $0xFFFFFC00, v2;
	v2 =	vshll.u32 v16, $0x3;
	v16 =	vor.u32 v13, v12  }
0x525: {  	v13 =	vor.u32 v8, v4;
	v12 =	vor.u32 v19, v7;
	v30 =	vand.u32 $0xFFFFFC00, v2  }
0x526: {  	v2 =	vshll.u32 v17, $0x3;
	v17 =	vor.u32 v9, v3;
	v3 =	vand.u32 $0x7F, v25  }
0x527: {  	v9 =	vor.u32 v24, v29;
	v8 =	vor.u32 v28, v31;
	v32 =	vand.u32 $0xFFFFFC00, v2  }
0x528: {  	v2 =	vshll.u32 v21, $0x3;
	v21 =	vand.u32 $0x7F, v21;
	v7 =	vor.u32 v30, v33  }
0x529: {  	v34 =	vand.u32 $0xFFFFFC00, v2;
	v2 =	vshll.u32 v23, $0x3;
	v23 =	vand.u32 $0x7F, v23  }
0x52a: {  	v6 =	vor.u32 v32, v35;
	v36 =	vand.u32 $0xFFFFFC00, v2;
	v2 =	vshll.u32 v25, $0x3  }
0x52b: {  	s10 =	simm.s32 $0x0;
	s11 =	simm.s32 $0xF80;
	v5 =	vor.u32 v34, v21;
	v2 =	vand.u32 $0xFFFFFC00, v2;
	v4 =	vor.u32 v36, v23  }
.LBB2_48:
0x52c: {  	v18 =	vld [tilespmem:s11+$0x70];
	s10 =	sadd.s32 $0x100, s10;
	v16 =	vor.u32 $0x380, v16;
	v17 =	vor.u32 $0x380, v17;
	v2 =	vor.u32 v2, v3  }
0x52d: {  	v13 =	vor.u32 $0x380, v13;
	v14 =	vor.u32 $0x380, v14;
	v15 =	vor.u32 $0x380, v15;
	v3 =	vld [tilespmem:s11+$0xFFFFFC10];
	p0 =	slt.u32 s10, $0x1F00  }
0x52e: {  	v12 =	vor.u32 $0x380, v12;
	v11 =	vor.u32 $0x380, v11;
	v10 =	vor.u32 $0x380, v10;
	v19 =	vld [tilespmem:s11+$0xFFFFFC20]  }
0x52f: {  	v9 =	vor.u32 $0x380, v9;
	v8 =	vor.u32 $0x380, v8;
	v7 =	vor.u32 $0x380, v7;
	v20 =	vld [tilespmem:s11+$0xFFFFFC30]  }
0x530: {  	v6 =	vor.u32 $0x380, v6;
	v5 =	vor.u32 $0x380, v5;
	v4 =	vor.u32 $0x380, v4;
	v21 =	vld [tilespmem:s11+$0xFFFFFC40]  }
0x531: {  	v22 =	vld [tilespmem:s11+$0xFFFFFC50];
	v23 =	vshll.u32 v18, $0x3;
	[tilespmem:v16+s8+$0x0] =	vst.idx.msk $0xffff, v1;
	v16 =	vor.u32 $0x380, v2  }
0x532: {  	v18 =	vand.u32 $0x7F, v18;
	v2 =	vshll.u32 v3, $0x3;
	v24 =	vld [tilespmem:s11+$0xFFFFFC60];
	v23 =	vand.u32 $0xFFFFFC00, v23;
	[tilespmem:v17+s8+$0x0] =	vst.idx.msk $0xffff, v1  }
0x533: {  	v17 =	vand.u32 $0xFFFFFC00, v2;
	v2 =	vshll.u32 v19, $0x3;
	v25 =	vld [tilespmem:s11+$0xFFFFFC70];
	v18 =	vor.u32 v23, v18;
	[tilespmem:v13+s8+$0x0] =	vst.idx.msk $0xffff, v1  }
0x534: {  	v13 =	vand.u32 $0xFFFFFC00, v2;
	v2 =	vshll.u32 v20, $0x3;
	v23 =	vld [tilespmem:s11+$0x0];
	v18 =	vor.u32 $0x380, v18;
	[tilespmem:v14+s8+$0x0] =	vst.idx.msk $0xffff, v1  }
0x535: {  	v3 =	vand.u32 $0x7F, v3;
	v14 =	vand.u32 $0xFFFFFC00, v2;
	v2 =	vshll.u32 v21, $0x3;
	v26 =	vld [tilespmem:s11+$0x10];
	[tilespmem:v15+s8+$0x0] =	vst.idx.msk $0xffff, v1  }
0x536: {  	v15 =	vand.u32 $0x7F, v19;
	v19 =	vand.u32 $0xFFFFFC00, v2;
	v2 =	vshll.u32 v22, $0x3;
	v27 =	vld [tilespmem:s11+$0x20];
	[tilespmem:v12+s8+$0x0] =	vst.idx.msk $0xffff, v1  }
0x537: {  	v12 =	vand.u32 $0x7F, v20;
	v20 =	vand.u32 $0xFFFFFC00, v2;
	v2 =	vshll.u32 v24, $0x3;
	v28 =	vld [tilespmem:s11+$0x30];
	[tilespmem:v11+s8+$0x0] =	vst.idx.msk $0xffff, v1  }
0x538: {  	v11 =	vand.u32 $0x7F, v21;
	v21 =	vand.u32 $0xFFFFFC00, v2;
	v2 =	vshll.u32 v25, $0x3;
	v29 =	vld [tilespmem:s11+$0x40];
	[tilespmem:v10+s8+$0x0] =	vst.idx.msk $0xffff, v1  }
0x539: {  	v10 =	vand.u32 $0x7F, v22;
	v22 =	vand.u32 $0xFFFFFC00, v2;
	v2 =	vshll.u32 v23, $0x3;
	v30 =	vld [tilespmem:s11+$0x50];
	[tilespmem:v18+s8+$0x0] =	vst.idx.msk $0xffff, v1  }
0x53a: {  	v18 =	vand.u32 $0x7F, v24;
	v24 =	vand.u32 $0xFFFFFC00, v2;
	v2 =	vshll.u32 v26, $0x3;
	v31 =	vld [tilespmem:s11+$0x60];
	[tilespmem:v9+s8+$0x0] =	vst.idx.msk $0xffff, v1  }
0x53b: {  	v25 =	vand.u32 $0x7F, v25;
	v9 =	vld [tilespmem:s11+$0xFFFFFC00];
	v32 =	vand.u32 $0xFFFFFC00, v2;
	v2 =	vshll.u32 v27, $0x3;
	[tilespmem:v8+s8+$0x0] =	vst.idx.msk $0xffff, v1  }
0x53c: {  	v8 =	vand.u32 $0x7F, v23;
	v23 =	vand.u32 $0xFFFFFC00, v2;
	v2 =	vshll.u32 v28, $0x3;
	[tilespmem:v7+s8+$0x0] =	vst.idx.msk $0xffff, v1  }
0x53d: {  	v7 =	vand.u32 $0x7F, v26;
	v26 =	vand.u32 $0xFFFFFC00, v2;
	v2 =	vshll.u32 v29, $0x3;
	[tilespmem:v6+s8+$0x0] =	vst.idx.msk $0xffff, v1  }
0x53e: {  	v6 =	vand.u32 $0x7F, v27;
	v27 =	vand.u32 $0xFFFFFC00, v2;
	v2 =	vshll.u32 v30, $0x3;
	[tilespmem:v5+s8+$0x0] =	vst.idx.msk $0xffff, v1  }
0x53f: {  	v5 =	vand.u32 $0x7F, v28;
	v28 =	vand.u32 $0xFFFFFC00, v2;
	v2 =	vshll.u32 v31, $0x3;
	[tilespmem:v4+s8+$0x0] =	vst.idx.msk $0xffff, v1  }
0x540: {  	v4 =	vand.u32 $0x7F, v9;
	v9 =	vshll.u32 v9, $0x3;
	v2 =	vand.u32 $0xFFFFFC00, v2;
	[tilespmem:v16+s8+$0x0] =	vst.idx.msk $0xffff, v1  }
0x541: {  	v29 =	vand.u32 $0x7F, v29;
	v30 =	vand.u32 $0x7F, v30;
	v9 =	vand.u32 $0xFFFFFC00, v9  }
.Ltmp23:
0x542: {  	v17 =	vor.u32 v17, v3;
	v3 =	vand.u32 $0x7F, v31;
	v16 =	vor.u32 v9, v4;
	(pc) =	sbr.rel @p0 .LBB2_48-.Ltmp23, $4  }
0x543: {  	v13 =	vor.u32 v13, v15;
	v14 =	vor.u32 v14, v12;
	v15 =	vor.u32 v19, v11  }
0x544: {  	v12 =	vor.u32 v20, v10;
	v11 =	vor.u32 v21, v18;
	v10 =	vor.u32 v22, v25  }
0x545: {  	v9 =	vor.u32 v24, v8;
	v8 =	vor.u32 v32, v7;
	v7 =	vor.u32 v23, v6  }
0x546: {  	s11 =	sadd.s32 $0x800, s11;
	v6 =	vor.u32 v26, v5;
	v5 =	vor.u32 v27, v29;
	v4 =	vor.u32 v28, v30  }
0x547: {  	v16 =	vor.u32 $0x380, v16  }
0x548: {  	v17 =	vor.u32 $0x380, v17  }
0x549: {  	v13 =	vor.u32 $0x380, v13  }
0x54a: {  	v14 =	vor.u32 $0x380, v14  }
0x54b: {  	v15 =	vor.u32 $0x380, v15  }
0x54c: {  	v12 =	vor.u32 $0x380, v12;
	[tilespmem:v16+s8+$0x0] =	vst.idx.msk $0xffff, v1  }
0x54d: {  	v11 =	vor.u32 $0x380, v11;
	[tilespmem:v17+s8+$0x0] =	vst.idx.msk $0xffff, v1  }
0x54e: {  	v10 =	vor.u32 $0x380, v10;
	[tilespmem:v13+s8+$0x0] =	vst.idx.msk $0xffff, v1  }
0x54f: {  	v9 =	vor.u32 $0x380, v9;
	[tilespmem:v14+s8+$0x0] =	vst.idx.msk $0xffff, v1  }
0x550: {  	v8 =	vor.u32 $0x380, v8;
	[tilespmem:v15+s8+$0x0] =	vst.idx.msk $0xffff, v1  }
0x551: {  	v7 =	vor.u32 $0x380, v7;
	[tilespmem:v12+s8+$0x0] =	vst.idx.msk $0xffff, v1  }
0x552: {  	v6 =	vor.u32 $0x380, v6;
	[tilespmem:v11+s8+$0x0] =	vst.idx.msk $0xffff, v1  }
0x553: {  	v5 =	vor.u32 $0x380, v5;
	[tilespmem:v10+s8+$0x0] =	vst.idx.msk $0xffff, v1  }
0x554: {  	v2 =	vor.u32 v2, v3;
	v3 =	vor.u32 $0x380, v4;
	[tilespmem:v9+s8+$0x0] =	vst.idx.msk $0xffff, v1  }
0x555: {  	v2 =	vor.u32 $0x380, v2;
	[tilespmem:v8+s8+$0x0] =	vst.idx.msk $0xffff, v1  }
0x556: {  	[tilespmem:v7+s8+$0x0] =	vst.idx.msk $0xffff, v1  }
0x557: {  	[tilespmem:v6+s8+$0x0] =	vst.idx.msk $0xffff, v1  }
0x558: {  	s9 =	sadd.s32 $0x1, s9;
	[tilespmem:v5+s8+$0x0] =	vst.idx.msk $0xffff, v1  }
0x559: {  	p0 =	sne.s32 s9, s6;
	[tilespmem:v3+s8+$0x0] =	vst.idx.msk $0xffff, v1  }
.Ltmp24:
0x55a: {  	[tilespmem:v2+s8+$0x0] =	vst.idx.msk $0xffff, v1;
	(pc) =	sbr.rel @p0 .LBB2_1-.Ltmp24, $4  }
0x55b: {  	[hbm4b:s5+s2] =	stream.linear.scatter [tilespmem:s8], [sflag:$0x1], $0x2800, $0x38;
	[tilespmem:$0x12800] =	vst v63  }
0x55c: {  	_ =	swait.ge [sflag:s7], $0x2800  }
0x55d: {  	[sflag:s7] =	ssyncset.done $0x0  }
0x55e: {  	[sflag:s7] =	ssyncadd.s32 $0xFFFFD800  }
0x55f: {  	_ =	sfence.sel $0x180000  }
0x560: {  	[bflag:$0x0] =	sbarrier.arrive $0xFFFF  }
0x561: {  	p0 =	sne.s32 s0, $0x0;
	_ =	strace $0x90000047  }
0x562: {  	s0 =	sadd.s32 @!p0 $0x100000, s1;
	[bflag:$0x2] =	sbarrier.arrive $0xFFFF  }
0x563: {  	[sflag:s0] =	ssyncadd.tile.s32 @!p0 $0x1;
	_ =	shalt  }
.Lfunc_end2:
_tile_overlayer_lowered:
.L_overlay_start_2:
0x564: {  	(tag) =	ssettag $0x2  }
0x565: {  	s0 =	rddreg [dreg:$0x0];
	s2 =	stileid.u32  }
0x566: {  	s1 =	rddreg [dreg:$0x1];
	p0 =	sne.s32 s2, $0x0  }
0x567: {  	s3 =	rddreg [dreg:$0x2];
	[bflag:$0x3] =	sbarrier.arrive $0xFFFF;
	s2 =	simm.s32 @!p0 $0x1C01  }
0x568: {  	[timem:s3], [sflag:s2] =	dma.local @!p0 [hbm:s0], s1  }
0x569: {  	s0 =	simm.s32 @!p0 $0x1  }
0x56a: {  	_ =	swait.ge @!p0 [sflag:s0], s1  }
0x56b: {  	s1 =	ssub.s32 @!p0 $0x0, s1;
	[sflag:s0] =	ssyncset.done @!p0 $0x0  }
0x56c: {  	[sflag:s0] =	ssyncadd.s32 @!p0 s1  }
0x56d: {  	[bflag:$0x3] =	sbarrier.arrive $0xFFFF  }
0x56e: {  	_ =	shalt  }

</sc_bundles>
